<compile_context>
chip_gen: v7x
topology: tpu7x:2x2x1
jax: 0.10.2.dev20260603
libtpu: 0.0.44.dev20260713+nightly
codegen_flags: <defaults>
</compile_context>

<pallas_src>
import functools

import jax
import jax.numpy as jnp
from jax import lax
from jax.experimental import pallas as pl
from jax.experimental.pallas import tpu as pltpu
from jax.experimental.pallas import tpu_sc as plsc

_NC, _NS = 2, 16
_NW = _NC * _NS


def kernel(inputs, pos_embedding):
    B, seq_len = inputs.shape
    D = pos_embedding.shape[1]
    table = pos_embedding[:seq_len]
    rows_w = seq_len // _NW
    CH = 32
    nch = rows_w // CH
    mesh = plsc.VectorSubcoreMesh(
        core_axis_name="c", subcore_axis_name="s",
        num_cores=_NC, num_subcores=_NS)

    @functools.partial(
        pl.kernel,
        out_type=jax.ShapeDtypeStruct((B, seq_len, D), jnp.float32),
        mesh=mesh,
        scratch_types=[
            pltpu.VMEM((2, CH, D), jnp.float32),
            pltpu.SemaphoreType.DMA,
            pltpu.SemaphoreType.DMA,
        ],
    )
    def sc_copy(table_hbm, out_hbm, buf, in_sem, out_sem):
        wid = lax.axis_index("s") * _NC + lax.axis_index("c")
        base = wid * rows_w

        def gather(c):
            return pltpu.async_copy(
                table_hbm.at[pl.ds(base + c * CH, CH), :],
                buf.at[c % 2], in_sem)

        gathers = {0: gather(0)}
        prev_outs = []
        for c in range(nch):
            for o in prev_outs:
                o.wait()
            if c + 1 < nch:
                gathers[c + 1] = gather(c + 1)
            gathers[c].wait()
            prev_outs = [
                pltpu.async_copy(
                    buf.at[c % 2],
                    out_hbm.at[b, pl.ds(base + c * CH, CH), :],
                    out_sem)
                for b in range(B)
            ]
        for o in prev_outs:
            o.wait()

    return sc_copy(table)

# --- scband reference (transcript-rebuilt; emitter-appended) ---
"""Pipeline reference for scband-positional-encoding-26757646254365 (READ-ONLY COPY).

The authoritative reference and input builder live on the scoring server;
editing this copy changes nothing except your own understanding.
"""

import jax, jax.numpy as jnp
import numpy as np

D_MODEL = 1024
MAX_POS = 8192


def setup_inputs(seed: int = 0) -> dict:
    key = jax.random.key(seed)
    k1, k2 = jax.random.split(key)
    inputs = jax.random.randint(k1, (4, 8192), 0, 8192, dtype=jnp.int64) if jax.config.jax_enable_x64 else jax.random.randint(k1, (4, 8192), 0, 8192, dtype=jnp.int32)
    pos_embedding = jax.random.normal(k2, (MAX_POS, D_MODEL), dtype=jnp.float32)
    return {"inputs": inputs, "pos_embedding": pos_embedding}


def reference(inputs, pos_embedding):
    # seq_len taken from inputs; positions are arange expanded to inputs' shape
    seq_len = inputs.shape[1]
    pos = jnp.arange(seq_len, dtype=jnp.int32)
    pos = jnp.broadcast_to(pos[None, :], inputs.shape)
    # embedding lookup -> gather rows of the positional table
    return jnp.take(pos_embedding, pos, axis=0)

if __name__ == "__main__":
    import jax
    _d = setup_inputs()
    print(jax.jit(kernel)(*tuple(_d.values())))

</pallas_src>

<mosaic_0001>
#map = affine_map<(d0, d1) -> (0, 0)>
#map1 = affine_map<(d0, d1) -> (0, 0, 0)>
module attributes {stable_mosaic.version = 14 : i64} {
  func.func @sc_copy(%arg0: i32, %arg1: i32, %arg2: memref<8192x1024xf32, #tpu.memory_space<hbm>>, %arg3: memref<4x8192x1024xf32, #tpu.memory_space<hbm>>, %arg4: memref<2x32x1024xf32, #tpu.memory_space<vmem>>, %arg5: memref<!tpu.dma_semaphore, #tpu.memory_space<semaphore_mem>>, %arg6: memref<!tpu.dma_semaphore, #tpu.memory_space<semaphore_mem>>) attributes {dimension_semantics = [#tpu.dimension_semantics<core_parallel>, #tpu.dimension_semantics<subcore_parallel>], iteration_bounds = array<i64: 2, 16>, scalar_prefetch = 0 : i64, scratch_operands = 3 : i64, tpu.core_type = #tpu.core_type<sc_vector_subcore>, window_params = [{transform_indices = #map}, {transform_indices = #map1}]} {
    %mul3A = arith.constant 2 : i32
    %mul3A_0 = arith.muli %arg1, %mul3A : i32
    %add3A = arith.addi %mul3A_0, %arg0 : i32
    %mul3A_1 = arith.constant 256 : i32
    %mul3A_2 = arith.muli %add3A, %mul3A_1 : i32
    %add3A_3 = arith.constant 0 : i32
    %add3A_4 = arith.addi %mul3A_2, %add3A_3 : i32
    %dma_start3A = arith.constant 0 : i32
    %dma_start3A_5 = arith.constant 0 : i32
    %dma_start3A_6 = arith.constant 0 : i32
    %dma_start3A_7 = tpu.memref_slice %arg4[%dma_start3A, %dma_start3A_5, %dma_start3A_6] : memref<2x32x1024xf32, #tpu.memory_space<vmem>> -> memref<1x32x1024xf32, #tpu.memory_space<vmem>>
    %dma_start3A_8 = tpu.memref_squeeze %dma_start3A_7 : memref<1x32x1024xf32, #tpu.memory_space<vmem>> -> memref<32x1024xf32, #tpu.memory_space<vmem>>
    %dma_start3A_9 = arith.constant 0 : i32
    %dma_start3A_10 = tpu.memref_slice %arg2[%add3A_4, %dma_start3A_9] : memref<8192x1024xf32, #tpu.memory_space<hbm>> -> memref<32x1024xf32, #tpu.memory_space<hbm>>
    %dma_start3A_11 = arith.constant 0 : i32
    %dma_start3A_12 = arith.constant 0 : i32
    %dma_start3A_13 = tpu.memref_slice %arg4[%dma_start3A, %dma_start3A_11, %dma_start3A_12] : memref<2x32x1024xf32, #tpu.memory_space<vmem>> -> memref<1x32x1024xf32, #tpu.memory_space<vmem>>
    %dma_start3A_14 = tpu.memref_squeeze %dma_start3A_13 : memref<1x32x1024xf32, #tpu.memory_space<vmem>> -> memref<32x1024xf32, #tpu.memory_space<vmem>>
    %dma_start3A_15 = arith.constant 0 : i32
    %dma_start3A_16 = tpu.memref_slice %arg2[%add3A_4, %dma_start3A_15] : memref<8192x1024xf32, #tpu.memory_space<hbm>> -> memref<32x1024xf32, #tpu.memory_space<hbm>>
    tpu.enqueue_dma source(%dma_start3A_16 : memref<32x1024xf32, #tpu.memory_space<hbm>>) target(%dma_start3A_14 : memref<32x1024xf32, #tpu.memory_space<vmem>>) target_semaphore(%arg5 : memref<!tpu.dma_semaphore, #tpu.memory_space<semaphore_mem>>)
    %add3A_17 = arith.constant 32 : i32
    %add3A_18 = arith.addi %mul3A_2, %add3A_17 : i32
    %dma_start3A_19 = arith.constant 1 : i32
    %dma_start3A_20 = arith.constant 0 : i32
    %dma_start3A_21 = arith.constant 0 : i32
    %dma_start3A_22 = tpu.memref_slice %arg4[%dma_start3A_19, %dma_start3A_20, %dma_start3A_21] : memref<2x32x1024xf32, #tpu.memory_space<vmem>> -> memref<1x32x1024xf32, #tpu.memory_space<vmem>>
    %dma_start3A_23 = tpu.memref_squeeze %dma_start3A_22 : memref<1x32x1024xf32, #tpu.memory_space<vmem>> -> memref<32x1024xf32, #tpu.memory_space<vmem>>
    %dma_start3A_24 = arith.constant 0 : i32
    %dma_start3A_25 = tpu.memref_slice %arg2[%add3A_18, %dma_start3A_24] : memref<8192x1024xf32, #tpu.memory_space<hbm>> -> memref<32x1024xf32, #tpu.memory_space<hbm>>
    %dma_start3A_26 = arith.constant 0 : i32
    %dma_start3A_27 = arith.constant 0 : i32
    %dma_start3A_28 = tpu.memref_slice %arg4[%dma_start3A_19, %dma_start3A_26, %dma_start3A_27] : memref<2x32x1024xf32, #tpu.memory_space<vmem>> -> memref<1x32x1024xf32, #tpu.memory_space<vmem>>
    %dma_start3A_29 = tpu.memref_squeeze %dma_start3A_28 : memref<1x32x1024xf32, #tpu.memory_space<vmem>> -> memref<32x1024xf32, #tpu.memory_space<vmem>>
    %dma_start3A_30 = arith.constant 0 : i32
    %dma_start3A_31 = tpu.memref_slice %arg2[%add3A_18, %dma_start3A_30] : memref<8192x1024xf32, #tpu.memory_space<hbm>> -> memref<32x1024xf32, #tpu.memory_space<hbm>>
    tpu.enqueue_dma source(%dma_start3A_31 : memref<32x1024xf32, #tpu.memory_space<hbm>>) target(%dma_start3A_29 : memref<32x1024xf32, #tpu.memory_space<vmem>>) target_semaphore(%arg5 : memref<!tpu.dma_semaphore, #tpu.memory_space<semaphore_mem>>)
    %dma_wait3A = arith.constant 0 : i32
    %dma_wait3A_32 = arith.constant 0 : i32
    %dma_wait3A_33 = arith.constant 0 : i32
    %dma_wait3A_34 = tpu.memref_slice %arg4[%dma_wait3A, %dma_wait3A_32, %dma_wait3A_33] : memref<2x32x1024xf32, #tpu.memory_space<vmem>> -> memref<1x32x1024xf32, #tpu.memory_space<vmem>>
    %dma_wait3A_35 = tpu.memref_squeeze %dma_wait3A_34 : memref<1x32x1024xf32, #tpu.memory_space<vmem>> -> memref<32x1024xf32, #tpu.memory_space<vmem>>
    %dma_wait3A_36 = arith.constant 0 : i32
    %dma_wait3A_37 = tpu.memref_slice %arg2[%add3A_4, %dma_wait3A_36] : memref<8192x1024xf32, #tpu.memory_space<hbm>> -> memref<32x1024xf32, #tpu.memory_space<hbm>>
    %dma_wait3A_38 = arith.constant 0 : i32
    %dma_wait3A_39 = arith.constant 0 : i32
    %dma_wait3A_40 = tpu.memref_slice %arg4[%dma_wait3A, %dma_wait3A_38, %dma_wait3A_39] : memref<2x32x1024xf32, #tpu.memory_space<vmem>> -> memref<1x32x1024xf32, #tpu.memory_space<vmem>>
    %dma_wait3A_41 = tpu.memref_squeeze %dma_wait3A_40 : memref<1x32x1024xf32, #tpu.memory_space<vmem>> -> memref<32x1024xf32, #tpu.memory_space<vmem>>
    %dma_wait3A_42 = arith.constant 0 : i32
    %dma_wait3A_43 = tpu.memref_slice %arg2[%add3A_4, %dma_wait3A_42] : memref<8192x1024xf32, #tpu.memory_space<hbm>> -> memref<32x1024xf32, #tpu.memory_space<hbm>>
    tpu.wait_dma2 semaphore(%arg5 : memref<!tpu.dma_semaphore, #tpu.memory_space<semaphore_mem>>) src(%dma_wait3A_43 : memref<32x1024xf32, #tpu.memory_space<hbm>>) dst(%dma_wait3A_41 : memref<32x1024xf32, #tpu.memory_space<vmem>>)
    %add3A_44 = arith.constant 0 : i32
    %add3A_45 = arith.addi %mul3A_2, %add3A_44 : i32
    %dma_start3A_46 = arith.constant 0 : i32
    %dma_start3A_47 = arith.constant 0 : i32
    %dma_start3A_48 = arith.constant 0 : i32
    %dma_start3A_49 = arith.constant 0 : i32
    %dma_start3A_50 = tpu.memref_slice %arg4[%dma_start3A_46, %dma_start3A_48, %dma_start3A_49] : memref<2x32x1024xf32, #tpu.memory_space<vmem>> -> memref<1x32x1024xf32, #tpu.memory_space<vmem>>
    %dma_start3A_51 = tpu.memref_squeeze %dma_start3A_50 : memref<1x32x1024xf32, #tpu.memory_space<vmem>> -> memref<32x1024xf32, #tpu.memory_space<vmem>>
    %dma_start3A_52 = arith.constant 0 : i32
    %dma_start3A_53 = tpu.memref_slice %arg3[%dma_start3A_47, %add3A_45, %dma_start3A_52] : memref<4x8192x1024xf32, #tpu.memory_space<hbm>> -> memref<1x32x1024xf32, #tpu.memory_space<hbm>>
    %dma_start3A_54 = tpu.memref_squeeze %dma_start3A_53 : memref<1x32x1024xf32, #tpu.memory_space<hbm>> -> memref<32x1024xf32, #tpu.memory_space<hbm>>
    %dma_start3A_55 = arith.constant 0 : i32
    %dma_start3A_56 = tpu.memref_slice %arg3[%dma_start3A_47, %add3A_45, %dma_start3A_55] : memref<4x8192x1024xf32, #tpu.memory_space<hbm>> -> memref<1x32x1024xf32, #tpu.memory_space<hbm>>
    %dma_start3A_57 = tpu.memref_squeeze %dma_start3A_56 : memref<1x32x1024xf32, #tpu.memory_space<hbm>> -> memref<32x1024xf32, #tpu.memory_space<hbm>>
    %dma_start3A_58 = arith.constant 0 : i32
    %dma_start3A_59 = arith.constant 0 : i32
    %dma_start3A_60 = tpu.memref_slice %arg4[%dma_start3A_46, %dma_start3A_58, %dma_start3A_59] : memref<2x32x1024xf32, #tpu.memory_space<vmem>> -> memref<1x32x1024xf32, #tpu.memory_space<vmem>>
    %dma_start3A_61 = tpu.memref_squeeze %dma_start3A_60 : memref<1x32x1024xf32, #tpu.memory_space<vmem>> -> memref<32x1024xf32, #tpu.memory_space<vmem>>
    tpu.enqueue_dma source(%dma_start3A_61 : memref<32x1024xf32, #tpu.memory_space<vmem>>) target(%dma_start3A_57 : memref<32x1024xf32, #tpu.memory_space<hbm>>) target_semaphore(%arg6 : memref<!tpu.dma_semaphore, #tpu.memory_space<semaphore_mem>>)
    %add3A_62 = arith.constant 0 : i32
    %add3A_63 = arith.addi %mul3A_2, %add3A_62 : i32
    %dma_start3A_64 = arith.constant 0 : i32
    %dma_start3A_65 = arith.constant 1 : i32
    %dma_start3A_66 = arith.constant 0 : i32
    %dma_start3A_67 = arith.constant 0 : i32
    %dma_start3A_68 = tpu.memref_slice %arg4[%dma_start3A_64, %dma_start3A_66, %dma_start3A_67] : memref<2x32x1024xf32, #tpu.memory_space<vmem>> -> memref<1x32x1024xf32, #tpu.memory_space<vmem>>
    %dma_start3A_69 = tpu.memref_squeeze %dma_start3A_68 : memref<1x32x1024xf32, #tpu.memory_space<vmem>> -> memref<32x1024xf32, #tpu.memory_space<vmem>>
    %dma_start3A_70 = arith.constant 0 : i32
    %dma_start3A_71 = tpu.memref_slice %arg3[%dma_start3A_65, %add3A_63, %dma_start3A_70] : memref<4x8192x1024xf32, #tpu.memory_space<hbm>> -> memref<1x32x1024xf32, #tpu.memory_space<hbm>>
    %dma_start3A_72 = tpu.memref_squeeze %dma_start3A_71 : memref<1x32x1024xf32, #tpu.memory_space<hbm>> -> memref<32x1024xf32, #tpu.memory_space<hbm>>
    %dma_start3A_73 = arith.constant 0 : i32
    %dma_start3A_74 = tpu.memref_slice %arg3[%dma_start3A_65, %add3A_63, %dma_start3A_73] : memref<4x8192x1024xf32, #tpu.memory_space<hbm>> -> memref<1x32x1024xf32, #tpu.memory_space<hbm>>
    %dma_start3A_75 = tpu.memref_squeeze %dma_start3A_74 : memref<1x32x1024xf32, #tpu.memory_space<hbm>> -> memref<32x1024xf32, #tpu.memory_space<hbm>>
    %dma_start3A_76 = arith.constant 0 : i32
    %dma_start3A_77 = arith.constant 0 : i32
    %dma_start3A_78 = tpu.memref_slice %arg4[%dma_start3A_64, %dma_start3A_76, %dma_start3A_77] : memref<2x32x1024xf32, #tpu.memory_space<vmem>> -> memref<1x32x1024xf32, #tpu.memory_space<vmem>>
    %dma_start3A_79 = tpu.memref_squeeze %dma_start3A_78 : memref<1x32x1024xf32, #tpu.memory_space<vmem>> -> memref<32x1024xf32, #tpu.memory_space<vmem>>
    tpu.enqueue_dma source(%dma_start3A_79 : memref<32x1024xf32, #tpu.memory_space<vmem>>) target(%dma_start3A_75 : memref<32x1024xf32, #tpu.memory_space<hbm>>) target_semaphore(%arg6 : memref<!tpu.dma_semaphore, #tpu.memory_space<semaphore_mem>>)
    %add3A_80 = arith.constant 0 : i32
    %add3A_81 = arith.addi %mul3A_2, %add3A_80 : i32
    %dma_start3A_82 = arith.constant 0 : i32
    %dma_start3A_83 = arith.constant 2 : i32
    %dma_start3A_84 = arith.constant 0 : i32
    %dma_start3A_85 = arith.constant 0 : i32
    %dma_start3A_86 = tpu.memref_slice %arg4[%dma_start3A_82, %dma_start3A_84, %dma_start3A_85] : memref<2x32x1024xf32, #tpu.memory_space<vmem>> -> memref<1x32x1024xf32, #tpu.memory_space<vmem>>
    %dma_start3A_87 = tpu.memref_squeeze %dma_start3A_86 : memref<1x32x1024xf32, #tpu.memory_space<vmem>> -> memref<32x1024xf32, #tpu.memory_space<vmem>>
    %dma_start3A_88 = arith.constant 0 : i32
    %dma_start3A_89 = tpu.memref_slice %arg3[%dma_start3A_83, %add3A_81, %dma_start3A_88] : memref<4x8192x1024xf32, #tpu.memory_space<hbm>> -> memref<1x32x1024xf32, #tpu.memory_space<hbm>>
    %dma_start3A_90 = tpu.memref_squeeze %dma_start3A_89 : memref<1x32x1024xf32, #tpu.memory_space<hbm>> -> memref<32x1024xf32, #tpu.memory_space<hbm>>
    %dma_start3A_91 = arith.constant 0 : i32
    %dma_start3A_92 = tpu.memref_slice %arg3[%dma_start3A_83, %add3A_81, %dma_start3A_91] : memref<4x8192x1024xf32, #tpu.memory_space<hbm>> -> memref<1x32x1024xf32, #tpu.memory_space<hbm>>
    %dma_start3A_93 = tpu.memref_squeeze %dma_start3A_92 : memref<1x32x1024xf32, #tpu.memory_space<hbm>> -> memref<32x1024xf32, #tpu.memory_space<hbm>>
    %dma_start3A_94 = arith.constant 0 : i32
    %dma_start3A_95 = arith.constant 0 : i32
    %dma_start3A_96 = tpu.memref_slice %arg4[%dma_start3A_82, %dma_start3A_94, %dma_start3A_95] : memref<2x32x1024xf32, #tpu.memory_space<vmem>> -> memref<1x32x1024xf32, #tpu.memory_space<vmem>>
    %dma_start3A_97 = tpu.memref_squeeze %dma_start3A_96 : memref<1x32x1024xf32, #tpu.memory_space<vmem>> -> memref<32x1024xf32, #tpu.memory_space<vmem>>
    tpu.enqueue_dma source(%dma_start3A_97 : memref<32x1024xf32, #tpu.memory_space<vmem>>) target(%dma_start3A_93 : memref<32x1024xf32, #tpu.memory_space<hbm>>) target_semaphore(%arg6 : memref<!tpu.dma_semaphore, #tpu.memory_space<semaphore_mem>>)
    %add3A_98 = arith.constant 0 : i32
    %add3A_99 = arith.addi %mul3A_2, %add3A_98 : i32
    %dma_start3A_100 = arith.constant 0 : i32
    %dma_start3A_101 = arith.constant 3 : i32
    %dma_start3A_102 = arith.constant 0 : i32
    %dma_start3A_103 = arith.constant 0 : i32
    %dma_start3A_104 = tpu.memref_slice %arg4[%dma_start3A_100, %dma_start3A_102, %dma_start3A_103] : memref<2x32x1024xf32, #tpu.memory_space<vmem>> -> memref<1x32x1024xf32, #tpu.memory_space<vmem>>
    %dma_start3A_105 = tpu.memref_squeeze %dma_start3A_104 : memref<1x32x1024xf32, #tpu.memory_space<vmem>> -> memref<32x1024xf32, #tpu.memory_space<vmem>>
    %dma_start3A_106 = arith.constant 0 : i32
    %dma_start3A_107 = tpu.memref_slice %arg3[%dma_start3A_101, %add3A_99, %dma_start3A_106] : memref<4x8192x1024xf32, #tpu.memory_space<hbm>> -> memref<1x32x1024xf32, #tpu.memory_space<hbm>>
    %dma_start3A_108 = tpu.memref_squeeze %dma_start3A_107 : memref<1x32x1024xf32, #tpu.memory_space<hbm>> -> memref<32x1024xf32, #tpu.memory_space<hbm>>
    %dma_start3A_109 = arith.constant 0 : i32
    %dma_start3A_110 = tpu.memref_slice %arg3[%dma_start3A_101, %add3A_99, %dma_start3A_109] : memref<4x8192x1024xf32, #tpu.memory_space<hbm>> -> memref<1x32x1024xf32, #tpu.memory_space<hbm>>
    %dma_start3A_111 = tpu.memref_squeeze %dma_start3A_110 : memref<1x32x1024xf32, #tpu.memory_space<hbm>> -> memref<32x1024xf32, #tpu.memory_space<hbm>>
    %dma_start3A_112 = arith.constant 0 : i32
    %dma_start3A_113 = arith.constant 0 : i32
    %dma_start3A_114 = tpu.memref_slice %arg4[%dma_start3A_100, %dma_start3A_112, %dma_start3A_113] : memref<2x32x1024xf32, #tpu.memory_space<vmem>> -> memref<1x32x1024xf32, #tpu.memory_space<vmem>>
    %dma_start3A_115 = tpu.memref_squeeze %dma_start3A_114 : memref<1x32x1024xf32, #tpu.memory_space<vmem>> -> memref<32x1024xf32, #tpu.memory_space<vmem>>
    tpu.enqueue_dma source(%dma_start3A_115 : memref<32x1024xf32, #tpu.memory_space<vmem>>) target(%dma_start3A_111 : memref<32x1024xf32, #tpu.memory_space<hbm>>) target_semaphore(%arg6 : memref<!tpu.dma_semaphore, #tpu.memory_space<semaphore_mem>>)
    %dma_wait3A_116 = arith.constant 0 : i32
    %dma_wait3A_117 = arith.constant 0 : i32
    %dma_wait3A_118 = arith.constant 0 : i32
    %dma_wait3A_119 = arith.constant 0 : i32
    %dma_wait3A_120 = tpu.memref_slice %arg4[%dma_wait3A_116, %dma_wait3A_118, %dma_wait3A_119] : memref<2x32x1024xf32, #tpu.memory_space<vmem>> -> memref<1x32x1024xf32, #tpu.memory_space<vmem>>
    %dma_wait3A_121 = tpu.memref_squeeze %dma_wait3A_120 : memref<1x32x1024xf32, #tpu.memory_space<vmem>> -> memref<32x1024xf32, #tpu.memory_space<vmem>>
    %dma_wait3A_122 = arith.constant 0 : i32
    %dma_wait3A_123 = tpu.memref_slice %arg3[%dma_wait3A_117, %add3A_45, %dma_wait3A_122] : memref<4x8192x1024xf32, #tpu.memory_space<hbm>> -> memref<1x32x1024xf32, #tpu.memory_space<hbm>>
    %dma_wait3A_124 = tpu.memref_squeeze %dma_wait3A_123 : memref<1x32x1024xf32, #tpu.memory_space<hbm>> -> memref<32x1024xf32, #tpu.memory_space<hbm>>
    %dma_wait3A_125 = arith.constant 0 : i32
    %dma_wait3A_126 = tpu.memref_slice %arg3[%dma_wait3A_117, %add3A_45, %dma_wait3A_125] : memref<4x8192x1024xf32, #tpu.memory_space<hbm>> -> memref<1x32x1024xf32, #tpu.memory_space<hbm>>
    %dma_wait3A_127 = tpu.memref_squeeze %dma_wait3A_126 : memref<1x32x1024xf32, #tpu.memory_space<hbm>> -> memref<32x1024xf32, #tpu.memory_space<hbm>>
    %dma_wait3A_128 = arith.constant 0 : i32
    %dma_wait3A_129 = arith.constant 0 : i32
    %dma_wait3A_130 = tpu.memref_slice %arg4[%dma_wait3A_116, %dma_wait3A_128, %dma_wait3A_129] : memref<2x32x1024xf32, #tpu.memory_space<vmem>> -> memref<1x32x1024xf32, #tpu.memory_space<vmem>>
    %dma_wait3A_131 = tpu.memref_squeeze %dma_wait3A_130 : memref<1x32x1024xf32, #tpu.memory_space<vmem>> -> memref<32x1024xf32, #tpu.memory_space<vmem>>
    tpu.wait_dma2 semaphore(%arg6 : memref<!tpu.dma_semaphore, #tpu.memory_space<semaphore_mem>>) src(%dma_wait3A_131 : memref<32x1024xf32, #tpu.memory_space<vmem>>) dst(%dma_wait3A_127 : memref<32x1024xf32, #tpu.memory_space<hbm>>)
    %dma_wait3A_132 = arith.constant 0 : i32
    %dma_wait3A_133 = arith.constant 1 : i32
    %dma_wait3A_134 = arith.constant 0 : i32
    %dma_wait3A_135 = arith.constant 0 : i32
    %dma_wait3A_136 = tpu.memref_slice %arg4[%dma_wait3A_132, %dma_wait3A_134, %dma_wait3A_135] : memref<2x32x1024xf32, #tpu.memory_space<vmem>> -> memref<1x32x1024xf32, #tpu.memory_space<vmem>>
    %dma_wait3A_137 = tpu.memref_squeeze %dma_wait3A_136 : memref<1x32x1024xf32, #tpu.memory_space<vmem>> -> memref<32x1024xf32, #tpu.memory_space<vmem>>
    %dma_wait3A_138 = arith.constant 0 : i32
    %dma_wait3A_139 = tpu.memref_slice %arg3[%dma_wait3A_133, %add3A_63, %dma_wait3A_138] : memref<4x8192x1024xf32, #tpu.memory_space<hbm>> -> memref<1x32x1024xf32, #tpu.memory_space<hbm>>
    %dma_wait3A_140 = tpu.memref_squeeze %dma_wait3A_139 : memref<1x32x1024xf32, #tpu.memory_space<hbm>> -> memref<32x1024xf32, #tpu.memory_space<hbm>>
    %dma_wait3A_141 = arith.constant 0 : i32
    %dma_wait3A_142 = tpu.memref_slice %arg3[%dma_wait3A_133, %add3A_63, %dma_wait3A_141] : memref<4x8192x1024xf32, #tpu.memory_space<hbm>> -> memref<1x32x1024xf32, #tpu.memory_space<hbm>>
    %dma_wait3A_143 = tpu.memref_squeeze %dma_wait3A_142 : memref<1x32x1024xf32, #tpu.memory_space<hbm>> -> memref<32x1024xf32, #tpu.memory_space<hbm>>
    %dma_wait3A_144 = arith.constant 0 : i32
    %dma_wait3A_145 = arith.constant 0 : i32
    %dma_wait3A_146 = tpu.memref_slice %arg4[%dma_wait3A_132, %dma_wait3A_144, %dma_wait3A_145] : memref<2x32x1024xf32, #tpu.memory_space<vmem>> -> memref<1x32x1024xf32, #tpu.memory_space<vmem>>
    %dma_wait3A_147 = tpu.memref_squeeze %dma_wait3A_146 : memref<1x32x1024xf32, #tpu.memory_space<vmem>> -> memref<32x1024xf32, #tpu.memory_space<vmem>>
    tpu.wait_dma2 semaphore(%arg6 : memref<!tpu.dma_semaphore, #tpu.memory_space<semaphore_mem>>) src(%dma_wait3A_147 : memref<32x1024xf32, #tpu.memory_space<vmem>>) dst(%dma_wait3A_143 : memref<32x1024xf32, #tpu.memory_space<hbm>>)
    %dma_wait3A_148 = arith.constant 0 : i32
    %dma_wait3A_149 = arith.constant 2 : i32
    %dma_wait3A_150 = arith.constant 0 : i32
    %dma_wait3A_151 = arith.constant 0 : i32
    %dma_wait3A_152 = tpu.memref_slice %arg4[%dma_wait3A_148, %dma_wait3A_150, %dma_wait3A_151] : memref<2x32x1024xf32, #tpu.memory_space<vmem>> -> memref<1x32x1024xf32, #tpu.memory_space<vmem>>
    %dma_wait3A_153 = tpu.memref_squeeze %dma_wait3A_152 : memref<1x32x1024xf32, #tpu.memory_space<vmem>> -> memref<32x1024xf32, #tpu.memory_space<vmem>>
    %dma_wait3A_154 = arith.constant 0 : i32
    %dma_wait3A_155 = tpu.memref_slice %arg3[%dma_wait3A_149, %add3A_81, %dma_wait3A_154] : memref<4x8192x1024xf32, #tpu.memory_space<hbm>> -> memref<1x32x1024xf32, #tpu.memory_space<hbm>>
    %dma_wait3A_156 = tpu.memref_squeeze %dma_wait3A_155 : memref<1x32x1024xf32, #tpu.memory_space<hbm>> -> memref<32x1024xf32, #tpu.memory_space<hbm>>
    %dma_wait3A_157 = arith.constant 0 : i32
    %dma_wait3A_158 = tpu.memref_slice %arg3[%dma_wait3A_149, %add3A_81, %dma_wait3A_157] : memref<4x8192x1024xf32, #tpu.memory_space<hbm>> -> memref<1x32x1024xf32, #tpu.memory_space<hbm>>
    %dma_wait3A_159 = tpu.memref_squeeze %dma_wait3A_158 : memref<1x32x1024xf32, #tpu.memory_space<hbm>> -> memref<32x1024xf32, #tpu.memory_space<hbm>>
    %dma_wait3A_160 = arith.constant 0 : i32
    %dma_wait3A_161 = arith.constant 0 : i32
    %dma_wait3A_162 = tpu.memref_slice %arg4[%dma_wait3A_148, %dma_wait3A_160, %dma_wait3A_161] : memref<2x32x1024xf32, #tpu.memory_space<vmem>> -> memref<1x32x1024xf32, #tpu.memory_space<vmem>>
    %dma_wait3A_163 = tpu.memref_squeeze %dma_wait3A_162 : memref<1x32x1024xf32, #tpu.memory_space<vmem>> -> memref<32x1024xf32, #tpu.memory_space<vmem>>
    tpu.wait_dma2 semaphore(%arg6 : memref<!tpu.dma_semaphore, #tpu.memory_space<semaphore_mem>>) src(%dma_wait3A_163 : memref<32x1024xf32, #tpu.memory_space<vmem>>) dst(%dma_wait3A_159 : memref<32x1024xf32, #tpu.memory_space<hbm>>)
    %dma_wait3A_164 = arith.constant 0 : i32
    %dma_wait3A_165 = arith.constant 3 : i32
    %dma_wait3A_166 = arith.constant 0 : i32
    %dma_wait3A_167 = arith.constant 0 : i32
    %dma_wait3A_168 = tpu.memref_slice %arg4[%dma_wait3A_164, %dma_wait3A_166, %dma_wait3A_167] : memref<2x32x1024xf32, #tpu.memory_space<vmem>> -> memref<1x32x1024xf32, #tpu.memory_space<vmem>>
    %dma_wait3A_169 = tpu.memref_squeeze %dma_wait3A_168 : memref<1x32x1024xf32, #tpu.memory_space<vmem>> -> memref<32x1024xf32, #tpu.memory_space<vmem>>
    %dma_wait3A_170 = arith.constant 0 : i32
    %dma_wait3A_171 = tpu.memref_slice %arg3[%dma_wait3A_165, %add3A_99, %dma_wait3A_170] : memref<4x8192x1024xf32, #tpu.memory_space<hbm>> -> memref<1x32x1024xf32, #tpu.memory_space<hbm>>
    %dma_wait3A_172 = tpu.memref_squeeze %dma_wait3A_171 : memref<1x32x1024xf32, #tpu.memory_space<hbm>> -> memref<32x1024xf32, #tpu.memory_space<hbm>>
    %dma_wait3A_173 = arith.constant 0 : i32
    %dma_wait3A_174 = tpu.memref_slice %arg3[%dma_wait3A_165, %add3A_99, %dma_wait3A_173] : memref<4x8192x1024xf32, #tpu.memory_space<hbm>> -> memref<1x32x1024xf32, #tpu.memory_space<hbm>>
    %dma_wait3A_175 = tpu.memref_squeeze %dma_wait3A_174 : memref<1x32x1024xf32, #tpu.memory_space<hbm>> -> memref<32x1024xf32, #tpu.memory_space<hbm>>
    %dma_wait3A_176 = arith.constant 0 : i32
    %dma_wait3A_177 = arith.constant 0 : i32
    %dma_wait3A_178 = tpu.memref_slice %arg4[%dma_wait3A_164, %dma_wait3A_176, %dma_wait3A_177] : memref<2x32x1024xf32, #tpu.memory_space<vmem>> -> memref<1x32x1024xf32, #tpu.memory_space<vmem>>
    %dma_wait3A_179 = tpu.memref_squeeze %dma_wait3A_178 : memref<1x32x1024xf32, #tpu.memory_space<vmem>> -> memref<32x1024xf32, #tpu.memory_space<vmem>>
    tpu.wait_dma2 semaphore(%arg6 : memref<!tpu.dma_semaphore, #tpu.memory_space<semaphore_mem>>) src(%dma_wait3A_179 : memref<32x1024xf32, #tpu.memory_space<vmem>>) dst(%dma_wait3A_175 : memref<32x1024xf32, #tpu.memory_space<hbm>>)
    %add3A_180 = arith.constant 64 : i32
    %add3A_181 = arith.addi %mul3A_2, %add3A_180 : i32
    %dma_start3A_182 = arith.constant 0 : i32
    %dma_start3A_183 = arith.constant 0 : i32
    %dma_start3A_184 = arith.constant 0 : i32
    %dma_start3A_185 = tpu.memref_slice %arg4[%dma_start3A_182, %dma_start3A_183, %dma_start3A_184] : memref<2x32x1024xf32, #tpu.memory_space<vmem>> -> memref<1x32x1024xf32, #tpu.memory_space<vmem>>
    %dma_start3A_186 = tpu.memref_squeeze %dma_start3A_185 : memref<1x32x1024xf32, #tpu.memory_space<vmem>> -> memref<32x1024xf32, #tpu.memory_space<vmem>>
    %dma_start3A_187 = arith.constant 0 : i32
    %dma_start3A_188 = tpu.memref_slice %arg2[%add3A_181, %dma_start3A_187] : memref<8192x1024xf32, #tpu.memory_space<hbm>> -> memref<32x1024xf32, #tpu.memory_space<hbm>>
    %dma_start3A_189 = arith.constant 0 : i32
    %dma_start3A_190 = arith.constant 0 : i32
    %dma_start3A_191 = tpu.memref_slice %arg4[%dma_start3A_182, %dma_start3A_189, %dma_start3A_190] : memref<2x32x1024xf32, #tpu.memory_space<vmem>> -> memref<1x32x1024xf32, #tpu.memory_space<vmem>>
    %dma_start3A_192 = tpu.memref_squeeze %dma_start3A_191 : memref<1x32x1024xf32, #tpu.memory_space<vmem>> -> memref<32x1024xf32, #tpu.memory_space<vmem>>
    %dma_start3A_193 = arith.constant 0 : i32
    %dma_start3A_194 = tpu.memref_slice %arg2[%add3A_181, %dma_start3A_193] : memref<8192x1024xf32, #tpu.memory_space<hbm>> -> memref<32x1024xf32, #tpu.memory_space<hbm>>
    tpu.enqueue_dma source(%dma_start3A_194 : memref<32x1024xf32, #tpu.memory_space<hbm>>) target(%dma_start3A_192 : memref<32x1024xf32, #tpu.memory_space<vmem>>) target_semaphore(%arg5 : memref<!tpu.dma_semaphore, #tpu.memory_space<semaphore_mem>>)
    %dma_wait3A_195 = arith.constant 1 : i32
    %dma_wait3A_196 = arith.constant 0 : i32
    %dma_wait3A_197 = arith.constant 0 : i32
    %dma_wait3A_198 = tpu.memref_slice %arg4[%dma_wait3A_195, %dma_wait3A_196, %dma_wait3A_197] : memref<2x32x1024xf32, #tpu.memory_space<vmem>> -> memref<1x32x1024xf32, #tpu.memory_space<vmem>>
    %dma_wait3A_199 = tpu.memref_squeeze %dma_wait3A_198 : memref<1x32x1024xf32, #tpu.memory_space<vmem>> -> memref<32x1024xf32, #tpu.memory_space<vmem>>
    %dma_wait3A_200 = arith.constant 0 : i32
    %dma_wait3A_201 = tpu.memref_slice %arg2[%add3A_18, %dma_wait3A_200] : memref<8192x1024xf32, #tpu.memory_space<hbm>> -> memref<32x1024xf32, #tpu.memory_space<hbm>>
    %dma_wait3A_202 = arith.constant 0 : i32
    %dma_wait3A_203 = arith.constant 0 : i32
    %dma_wait3A_204 = tpu.memref_slice %arg4[%dma_wait3A_195, %dma_wait3A_202, %dma_wait3A_203] : memref<2x32x1024xf32, #tpu.memory_space<vmem>> -> memref<1x32x1024xf32, #tpu.memory_space<vmem>>
    %dma_wait3A_205 = tpu.memref_squeeze %dma_wait3A_204 : memref<1x32x1024xf32, #tpu.memory_space<vmem>> -> memref<32x1024xf32, #tpu.memory_space<vmem>>
    %dma_wait3A_206 = arith.constant 0 : i32
    %dma_wait3A_207 = tpu.memref_slice %arg2[%add3A_18, %dma_wait3A_206] : memref<8192x1024xf32, #tpu.memory_space<hbm>> -> memref<32x1024xf32, #tpu.memory_space<hbm>>
    tpu.wait_dma2 semaphore(%arg5 : memref<!tpu.dma_semaphore, #tpu.memory_space<semaphore_mem>>) src(%dma_wait3A_207 : memref<32x1024xf32, #tpu.memory_space<hbm>>) dst(%dma_wait3A_205 : memref<32x1024xf32, #tpu.memory_space<vmem>>)
    %add3A_208 = arith.constant 32 : i32
    %add3A_209 = arith.addi %mul3A_2, %add3A_208 : i32
    %dma_start3A_210 = arith.constant 1 : i32
    %dma_start3A_211 = arith.constant 0 : i32
    %dma_start3A_212 = arith.constant 0 : i32
    %dma_start3A_213 = arith.constant 0 : i32
    %dma_start3A_214 = tpu.memref_slice %arg4[%dma_start3A_210, %dma_start3A_212, %dma_start3A_213] : memref<2x32x1024xf32, #tpu.memory_space<vmem>> -> memref<1x32x1024xf32, #tpu.memory_space<vmem>>
    %dma_start3A_215 = tpu.memref_squeeze %dma_start3A_214 : memref<1x32x1024xf32, #tpu.memory_space<vmem>> -> memref<32x1024xf32, #tpu.memory_space<vmem>>
    %dma_start3A_216 = arith.constant 0 : i32
    %dma_start3A_217 = tpu.memref_slice %arg3[%dma_start3A_211, %add3A_209, %dma_start3A_216] : memref<4x8192x1024xf32, #tpu.memory_space<hbm>> -> memref<1x32x1024xf32, #tpu.memory_space<hbm>>
    %dma_start3A_218 = tpu.memref_squeeze %dma_start3A_217 : memref<1x32x1024xf32, #tpu.memory_space<hbm>> -> memref<32x1024xf32, #tpu.memory_space<hbm>>
    %dma_start3A_219 = arith.constant 0 : i32
    %dma_start3A_220 = tpu.memref_slice %arg3[%dma_start3A_211, %add3A_209, %dma_start3A_219] : memref<4x8192x1024xf32, #tpu.memory_space<hbm>> -> memref<1x32x1024xf32, #tpu.memory_space<hbm>>
    %dma_start3A_221 = tpu.memref_squeeze %dma_start3A_220 : memref<1x32x1024xf32, #tpu.memory_space<hbm>> -> memref<32x1024xf32, #tpu.memory_space<hbm>>
    %dma_start3A_222 = arith.constant 0 : i32
    %dma_start3A_223 = arith.constant 0 : i32
    %dma_start3A_224 = tpu.memref_slice %arg4[%dma_start3A_210, %dma_start3A_222, %dma_start3A_223] : memref<2x32x1024xf32, #tpu.memory_space<vmem>> -> memref<1x32x1024xf32, #tpu.memory_space<vmem>>
    %dma_start3A_225 = tpu.memref_squeeze %dma_start3A_224 : memref<1x32x1024xf32, #tpu.memory_space<vmem>> -> memref<32x1024xf32, #tpu.memory_space<vmem>>
    tpu.enqueue_dma source(%dma_start3A_225 : memref<32x1024xf32, #tpu.memory_space<vmem>>) target(%dma_start3A_221 : memref<32x1024xf32, #tpu.memory_space<hbm>>) target_semaphore(%arg6 : memref<!tpu.dma_semaphore, #tpu.memory_space<semaphore_mem>>)
    %add3A_226 = arith.constant 32 : i32
    %add3A_227 = arith.addi %mul3A_2, %add3A_226 : i32
    %dma_start3A_228 = arith.constant 1 : i32
    %dma_start3A_229 = arith.constant 1 : i32
    %dma_start3A_230 = arith.constant 0 : i32
    %dma_start3A_231 = arith.constant 0 : i32
    %dma_start3A_232 = tpu.memref_slice %arg4[%dma_start3A_228, %dma_start3A_230, %dma_start3A_231] : memref<2x32x1024xf32, #tpu.memory_space<vmem>> -> memref<1x32x1024xf32, #tpu.memory_space<vmem>>
    %dma_start3A_233 = tpu.memref_squeeze %dma_start3A_232 : memref<1x32x1024xf32, #tpu.memory_space<vmem>> -> memref<32x1024xf32, #tpu.memory_space<vmem>>
    %dma_start3A_234 = arith.constant 0 : i32
    %dma_start3A_235 = tpu.memref_slice %arg3[%dma_start3A_229, %add3A_227, %dma_start3A_234] : memref<4x8192x1024xf32, #tpu.memory_space<hbm>> -> memref<1x32x1024xf32, #tpu.memory_space<hbm>>
    %dma_start3A_236 = tpu.memref_squeeze %dma_start3A_235 : memref<1x32x1024xf32, #tpu.memory_space<hbm>> -> memref<32x1024xf32, #tpu.memory_space<hbm>>
    %dma_start3A_237 = arith.constant 0 : i32
    %dma_start3A_238 = tpu.memref_slice %arg3[%dma_start3A_229, %add3A_227, %dma_start3A_237] : memref<4x8192x1024xf32, #tpu.memory_space<hbm>> -> memref<1x32x1024xf32, #tpu.memory_space<hbm>>
    %dma_start3A_239 = tpu.memref_squeeze %dma_start3A_238 : memref<1x32x1024xf32, #tpu.memory_space<hbm>> -> memref<32x1024xf32, #tpu.memory_space<hbm>>
    %dma_start3A_240 = arith.constant 0 : i32
    %dma_start3A_241 = arith.constant 0 : i32
    %dma_start3A_242 = tpu.memref_slice %arg4[%dma_start3A_228, %dma_start3A_240, %dma_start3A_241] : memref<2x32x1024xf32, #tpu.memory_space<vmem>> -> memref<1x32x1024xf32, #tpu.memory_space<vmem>>
    %dma_start3A_243 = tpu.memref_squeeze %dma_start3A_242 : memref<1x32x1024xf32, #tpu.memory_space<vmem>> -> memref<32x1024xf32, #tpu.memory_space<vmem>>
    tpu.enqueue_dma source(%dma_start3A_243 : memref<32x1024xf32, #tpu.memory_space<vmem>>) target(%dma_start3A_239 : memref<32x1024xf32, #tpu.memory_space<hbm>>) target_semaphore(%arg6 : memref<!tpu.dma_semaphore, #tpu.memory_space<semaphore_mem>>)
    %add3A_244 = arith.constant 32 : i32
    %add3A_245 = arith.addi %mul3A_2, %add3A_244 : i32
    %dma_start3A_246 = arith.constant 1 : i32
    %dma_start3A_247 = arith.constant 2 : i32
    %dma_start3A_248 = arith.constant 0 : i32
    %dma_start3A_249 = arith.constant 0 : i32
    %dma_start3A_250 = tpu.memref_slice %arg4[%dma_start3A_246, %dma_start3A_248, %dma_start3A_249] : memref<2x32x1024xf32, #tpu.memory_space<vmem>> -> memref<1x32x1024xf32, #tpu.memory_space<vmem>>
    %dma_start3A_251 = tpu.memref_squeeze %dma_start3A_250 : memref<1x32x1024xf32, #tpu.memory_space<vmem>> -> memref<32x1024xf32, #tpu.memory_space<vmem>>
    %dma_start3A_252 = arith.constant 0 : i32
    %dma_start3A_253 = tpu.memref_slice %arg3[%dma_start3A_247, %add3A_245, %dma_start3A_252] : memref<4x8192x1024xf32, #tpu.memory_space<hbm>> -> memref<1x32x1024xf32, #tpu.memory_space<hbm>>
    %dma_start3A_254 = tpu.memref_squeeze %dma_start3A_253 : memref<1x32x1024xf32, #tpu.memory_space<hbm>> -> memref<32x1024xf32, #tpu.memory_space<hbm>>
    %dma_start3A_255 = arith.constant 0 : i32
    %dma_start3A_256 = tpu.memref_slice %arg3[%dma_start3A_247, %add3A_245, %dma_start3A_255] : memref<4x8192x1024xf32, #tpu.memory_space<hbm>> -> memref<1x32x1024xf32, #tpu.memory_space<hbm>>
    %dma_start3A_257 = tpu.memref_squeeze %dma_start3A_256 : memref<1x32x1024xf32, #tpu.memory_space<hbm>> -> memref<32x1024xf32, #tpu.memory_space<hbm>>
    %dma_start3A_258 = arith.constant 0 : i32
    %dma_start3A_259 = arith.constant 0 : i32
    %dma_start3A_260 = tpu.memref_slice %arg4[%dma_start3A_246, %dma_start3A_258, %dma_start3A_259] : memref<2x32x1024xf32, #tpu.memory_space<vmem>> -> memref<1x32x1024xf32, #tpu.memory_space<vmem>>
    %dma_start3A_261 = tpu.memref_squeeze %dma_start3A_260 : memref<1x32x1024xf32, #tpu.memory_space<vmem>> -> memref<32x1024xf32, #tpu.memory_space<vmem>>
    tpu.enqueue_dma source(%dma_start3A_261 : memref<32x1024xf32, #tpu.memory_space<vmem>>) target(%dma_start3A_257 : memref<32x1024xf32, #tpu.memory_space<hbm>>) target_semaphore(%arg6 : memref<!tpu.dma_semaphore, #tpu.memory_space<semaphore_mem>>)
    %add3A_262 = arith.constant 32 : i32
    %add3A_263 = arith.addi %mul3A_2, %add3A_262 : i32
    %dma_start3A_264 = arith.constant 1 : i32
    %dma_start3A_265 = arith.constant 3 : i32
    %dma_start3A_266 = arith.constant 0 : i32
    %dma_start3A_267 = arith.constant 0 : i32
    %dma_start3A_268 = tpu.memref_slice %arg4[%dma_start3A_264, %dma_start3A_266, %dma_start3A_267] : memref<2x32x1024xf32, #tpu.memory_space<vmem>> -> memref<1x32x1024xf32, #tpu.memory_space<vmem>>
    %dma_start3A_269 = tpu.memref_squeeze %dma_start3A_268 : memref<1x32x1024xf32, #tpu.memory_space<vmem>> -> memref<32x1024xf32, #tpu.memory_space<vmem>>
    %dma_start3A_270 = arith.constant 0 : i32
    %dma_start3A_271 = tpu.memref_slice %arg3[%dma_start3A_265, %add3A_263, %dma_start3A_270] : memref<4x8192x1024xf32, #tpu.memory_space<hbm>> -> memref<1x32x1024xf32, #tpu.memory_space<hbm>>
    %dma_start3A_272 = tpu.memref_squeeze %dma_start3A_271 : memref<1x32x1024xf32, #tpu.memory_space<hbm>> -> memref<32x1024xf32, #tpu.memory_space<hbm>>
    %dma_start3A_273 = arith.constant 0 : i32
    %dma_start3A_274 = tpu.memref_slice %arg3[%dma_start3A_265, %add3A_263, %dma_start3A_273] : memref<4x8192x1024xf32, #tpu.memory_space<hbm>> -> memref<1x32x1024xf32, #tpu.memory_space<hbm>>
    %dma_start3A_275 = tpu.memref_squeeze %dma_start3A_274 : memref<1x32x1024xf32, #tpu.memory_space<hbm>> -> memref<32x1024xf32, #tpu.memory_space<hbm>>
    %dma_start3A_276 = arith.constant 0 : i32
    %dma_start3A_277 = arith.constant 0 : i32
    %dma_start3A_278 = tpu.memref_slice %arg4[%dma_start3A_264, %dma_start3A_276, %dma_start3A_277] : memref<2x32x1024xf32, #tpu.memory_space<vmem>> -> memref<1x32x1024xf32, #tpu.memory_space<vmem>>
    %dma_start3A_279 = tpu.memref_squeeze %dma_start3A_278 : memref<1x32x1024xf32, #tpu.memory_space<vmem>> -> memref<32x1024xf32, #tpu.memory_space<vmem>>
    tpu.enqueue_dma source(%dma_start3A_279 : memref<32x1024xf32, #tpu.memory_space<vmem>>) target(%dma_start3A_275 : memref<32x1024xf32, #tpu.memory_space<hbm>>) target_semaphore(%arg6 : memref<!tpu.dma_semaphore, #tpu.memory_space<semaphore_mem>>)
    %dma_wait3A_280 = arith.constant 1 : i32
    %dma_wait3A_281 = arith.constant 0 : i32
    %dma_wait3A_282 = arith.constant 0 : i32
    %dma_wait3A_283 = arith.constant 0 : i32
    %dma_wait3A_284 = tpu.memref_slice %arg4[%dma_wait3A_280, %dma_wait3A_282, %dma_wait3A_283] : memref<2x32x1024xf32, #tpu.memory_space<vmem>> -> memref<1x32x1024xf32, #tpu.memory_space<vmem>>
    %dma_wait3A_285 = tpu.memref_squeeze %dma_wait3A_284 : memref<1x32x1024xf32, #tpu.memory_space<vmem>> -> memref<32x1024xf32, #tpu.memory_space<vmem>>
    %dma_wait3A_286 = arith.constant 0 : i32
    %dma_wait3A_287 = tpu.memref_slice %arg3[%dma_wait3A_281, %add3A_209, %dma_wait3A_286] : memref<4x8192x1024xf32, #tpu.memory_space<hbm>> -> memref<1x32x1024xf32, #tpu.memory_space<hbm>>
    %dma_wait3A_288 = tpu.memref_squeeze %dma_wait3A_287 : memref<1x32x1024xf32, #tpu.memory_space<hbm>> -> memref<32x1024xf32, #tpu.memory_space<hbm>>
    %dma_wait3A_289 = arith.constant 0 : i32
    %dma_wait3A_290 = tpu.memref_slice %arg3[%dma_wait3A_281, %add3A_209, %dma_wait3A_289] : memref<4x8192x1024xf32, #tpu.memory_space<hbm>> -> memref<1x32x1024xf32, #tpu.memory_space<hbm>>
    %dma_wait3A_291 = tpu.memref_squeeze %dma_wait3A_290 : memref<1x32x1024xf32, #tpu.memory_space<hbm>> -> memref<32x1024xf32, #tpu.memory_space<hbm>>
    %dma_wait3A_292 = arith.constant 0 : i32
    %dma_wait3A_293 = arith.constant 0 : i32
    %dma_wait3A_294 = tpu.memref_slice %arg4[%dma_wait3A_280, %dma_wait3A_292, %dma_wait3A_293] : memref<2x32x1024xf32, #tpu.memory_space<vmem>> -> memref<1x32x1024xf32, #tpu.memory_space<vmem>>
    %dma_wait3A_295 = tpu.memref_squeeze %dma_wait3A_294 : memref<1x32x1024xf32, #tpu.memory_space<vmem>> -> memref<32x1024xf32, #tpu.memory_space<vmem>>
    tpu.wait_dma2 semaphore(%arg6 : memref<!tpu.dma_semaphore, #tpu.memory_space<semaphore_mem>>) src(%dma_wait3A_295 : memref<32x1024xf32, #tpu.memory_space<vmem>>) dst(%dma_wait3A_291 : memref<32x1024xf32, #tpu.memory_space<hbm>>)
    %dma_wait3A_296 = arith.constant 1 : i32
    %dma_wait3A_297 = arith.constant 1 : i32
    %dma_wait3A_298 = arith.constant 0 : i32
    %dma_wait3A_299 = arith.constant 0 : i32
    %dma_wait3A_300 = tpu.memref_slice %arg4[%dma_wait3A_296, %dma_wait3A_298, %dma_wait3A_299] : memref<2x32x1024xf32, #tpu.memory_space<vmem>> -> memref<1x32x1024xf32, #tpu.memory_space<vmem>>
    %dma_wait3A_301 = tpu.memref_squeeze %dma_wait3A_300 : memref<1x32x1024xf32, #tpu.memory_space<vmem>> -> memref<32x1024xf32, #tpu.memory_space<vmem>>
    %dma_wait3A_302 = arith.constant 0 : i32
    %dma_wait3A_303 = tpu.memref_slice %arg3[%dma_wait3A_297, %add3A_227, %dma_wait3A_302] : memref<4x8192x1024xf32, #tpu.memory_space<hbm>> -> memref<1x32x1024xf32, #tpu.memory_space<hbm>>
    %dma_wait3A_304 = tpu.memref_squeeze %dma_wait3A_303 : memref<1x32x1024xf32, #tpu.memory_space<hbm>> -> memref<32x1024xf32, #tpu.memory_space<hbm>>
    %dma_wait3A_305 = arith.constant 0 : i32
    %dma_wait3A_306 = tpu.memref_slice %arg3[%dma_wait3A_297, %add3A_227, %dma_wait3A_305] : memref<4x8192x1024xf32, #tpu.memory_space<hbm>> -> memref<1x32x1024xf32, #tpu.memory_space<hbm>>
    %dma_wait3A_307 = tpu.memref_squeeze %dma_wait3A_306 : memref<1x32x1024xf32, #tpu.memory_space<hbm>> -> memref<32x1024xf32, #tpu.memory_space<hbm>>
    %dma_wait3A_308 = arith.constant 0 : i32
    %dma_wait3A_309 = arith.constant 0 : i32
    %dma_wait3A_310 = tpu.memref_slice %arg4[%dma_wait3A_296, %dma_wait3A_308, %dma_wait3A_309] : memref<2x32x1024xf32, #tpu.memory_space<vmem>> -> memref<1x32x1024xf32, #tpu.memory_space<vmem>>
    %dma_wait3A_311 = tpu.memref_squeeze %dma_wait3A_310 : memref<1x32x1024xf32, #tpu.memory_space<vmem>> -> memref<32x1024xf32, #tpu.memory_space<vmem>>
    tpu.wait_dma2 semaphore(%arg6 : memref<!tpu.dma_semaphore, #tpu.memory_space<semaphore_mem>>) src(%dma_wait3A_311 : memref<32x1024xf32, #tpu.memory_space<vmem>>) dst(%dma_wait3A_307 : memref<32x1024xf32, #tpu.memory_space<hbm>>)
    %dma_wait3A_312 = arith.constant 1 : i32
    %dma_wait3A_313 = arith.constant 2 : i32
    %dma_wait3A_314 = arith.constant 0 : i32
    %dma_wait3A_315 = arith.constant 0 : i32
    %dma_wait3A_316 = tpu.memref_slice %arg4[%dma_wait3A_312, %dma_wait3A_314, %dma_wait3A_315] : memref<2x32x1024xf32, #tpu.memory_space<vmem>> -> memref<1x32x1024xf32, #tpu.memory_space<vmem>>
    %dma_wait3A_317 = tpu.memref_squeeze %dma_wait3A_316 : memref<1x32x1024xf32, #tpu.memory_space<vmem>> -> memref<32x1024xf32, #tpu.memory_space<vmem>>
    %dma_wait3A_318 = arith.constant 0 : i32
    %dma_wait3A_319 = tpu.memref_slice %arg3[%dma_wait3A_313, %add3A_245, %dma_wait3A_318] : memref<4x8192x1024xf32, #tpu.memory_space<hbm>> -> memref<1x32x1024xf32, #tpu.memory_space<hbm>>
    %dma_wait3A_320 = tpu.memref_squeeze %dma_wait3A_319 : memref<1x32x1024xf32, #tpu.memory_space<hbm>> -> memref<32x1024xf32, #tpu.memory_space<hbm>>
    %dma_wait3A_321 = arith.constant 0 : i32
    %dma_wait3A_322 = tpu.memref_slice %arg3[%dma_wait3A_313, %add3A_245, %dma_wait3A_321] : memref<4x8192x1024xf32, #tpu.memory_space<hbm>> -> memref<1x32x1024xf32, #tpu.memory_space<hbm>>
    %dma_wait3A_323 = tpu.memref_squeeze %dma_wait3A_322 : memref<1x32x1024xf32, #tpu.memory_space<hbm>> -> memref<32x1024xf32, #tpu.memory_space<hbm>>
    %dma_wait3A_324 = arith.constant 0 : i32
    %dma_wait3A_325 = arith.constant 0 : i32
    %dma_wait3A_326 = tpu.memref_slice %arg4[%dma_wait3A_312, %dma_wait3A_324, %dma_wait3A_325] : memref<2x32x1024xf32, #tpu.memory_space<vmem>> -> memref<1x32x1024xf32, #tpu.memory_space<vmem>>
    %dma_wait3A_327 = tpu.memref_squeeze %dma_wait3A_326 : memref<1x32x1024xf32, #tpu.memory_space<vmem>> -> memref<32x1024xf32, #tpu.memory_space<vmem>>
    tpu.wait_dma2 semaphore(%arg6 : memref<!tpu.dma_semaphore, #tpu.memory_space<semaphore_mem>>) src(%dma_wait3A_327 : memref<32x1024xf32, #tpu.memory_space<vmem>>) dst(%dma_wait3A_323 : memref<32x1024xf32, #tpu.memory_space<hbm>>)
    %dma_wait3A_328 = arith.constant 1 : i32
    %dma_wait3A_329 = arith.constant 3 : i32
    %dma_wait3A_330 = arith.constant 0 : i32
    %dma_wait3A_331 = arith.constant 0 : i32
    %dma_wait3A_332 = tpu.memref_slice %arg4[%dma_wait3A_328, %dma_wait3A_330, %dma_wait3A_331] : memref<2x32x1024xf32, #tpu.memory_space<vmem>> -> memref<1x32x1024xf32, #tpu.memory_space<vmem>>
    %dma_wait3A_333 = tpu.memref_squeeze %dma_wait3A_332 : memref<1x32x1024xf32, #tpu.memory_space<vmem>> -> memref<32x1024xf32, #tpu.memory_space<vmem>>
    %dma_wait3A_334 = arith.constant 0 : i32
    %dma_wait3A_335 = tpu.memref_slice %arg3[%dma_wait3A_329, %add3A_263, %dma_wait3A_334] : memref<4x8192x1024xf32, #tpu.memory_space<hbm>> -> memref<1x32x1024xf32, #tpu.memory_space<hbm>>
    %dma_wait3A_336 = tpu.memref_squeeze %dma_wait3A_335 : memref<1x32x1024xf32, #tpu.memory_space<hbm>> -> memref<32x1024xf32, #tpu.memory_space<hbm>>
    %dma_wait3A_337 = arith.constant 0 : i32
    %dma_wait3A_338 = tpu.memref_slice %arg3[%dma_wait3A_329, %add3A_263, %dma_wait3A_337] : memref<4x8192x1024xf32, #tpu.memory_space<hbm>> -> memref<1x32x1024xf32, #tpu.memory_space<hbm>>
    %dma_wait3A_339 = tpu.memref_squeeze %dma_wait3A_338 : memref<1x32x1024xf32, #tpu.memory_space<hbm>> -> memref<32x1024xf32, #tpu.memory_space<hbm>>
    %dma_wait3A_340 = arith.constant 0 : i32
    %dma_wait3A_341 = arith.constant 0 : i32
    %dma_wait3A_342 = tpu.memref_slice %arg4[%dma_wait3A_328, %dma_wait3A_340, %dma_wait3A_341] : memref<2x32x1024xf32, #tpu.memory_space<vmem>> -> memref<1x32x1024xf32, #tpu.memory_space<vmem>>
    %dma_wait3A_343 = tpu.memref_squeeze %dma_wait3A_342 : memref<1x32x1024xf32, #tpu.memory_space<vmem>> -> memref<32x1024xf32, #tpu.memory_space<vmem>>
    tpu.wait_dma2 semaphore(%arg6 : memref<!tpu.dma_semaphore, #tpu.memory_space<semaphore_mem>>) src(%dma_wait3A_343 : memref<32x1024xf32, #tpu.memory_space<vmem>>) dst(%dma_wait3A_339 : memref<32x1024xf32, #tpu.memory_space<hbm>>)
    %add3A_344 = arith.constant 96 : i32
    %add3A_345 = arith.addi %mul3A_2, %add3A_344 : i32
    %dma_start3A_346 = arith.constant 1 : i32
    %dma_start3A_347 = arith.constant 0 : i32
    %dma_start3A_348 = arith.constant 0 : i32
    %dma_start3A_349 = tpu.memref_slice %arg4[%dma_start3A_346, %dma_start3A_347, %dma_start3A_348] : memref<2x32x1024xf32, #tpu.memory_space<vmem>> -> memref<1x32x1024xf32, #tpu.memory_space<vmem>>
    %dma_start3A_350 = tpu.memref_squeeze %dma_start3A_349 : memref<1x32x1024xf32, #tpu.memory_space<vmem>> -> memref<32x1024xf32, #tpu.memory_space<vmem>>
    %dma_start3A_351 = arith.constant 0 : i32
    %dma_start3A_352 = tpu.memref_slice %arg2[%add3A_345, %dma_start3A_351] : memref<8192x1024xf32, #tpu.memory_space<hbm>> -> memref<32x1024xf32, #tpu.memory_space<hbm>>
    %dma_start3A_353 = arith.constant 0 : i32
    %dma_start3A_354 = arith.constant 0 : i32
    %dma_start3A_355 = tpu.memref_slice %arg4[%dma_start3A_346, %dma_start3A_353, %dma_start3A_354] : memref<2x32x1024xf32, #tpu.memory_space<vmem>> -> memref<1x32x1024xf32, #tpu.memory_space<vmem>>
    %dma_start3A_356 = tpu.memref_squeeze %dma_start3A_355 : memref<1x32x1024xf32, #tpu.memory_space<vmem>> -> memref<32x1024xf32, #tpu.memory_space<vmem>>
    %dma_start3A_357 = arith.constant 0 : i32
    %dma_start3A_358 = tpu.memref_slice %arg2[%add3A_345, %dma_start3A_357] : memref<8192x1024xf32, #tpu.memory_space<hbm>> -> memref<32x1024xf32, #tpu.memory_space<hbm>>
    tpu.enqueue_dma source(%dma_start3A_358 : memref<32x1024xf32, #tpu.memory_space<hbm>>) target(%dma_start3A_356 : memref<32x1024xf32, #tpu.memory_space<vmem>>) target_semaphore(%arg5 : memref<!tpu.dma_semaphore, #tpu.memory_space<semaphore_mem>>)
    %dma_wait3A_359 = arith.constant 0 : i32
    %dma_wait3A_360 = arith.constant 0 : i32
    %dma_wait3A_361 = arith.constant 0 : i32
    %dma_wait3A_362 = tpu.memref_slice %arg4[%dma_wait3A_359, %dma_wait3A_360, %dma_wait3A_361] : memref<2x32x1024xf32, #tpu.memory_space<vmem>> -> memref<1x32x1024xf32, #tpu.memory_space<vmem>>
    %dma_wait3A_363 = tpu.memref_squeeze %dma_wait3A_362 : memref<1x32x1024xf32, #tpu.memory_space<vmem>> -> memref<32x1024xf32, #tpu.memory_space<vmem>>
    %dma_wait3A_364 = arith.constant 0 : i32
    %dma_wait3A_365 = tpu.memref_slice %arg2[%add3A_181, %dma_wait3A_364] : memref<8192x1024xf32, #tpu.memory_space<hbm>> -> memref<32x1024xf32, #tpu.memory_space<hbm>>
    %dma_wait3A_366 = arith.constant 0 : i32
    %dma_wait3A_367 = arith.constant 0 : i32
    %dma_wait3A_368 = tpu.memref_slice %arg4[%dma_wait3A_359, %dma_wait3A_366, %dma_wait3A_367] : memref<2x32x1024xf32, #tpu.memory_space<vmem>> -> memref<1x32x1024xf32, #tpu.memory_space<vmem>>
    %dma_wait3A_369 = tpu.memref_squeeze %dma_wait3A_368 : memref<1x32x1024xf32, #tpu.memory_space<vmem>> -> memref<32x1024xf32, #tpu.memory_space<vmem>>
    %dma_wait3A_370 = arith.constant 0 : i32
    %dma_wait3A_371 = tpu.memref_slice %arg2[%add3A_181, %dma_wait3A_370] : memref<8192x1024xf32, #tpu.memory_space<hbm>> -> memref<32x1024xf32, #tpu.memory_space<hbm>>
    tpu.wait_dma2 semaphore(%arg5 : memref<!tpu.dma_semaphore, #tpu.memory_space<semaphore_mem>>) src(%dma_wait3A_371 : memref<32x1024xf32, #tpu.memory_space<hbm>>) dst(%dma_wait3A_369 : memref<32x1024xf32, #tpu.memory_space<vmem>>)
    %add3A_372 = arith.constant 64 : i32
    %add3A_373 = arith.addi %mul3A_2, %add3A_372 : i32
    %dma_start3A_374 = arith.constant 0 : i32
    %dma_start3A_375 = arith.constant 0 : i32
    %dma_start3A_376 = arith.constant 0 : i32
    %dma_start3A_377 = arith.constant 0 : i32
    %dma_start3A_378 = tpu.memref_slice %arg4[%dma_start3A_374, %dma_start3A_376, %dma_start3A_377] : memref<2x32x1024xf32, #tpu.memory_space<vmem>> -> memref<1x32x1024xf32, #tpu.memory_space<vmem>>
    %dma_start3A_379 = tpu.memref_squeeze %dma_start3A_378 : memref<1x32x1024xf32, #tpu.memory_space<vmem>> -> memref<32x1024xf32, #tpu.memory_space<vmem>>
    %dma_start3A_380 = arith.constant 0 : i32
    %dma_start3A_381 = tpu.memref_slice %arg3[%dma_start3A_375, %add3A_373, %dma_start3A_380] : memref<4x8192x1024xf32, #tpu.memory_space<hbm>> -> memref<1x32x1024xf32, #tpu.memory_space<hbm>>
    %dma_start3A_382 = tpu.memref_squeeze %dma_start3A_381 : memref<1x32x1024xf32, #tpu.memory_space<hbm>> -> memref<32x1024xf32, #tpu.memory_space<hbm>>
    %dma_start3A_383 = arith.constant 0 : i32
    %dma_start3A_384 = tpu.memref_slice %arg3[%dma_start3A_375, %add3A_373, %dma_start3A_383] : memref<4x8192x1024xf32, #tpu.memory_space<hbm>> -> memref<1x32x1024xf32, #tpu.memory_space<hbm>>
    %dma_start3A_385 = tpu.memref_squeeze %dma_start3A_384 : memref<1x32x1024xf32, #tpu.memory_space<hbm>> -> memref<32x1024xf32, #tpu.memory_space<hbm>>
    %dma_start3A_386 = arith.constant 0 : i32
    %dma_start3A_387 = arith.constant 0 : i32
    %dma_start3A_388 = tpu.memref_slice %arg4[%dma_start3A_374, %dma_start3A_386, %dma_start3A_387] : memref<2x32x1024xf32, #tpu.memory_space<vmem>> -> memref<1x32x1024xf32, #tpu.memory_space<vmem>>
    %dma_start3A_389 = tpu.memref_squeeze %dma_start3A_388 : memref<1x32x1024xf32, #tpu.memory_space<vmem>> -> memref<32x1024xf32, #tpu.memory_space<vmem>>
    tpu.enqueue_dma source(%dma_start3A_389 : memref<32x1024xf32, #tpu.memory_space<vmem>>) target(%dma_start3A_385 : memref<32x1024xf32, #tpu.memory_space<hbm>>) target_semaphore(%arg6 : memref<!tpu.dma_semaphore, #tpu.memory_space<semaphore_mem>>)
    %add3A_390 = arith.constant 64 : i32
    %add3A_391 = arith.addi %mul3A_2, %add3A_390 : i32
    %dma_start3A_392 = arith.constant 0 : i32
    %dma_start3A_393 = arith.constant 1 : i32
    %dma_start3A_394 = arith.constant 0 : i32
    %dma_start3A_395 = arith.constant 0 : i32
    %dma_start3A_396 = tpu.memref_slice %arg4[%dma_start3A_392, %dma_start3A_394, %dma_start3A_395] : memref<2x32x1024xf32, #tpu.memory_space<vmem>> -> memref<1x32x1024xf32, #tpu.memory_space<vmem>>
    %dma_start3A_397 = tpu.memref_squeeze %dma_start3A_396 : memref<1x32x1024xf32, #tpu.memory_space<vmem>> -> memref<32x1024xf32, #tpu.memory_space<vmem>>
    %dma_start3A_398 = arith.constant 0 : i32
    %dma_start3A_399 = tpu.memref_slice %arg3[%dma_start3A_393, %add3A_391, %dma_start3A_398] : memref<4x8192x1024xf32, #tpu.memory_space<hbm>> -> memref<1x32x1024xf32, #tpu.memory_space<hbm>>
    %dma_start3A_400 = tpu.memref_squeeze %dma_start3A_399 : memref<1x32x1024xf32, #tpu.memory_space<hbm>> -> memref<32x1024xf32, #tpu.memory_space<hbm>>
    %dma_start3A_401 = arith.constant 0 : i32
    %dma_start3A_402 = tpu.memref_slice %arg3[%dma_start3A_393, %add3A_391, %dma_start3A_401] : memref<4x8192x1024xf32, #tpu.memory_space<hbm>> -> memref<1x32x1024xf32, #tpu.memory_space<hbm>>
    %dma_start3A_403 = tpu.memref_squeeze %dma_start3A_402 : memref<1x32x1024xf32, #tpu.memory_space<hbm>> -> memref<32x1024xf32, #tpu.memory_space<hbm>>
    %dma_start3A_404 = arith.constant 0 : i32
    %dma_start3A_405 = arith.constant 0 : i32
    %dma_start3A_406 = tpu.memref_slice %arg4[%dma_start3A_392, %dma_start3A_404, %dma_start3A_405] : memref<2x32x1024xf32, #tpu.memory_space<vmem>> -> memref<1x32x1024xf32, #tpu.memory_space<vmem>>
    %dma_start3A_407 = tpu.memref_squeeze %dma_start3A_406 : memref<1x32x1024xf32, #tpu.memory_space<vmem>> -> memref<32x1024xf32, #tpu.memory_space<vmem>>
    tpu.enqueue_dma source(%dma_start3A_407 : memref<32x1024xf32, #tpu.memory_space<vmem>>) target(%dma_start3A_403 : memref<32x1024xf32, #tpu.memory_space<hbm>>) target_semaphore(%arg6 : memref<!tpu.dma_semaphore, #tpu.memory_space<semaphore_mem>>)
    %add3A_408 = arith.constant 64 : i32
    %add3A_409 = arith.addi %mul3A_2, %add3A_408 : i32
    %dma_start3A_410 = arith.constant 0 : i32
    %dma_start3A_411 = arith.constant 2 : i32
    %dma_start3A_412 = arith.constant 0 : i32
    %dma_start3A_413 = arith.constant 0 : i32
    %dma_start3A_414 = tpu.memref_slice %arg4[%dma_start3A_410, %dma_start3A_412, %dma_start3A_413] : memref<2x32x1024xf32, #tpu.memory_space<vmem>> -> memref<1x32x1024xf32, #tpu.memory_space<vmem>>
    %dma_start3A_415 = tpu.memref_squeeze %dma_start3A_414 : memref<1x32x1024xf32, #tpu.memory_space<vmem>> -> memref<32x1024xf32, #tpu.memory_space<vmem>>
    %dma_start3A_416 = arith.constant 0 : i32
    %dma_start3A_417 = tpu.memref_slice %arg3[%dma_start3A_411, %add3A_409, %dma_start3A_416] : memref<4x8192x1024xf32, #tpu.memory_space<hbm>> -> memref<1x32x1024xf32, #tpu.memory_space<hbm>>
    %dma_start3A_418 = tpu.memref_squeeze %dma_start3A_417 : memref<1x32x1024xf32, #tpu.memory_space<hbm>> -> memref<32x1024xf32, #tpu.memory_space<hbm>>
    %dma_start3A_419 = arith.constant 0 : i32
    %dma_start3A_420 = tpu.memref_slice %arg3[%dma_start3A_411, %add3A_409, %dma_start3A_419] : memref<4x8192x1024xf32, #tpu.memory_space<hbm>> -> memref<1x32x1024xf32, #tpu.memory_space<hbm>>
    %dma_start3A_421 = tpu.memref_squeeze %dma_start3A_420 : memref<1x32x1024xf32, #tpu.memory_space<hbm>> -> memref<32x1024xf32, #tpu.memory_space<hbm>>
    %dma_start3A_422 = arith.constant 0 : i32
    %dma_start3A_423 = arith.constant 0 : i32
    %dma_start3A_424 = tpu.memref_slice %arg4[%dma_start3A_410, %dma_start3A_422, %dma_start3A_423] : memref<2x32x1024xf32, #tpu.memory_space<vmem>> -> memref<1x32x1024xf32, #tpu.memory_space<vmem>>
    %dma_start3A_425 = tpu.memref_squeeze %dma_start3A_424 : memref<1x32x1024xf32, #tpu.memory_space<vmem>> -> memref<32x1024xf32, #tpu.memory_space<vmem>>
    tpu.enqueue_dma source(%dma_start3A_425 : memref<32x1024xf32, #tpu.memory_space<vmem>>) target(%dma_start3A_421 : memref<32x1024xf32, #tpu.memory_space<hbm>>) target_semaphore(%arg6 : memref<!tpu.dma_semaphore, #tpu.memory_space<semaphore_mem>>)
    %add3A_426 = arith.constant 64 : i32
    %add3A_427 = arith.addi %mul3A_2, %add3A_426 : i32
    %dma_start3A_428 = arith.constant 0 : i32
    %dma_start3A_429 = arith.constant 3 : i32
    %dma_start3A_430 = arith.constant 0 : i32
    %dma_start3A_431 = arith.constant 0 : i32
    %dma_start3A_432 = tpu.memref_slice %arg4[%dma_start3A_428, %dma_start3A_430, %dma_start3A_431] : memref<2x32x1024xf32, #tpu.memory_space<vmem>> -> memref<1x32x1024xf32, #tpu.memory_space<vmem>>
    %dma_start3A_433 = tpu.memref_squeeze %dma_start3A_432 : memref<1x32x1024xf32, #tpu.memory_space<vmem>> -> memref<32x1024xf32, #tpu.memory_space<vmem>>
    %dma_start3A_434 = arith.constant 0 : i32
    %dma_start3A_435 = tpu.memref_slice %arg3[%dma_start3A_429, %add3A_427, %dma_start3A_434] : memref<4x8192x1024xf32, #tpu.memory_space<hbm>> -> memref<1x32x1024xf32, #tpu.memory_space<hbm>>
    %dma_start3A_436 = tpu.memref_squeeze %dma_start3A_435 : memref<1x32x1024xf32, #tpu.memory_space<hbm>> -> memref<32x1024xf32, #tpu.memory_space<hbm>>
    %dma_start3A_437 = arith.constant 0 : i32
    %dma_start3A_438 = tpu.memref_slice %arg3[%dma_start3A_429, %add3A_427, %dma_start3A_437] : memref<4x8192x1024xf32, #tpu.memory_space<hbm>> -> memref<1x32x1024xf32, #tpu.memory_space<hbm>>
    %dma_start3A_439 = tpu.memref_squeeze %dma_start3A_438 : memref<1x32x1024xf32, #tpu.memory_space<hbm>> -> memref<32x1024xf32, #tpu.memory_space<hbm>>
    %dma_start3A_440 = arith.constant 0 : i32
    %dma_start3A_441 = arith.constant 0 : i32
    %dma_start3A_442 = tpu.memref_slice %arg4[%dma_start3A_428, %dma_start3A_440, %dma_start3A_441] : memref<2x32x1024xf32, #tpu.memory_space<vmem>> -> memref<1x32x1024xf32, #tpu.memory_space<vmem>>
    %dma_start3A_443 = tpu.memref_squeeze %dma_start3A_442 : memref<1x32x1024xf32, #tpu.memory_space<vmem>> -> memref<32x1024xf32, #tpu.memory_space<vmem>>
    tpu.enqueue_dma source(%dma_start3A_443 : memref<32x1024xf32, #tpu.memory_space<vmem>>) target(%dma_start3A_439 : memref<32x1024xf32, #tpu.memory_space<hbm>>) target_semaphore(%arg6 : memref<!tpu.dma_semaphore, #tpu.memory_space<semaphore_mem>>)
    %dma_wait3A_444 = arith.constant 0 : i32
    %dma_wait3A_445 = arith.constant 0 : i32
    %dma_wait3A_446 = arith.constant 0 : i32
    %dma_wait3A_447 = arith.constant 0 : i32
    %dma_wait3A_448 = tpu.memref_slice %arg4[%dma_wait3A_444, %dma_wait3A_446, %dma_wait3A_447] : memref<2x32x1024xf32, #tpu.memory_space<vmem>> -> memref<1x32x1024xf32, #tpu.memory_space<vmem>>
    %dma_wait3A_449 = tpu.memref_squeeze %dma_wait3A_448 : memref<1x32x1024xf32, #tpu.memory_space<vmem>> -> memref<32x1024xf32, #tpu.memory_space<vmem>>
    %dma_wait3A_450 = arith.constant 0 : i32
    %dma_wait3A_451 = tpu.memref_slice %arg3[%dma_wait3A_445, %add3A_373, %dma_wait3A_450] : memref<4x8192x1024xf32, #tpu.memory_space<hbm>> -> memref<1x32x1024xf32, #tpu.memory_space<hbm>>
    %dma_wait3A_452 = tpu.memref_squeeze %dma_wait3A_451 : memref<1x32x1024xf32, #tpu.memory_space<hbm>> -> memref<32x1024xf32, #tpu.memory_space<hbm>>
    %dma_wait3A_453 = arith.constant 0 : i32
    %dma_wait3A_454 = tpu.memref_slice %arg3[%dma_wait3A_445, %add3A_373, %dma_wait3A_453] : memref<4x8192x1024xf32, #tpu.memory_space<hbm>> -> memref<1x32x1024xf32, #tpu.memory_space<hbm>>
    %dma_wait3A_455 = tpu.memref_squeeze %dma_wait3A_454 : memref<1x32x1024xf32, #tpu.memory_space<hbm>> -> memref<32x1024xf32, #tpu.memory_space<hbm>>
    %dma_wait3A_456 = arith.constant 0 : i32
    %dma_wait3A_457 = arith.constant 0 : i32
    %dma_wait3A_458 = tpu.memref_slice %arg4[%dma_wait3A_444, %dma_wait3A_456, %dma_wait3A_457] : memref<2x32x1024xf32, #tpu.memory_space<vmem>> -> memref<1x32x1024xf32, #tpu.memory_space<vmem>>
    %dma_wait3A_459 = tpu.memref_squeeze %dma_wait3A_458 : memref<1x32x1024xf32, #tpu.memory_space<vmem>> -> memref<32x1024xf32, #tpu.memory_space<vmem>>
    tpu.wait_dma2 semaphore(%arg6 : memref<!tpu.dma_semaphore, #tpu.memory_space<semaphore_mem>>) src(%dma_wait3A_459 : memref<32x1024xf32, #tpu.memory_space<vmem>>) dst(%dma_wait3A_455 : memref<32x1024xf32, #tpu.memory_space<hbm>>)
    %dma_wait3A_460 = arith.constant 0 : i32
    %dma_wait3A_461 = arith.constant 1 : i32
    %dma_wait3A_462 = arith.constant 0 : i32
    %dma_wait3A_463 = arith.constant 0 : i32
    %dma_wait3A_464 = tpu.memref_slice %arg4[%dma_wait3A_460, %dma_wait3A_462, %dma_wait3A_463] : memref<2x32x1024xf32, #tpu.memory_space<vmem>> -> memref<1x32x1024xf32, #tpu.memory_space<vmem>>
    %dma_wait3A_465 = tpu.memref_squeeze %dma_wait3A_464 : memref<1x32x1024xf32, #tpu.memory_space<vmem>> -> memref<32x1024xf32, #tpu.memory_space<vmem>>
    %dma_wait3A_466 = arith.constant 0 : i32
    %dma_wait3A_467 = tpu.memref_slice %arg3[%dma_wait3A_461, %add3A_391, %dma_wait3A_466] : memref<4x8192x1024xf32, #tpu.memory_space<hbm>> -> memref<1x32x1024xf32, #tpu.memory_space<hbm>>
    %dma_wait3A_468 = tpu.memref_squeeze %dma_wait3A_467 : memref<1x32x1024xf32, #tpu.memory_space<hbm>> -> memref<32x1024xf32, #tpu.memory_space<hbm>>
    %dma_wait3A_469 = arith.constant 0 : i32
    %dma_wait3A_470 = tpu.memref_slice %arg3[%dma_wait3A_461, %add3A_391, %dma_wait3A_469] : memref<4x8192x1024xf32, #tpu.memory_space<hbm>> -> memref<1x32x1024xf32, #tpu.memory_space<hbm>>
    %dma_wait3A_471 = tpu.memref_squeeze %dma_wait3A_470 : memref<1x32x1024xf32, #tpu.memory_space<hbm>> -> memref<32x1024xf32, #tpu.memory_space<hbm>>
    %dma_wait3A_472 = arith.constant 0 : i32
    %dma_wait3A_473 = arith.constant 0 : i32
    %dma_wait3A_474 = tpu.memref_slice %arg4[%dma_wait3A_460, %dma_wait3A_472, %dma_wait3A_473] : memref<2x32x1024xf32, #tpu.memory_space<vmem>> -> memref<1x32x1024xf32, #tpu.memory_space<vmem>>
    %dma_wait3A_475 = tpu.memref_squeeze %dma_wait3A_474 : memref<1x32x1024xf32, #tpu.memory_space<vmem>> -> memref<32x1024xf32, #tpu.memory_space<vmem>>
    tpu.wait_dma2 semaphore(%arg6 : memref<!tpu.dma_semaphore, #tpu.memory_space<semaphore_mem>>) src(%dma_wait3A_475 : memref<32x1024xf32, #tpu.memory_space<vmem>>) dst(%dma_wait3A_471 : memref<32x1024xf32, #tpu.memory_space<hbm>>)
    %dma_wait3A_476 = arith.constant 0 : i32
    %dma_wait3A_477 = arith.constant 2 : i32
    %dma_wait3A_478 = arith.constant 0 : i32
    %dma_wait3A_479 = arith.constant 0 : i32
    %dma_wait3A_480 = tpu.memref_slice %arg4[%dma_wait3A_476, %dma_wait3A_478, %dma_wait3A_479] : memref<2x32x1024xf32, #tpu.memory_space<vmem>> -> memref<1x32x1024xf32, #tpu.memory_space<vmem>>
    %dma_wait3A_481 = tpu.memref_squeeze %dma_wait3A_480 : memref<1x32x1024xf32, #tpu.memory_space<vmem>> -> memref<32x1024xf32, #tpu.memory_space<vmem>>
    %dma_wait3A_482 = arith.constant 0 : i32
    %dma_wait3A_483 = tpu.memref_slice %arg3[%dma_wait3A_477, %add3A_409, %dma_wait3A_482] : memref<4x8192x1024xf32, #tpu.memory_space<hbm>> -> memref<1x32x1024xf32, #tpu.memory_space<hbm>>
    %dma_wait3A_484 = tpu.memref_squeeze %dma_wait3A_483 : memref<1x32x1024xf32, #tpu.memory_space<hbm>> -> memref<32x1024xf32, #tpu.memory_space<hbm>>
    %dma_wait3A_485 = arith.constant 0 : i32
    %dma_wait3A_486 = tpu.memref_slice %arg3[%dma_wait3A_477, %add3A_409, %dma_wait3A_485] : memref<4x8192x1024xf32, #tpu.memory_space<hbm>> -> memref<1x32x1024xf32, #tpu.memory_space<hbm>>
    %dma_wait3A_487 = tpu.memref_squeeze %dma_wait3A_486 : memref<1x32x1024xf32, #tpu.memory_space<hbm>> -> memref<32x1024xf32, #tpu.memory_space<hbm>>
    %dma_wait3A_488 = arith.constant 0 : i32
    %dma_wait3A_489 = arith.constant 0 : i32
    %dma_wait3A_490 = tpu.memref_slice %arg4[%dma_wait3A_476, %dma_wait3A_488, %dma_wait3A_489] : memref<2x32x1024xf32, #tpu.memory_space<vmem>> -> memref<1x32x1024xf32, #tpu.memory_space<vmem>>
    %dma_wait3A_491 = tpu.memref_squeeze %dma_wait3A_490 : memref<1x32x1024xf32, #tpu.memory_space<vmem>> -> memref<32x1024xf32, #tpu.memory_space<vmem>>
    tpu.wait_dma2 semaphore(%arg6 : memref<!tpu.dma_semaphore, #tpu.memory_space<semaphore_mem>>) src(%dma_wait3A_491 : memref<32x1024xf32, #tpu.memory_space<vmem>>) dst(%dma_wait3A_487 : memref<32x1024xf32, #tpu.memory_space<hbm>>)
    %dma_wait3A_492 = arith.constant 0 : i32
    %dma_wait3A_493 = arith.constant 3 : i32
    %dma_wait3A_494 = arith.constant 0 : i32
    %dma_wait3A_495 = arith.constant 0 : i32
    %dma_wait3A_496 = tpu.memref_slice %arg4[%dma_wait3A_492, %dma_wait3A_494, %dma_wait3A_495] : memref<2x32x1024xf32, #tpu.memory_space<vmem>> -> memref<1x32x1024xf32, #tpu.memory_space<vmem>>
    %dma_wait3A_497 = tpu.memref_squeeze %dma_wait3A_496 : memref<1x32x1024xf32, #tpu.memory_space<vmem>> -> memref<32x1024xf32, #tpu.memory_space<vmem>>
    %dma_wait3A_498 = arith.constant 0 : i32
    %dma_wait3A_499 = tpu.memref_slice %arg3[%dma_wait3A_493, %add3A_427, %dma_wait3A_498] : memref<4x8192x1024xf32, #tpu.memory_space<hbm>> -> memref<1x32x1024xf32, #tpu.memory_space<hbm>>
    %dma_wait3A_500 = tpu.memref_squeeze %dma_wait3A_499 : memref<1x32x1024xf32, #tpu.memory_space<hbm>> -> memref<32x1024xf32, #tpu.memory_space<hbm>>
    %dma_wait3A_501 = arith.constant 0 : i32
    %dma_wait3A_502 = tpu.memref_slice %arg3[%dma_wait3A_493, %add3A_427, %dma_wait3A_501] : memref<4x8192x1024xf32, #tpu.memory_space<hbm>> -> memref<1x32x1024xf32, #tpu.memory_space<hbm>>
    %dma_wait3A_503 = tpu.memref_squeeze %dma_wait3A_502 : memref<1x32x1024xf32, #tpu.memory_space<hbm>> -> memref<32x1024xf32, #tpu.memory_space<hbm>>
    %dma_wait3A_504 = arith.constant 0 : i32
    %dma_wait3A_505 = arith.constant 0 : i32
    %dma_wait3A_506 = tpu.memref_slice %arg4[%dma_wait3A_492, %dma_wait3A_504, %dma_wait3A_505] : memref<2x32x1024xf32, #tpu.memory_space<vmem>> -> memref<1x32x1024xf32, #tpu.memory_space<vmem>>
    %dma_wait3A_507 = tpu.memref_squeeze %dma_wait3A_506 : memref<1x32x1024xf32, #tpu.memory_space<vmem>> -> memref<32x1024xf32, #tpu.memory_space<vmem>>
    tpu.wait_dma2 semaphore(%arg6 : memref<!tpu.dma_semaphore, #tpu.memory_space<semaphore_mem>>) src(%dma_wait3A_507 : memref<32x1024xf32, #tpu.memory_space<vmem>>) dst(%dma_wait3A_503 : memref<32x1024xf32, #tpu.memory_space<hbm>>)
    %add3A_508 = arith.constant 128 : i32
    %add3A_509 = arith.addi %mul3A_2, %add3A_508 : i32
    %dma_start3A_510 = arith.constant 0 : i32
    %dma_start3A_511 = arith.constant 0 : i32
    %dma_start3A_512 = arith.constant 0 : i32
    %dma_start3A_513 = tpu.memref_slice %arg4[%dma_start3A_510, %dma_start3A_511, %dma_start3A_512] : memref<2x32x1024xf32, #tpu.memory_space<vmem>> -> memref<1x32x1024xf32, #tpu.memory_space<vmem>>
    %dma_start3A_514 = tpu.memref_squeeze %dma_start3A_513 : memref<1x32x1024xf32, #tpu.memory_space<vmem>> -> memref<32x1024xf32, #tpu.memory_space<vmem>>
    %dma_start3A_515 = arith.constant 0 : i32
    %dma_start3A_516 = tpu.memref_slice %arg2[%add3A_509, %dma_start3A_515] : memref<8192x1024xf32, #tpu.memory_space<hbm>> -> memref<32x1024xf32, #tpu.memory_space<hbm>>
    %dma_start3A_517 = arith.constant 0 : i32
    %dma_start3A_518 = arith.constant 0 : i32
    %dma_start3A_519 = tpu.memref_slice %arg4[%dma_start3A_510, %dma_start3A_517, %dma_start3A_518] : memref<2x32x1024xf32, #tpu.memory_space<vmem>> -> memref<1x32x1024xf32, #tpu.memory_space<vmem>>
    %dma_start3A_520 = tpu.memref_squeeze %dma_start3A_519 : memref<1x32x1024xf32, #tpu.memory_space<vmem>> -> memref<32x1024xf32, #tpu.memory_space<vmem>>
    %dma_start3A_521 = arith.constant 0 : i32
    %dma_start3A_522 = tpu.memref_slice %arg2[%add3A_509, %dma_start3A_521] : memref<8192x1024xf32, #tpu.memory_space<hbm>> -> memref<32x1024xf32, #tpu.memory_space<hbm>>
    tpu.enqueue_dma source(%dma_start3A_522 : memref<32x1024xf32, #tpu.memory_space<hbm>>) target(%dma_start3A_520 : memref<32x1024xf32, #tpu.memory_space<vmem>>) target_semaphore(%arg5 : memref<!tpu.dma_semaphore, #tpu.memory_space<semaphore_mem>>)
    %dma_wait3A_523 = arith.constant 1 : i32
    %dma_wait3A_524 = arith.constant 0 : i32
    %dma_wait3A_525 = arith.constant 0 : i32
    %dma_wait3A_526 = tpu.memref_slice %arg4[%dma_wait3A_523, %dma_wait3A_524, %dma_wait3A_525] : memref<2x32x1024xf32, #tpu.memory_space<vmem>> -> memref<1x32x1024xf32, #tpu.memory_space<vmem>>
    %dma_wait3A_527 = tpu.memref_squeeze %dma_wait3A_526 : memref<1x32x1024xf32, #tpu.memory_space<vmem>> -> memref<32x1024xf32, #tpu.memory_space<vmem>>
    %dma_wait3A_528 = arith.constant 0 : i32
    %dma_wait3A_529 = tpu.memref_slice %arg2[%add3A_345, %dma_wait3A_528] : memref<8192x1024xf32, #tpu.memory_space<hbm>> -> memref<32x1024xf32, #tpu.memory_space<hbm>>
    %dma_wait3A_530 = arith.constant 0 : i32
    %dma_wait3A_531 = arith.constant 0 : i32
    %dma_wait3A_532 = tpu.memref_slice %arg4[%dma_wait3A_523, %dma_wait3A_530, %dma_wait3A_531] : memref<2x32x1024xf32, #tpu.memory_space<vmem>> -> memref<1x32x1024xf32, #tpu.memory_space<vmem>>
    %dma_wait3A_533 = tpu.memref_squeeze %dma_wait3A_532 : memref<1x32x1024xf32, #tpu.memory_space<vmem>> -> memref<32x1024xf32, #tpu.memory_space<vmem>>
    %dma_wait3A_534 = arith.constant 0 : i32
    %dma_wait3A_535 = tpu.memref_slice %arg2[%add3A_345, %dma_wait3A_534] : memref<8192x1024xf32, #tpu.memory_space<hbm>> -> memref<32x1024xf32, #tpu.memory_space<hbm>>
    tpu.wait_dma2 semaphore(%arg5 : memref<!tpu.dma_semaphore, #tpu.memory_space<semaphore_mem>>) src(%dma_wait3A_535 : memref<32x1024xf32, #tpu.memory_space<hbm>>) dst(%dma_wait3A_533 : memref<32x1024xf32, #tpu.memory_space<vmem>>)
    %add3A_536 = arith.constant 96 : i32
    %add3A_537 = arith.addi %mul3A_2, %add3A_536 : i32
    %dma_start3A_538 = arith.constant 1 : i32
    %dma_start3A_539 = arith.constant 0 : i32
    %dma_start3A_540 = arith.constant 0 : i32
    %dma_start3A_541 = arith.constant 0 : i32
    %dma_start3A_542 = tpu.memref_slice %arg4[%dma_start3A_538, %dma_start3A_540, %dma_start3A_541] : memref<2x32x1024xf32, #tpu.memory_space<vmem>> -> memref<1x32x1024xf32, #tpu.memory_space<vmem>>
    %dma_start3A_543 = tpu.memref_squeeze %dma_start3A_542 : memref<1x32x1024xf32, #tpu.memory_space<vmem>> -> memref<32x1024xf32, #tpu.memory_space<vmem>>
    %dma_start3A_544 = arith.constant 0 : i32
    %dma_start3A_545 = tpu.memref_slice %arg3[%dma_start3A_539, %add3A_537, %dma_start3A_544] : memref<4x8192x1024xf32, #tpu.memory_space<hbm>> -> memref<1x32x1024xf32, #tpu.memory_space<hbm>>
    %dma_start3A_546 = tpu.memref_squeeze %dma_start3A_545 : memref<1x32x1024xf32, #tpu.memory_space<hbm>> -> memref<32x1024xf32, #tpu.memory_space<hbm>>
    %dma_start3A_547 = arith.constant 0 : i32
    %dma_start3A_548 = tpu.memref_slice %arg3[%dma_start3A_539, %add3A_537, %dma_start3A_547] : memref<4x8192x1024xf32, #tpu.memory_space<hbm>> -> memref<1x32x1024xf32, #tpu.memory_space<hbm>>
    %dma_start3A_549 = tpu.memref_squeeze %dma_start3A_548 : memref<1x32x1024xf32, #tpu.memory_space<hbm>> -> memref<32x1024xf32, #tpu.memory_space<hbm>>
    %dma_start3A_550 = arith.constant 0 : i32
    %dma_start3A_551 = arith.constant 0 : i32
    %dma_start3A_552 = tpu.memref_slice %arg4[%dma_start3A_538, %dma_start3A_550, %dma_start3A_551] : memref<2x32x1024xf32, #tpu.memory_space<vmem>> -> memref<1x32x1024xf32, #tpu.memory_space<vmem>>
    %dma_start3A_553 = tpu.memref_squeeze %dma_start3A_552 : memref<1x32x1024xf32, #tpu.memory_space<vmem>> -> memref<32x1024xf32, #tpu.memory_space<vmem>>
    tpu.enqueue_dma source(%dma_start3A_553 : memref<32x1024xf32, #tpu.memory_space<vmem>>) target(%dma_start3A_549 : memref<32x1024xf32, #tpu.memory_space<hbm>>) target_semaphore(%arg6 : memref<!tpu.dma_semaphore, #tpu.memory_space<semaphore_mem>>)
    %add3A_554 = arith.constant 96 : i32
    %add3A_555 = arith.addi %mul3A_2, %add3A_554 : i32
    %dma_start3A_556 = arith.constant 1 : i32
    %dma_start3A_557 = arith.constant 1 : i32
    %dma_start3A_558 = arith.constant 0 : i32
    %dma_start3A_559 = arith.constant 0 : i32
    %dma_start3A_560 = tpu.memref_slice %arg4[%dma_start3A_556, %dma_start3A_558, %dma_start3A_559] : memref<2x32x1024xf32, #tpu.memory_space<vmem>> -> memref<1x32x1024xf32, #tpu.memory_space<vmem>>
    %dma_start3A_561 = tpu.memref_squeeze %dma_start3A_560 : memref<1x32x1024xf32, #tpu.memory_space<vmem>> -> memref<32x1024xf32, #tpu.memory_space<vmem>>
    %dma_start3A_562 = arith.constant 0 : i32
    %dma_start3A_563 = tpu.memref_slice %arg3[%dma_start3A_557, %add3A_555, %dma_start3A_562] : memref<4x8192x1024xf32, #tpu.memory_space<hbm>> -> memref<1x32x1024xf32, #tpu.memory_space<hbm>>
    %dma_start3A_564 = tpu.memref_squeeze %dma_start3A_563 : memref<1x32x1024xf32, #tpu.memory_space<hbm>> -> memref<32x1024xf32, #tpu.memory_space<hbm>>
    %dma_start3A_565 = arith.constant 0 : i32
    %dma_start3A_566 = tpu.memref_slice %arg3[%dma_start3A_557, %add3A_555, %dma_start3A_565] : memref<4x8192x1024xf32, #tpu.memory_space<hbm>> -> memref<1x32x1024xf32, #tpu.memory_space<hbm>>
    %dma_start3A_567 = tpu.memref_squeeze %dma_start3A_566 : memref<1x32x1024xf32, #tpu.memory_space<hbm>> -> memref<32x1024xf32, #tpu.memory_space<hbm>>
    %dma_start3A_568 = arith.constant 0 : i32
    %dma_start3A_569 = arith.constant 0 : i32
    %dma_start3A_570 = tpu.memref_slice %arg4[%dma_start3A_556, %dma_start3A_568, %dma_start3A_569] : memref<2x32x1024xf32, #tpu.memory_space<vmem>> -> memref<1x32x1024xf32, #tpu.memory_space<vmem>>
    %dma_start3A_571 = tpu.memref_squeeze %dma_start3A_570 : memref<1x32x1024xf32, #tpu.memory_space<vmem>> -> memref<32x1024xf32, #tpu.memory_space<vmem>>
    tpu.enqueue_dma source(%dma_start3A_571 : memref<32x1024xf32, #tpu.memory_space<vmem>>) target(%dma_start3A_567 : memref<32x1024xf32, #tpu.memory_space<hbm>>) target_semaphore(%arg6 : memref<!tpu.dma_semaphore, #tpu.memory_space<semaphore_mem>>)
    %add3A_572 = arith.constant 96 : i32
    %add3A_573 = arith.addi %mul3A_2, %add3A_572 : i32
    %dma_start3A_574 = arith.constant 1 : i32
    %dma_start3A_575 = arith.constant 2 : i32
    %dma_start3A_576 = arith.constant 0 : i32
    %dma_start3A_577 = arith.constant 0 : i32
    %dma_start3A_578 = tpu.memref_slice %arg4[%dma_start3A_574, %dma_start3A_576, %dma_start3A_577] : memref<2x32x1024xf32, #tpu.memory_space<vmem>> -> memref<1x32x1024xf32, #tpu.memory_space<vmem>>
    %dma_start3A_579 = tpu.memref_squeeze %dma_start3A_578 : memref<1x32x1024xf32, #tpu.memory_space<vmem>> -> memref<32x1024xf32, #tpu.memory_space<vmem>>
    %dma_start3A_580 = arith.constant 0 : i32
    %dma_start3A_581 = tpu.memref_slice %arg3[%dma_start3A_575, %add3A_573, %dma_start3A_580] : memref<4x8192x1024xf32, #tpu.memory_space<hbm>> -> memref<1x32x1024xf32, #tpu.memory_space<hbm>>
    %dma_start3A_582 = tpu.memref_squeeze %dma_start3A_581 : memref<1x32x1024xf32, #tpu.memory_space<hbm>> -> memref<32x1024xf32, #tpu.memory_space<hbm>>
    %dma_start3A_583 = arith.constant 0 : i32
    %dma_start3A_584 = tpu.memref_slice %arg3[%dma_start3A_575, %add3A_573, %dma_start3A_583] : memref<4x8192x1024xf32, #tpu.memory_space<hbm>> -> memref<1x32x1024xf32, #tpu.memory_space<hbm>>
    %dma_start3A_585 = tpu.memref_squeeze %dma_start3A_584 : memref<1x32x1024xf32, #tpu.memory_space<hbm>> -> memref<32x1024xf32, #tpu.memory_space<hbm>>
    %dma_start3A_586 = arith.constant 0 : i32
    %dma_start3A_587 = arith.constant 0 : i32
    %dma_start3A_588 = tpu.memref_slice %arg4[%dma_start3A_574, %dma_start3A_586, %dma_start3A_587] : memref<2x32x1024xf32, #tpu.memory_space<vmem>> -> memref<1x32x1024xf32, #tpu.memory_space<vmem>>
    %dma_start3A_589 = tpu.memref_squeeze %dma_start3A_588 : memref<1x32x1024xf32, #tpu.memory_space<vmem>> -> memref<32x1024xf32, #tpu.memory_space<vmem>>
    tpu.enqueue_dma source(%dma_start3A_589 : memref<32x1024xf32, #tpu.memory_space<vmem>>) target(%dma_start3A_585 : memref<32x1024xf32, #tpu.memory_space<hbm>>) target_semaphore(%arg6 : memref<!tpu.dma_semaphore, #tpu.memory_space<semaphore_mem>>)
    %add3A_590 = arith.constant 96 : i32
    %add3A_591 = arith.addi %mul3A_2, %add3A_590 : i32
    %dma_start3A_592 = arith.constant 1 : i32
    %dma_start3A_593 = arith.constant 3 : i32
    %dma_start3A_594 = arith.constant 0 : i32
    %dma_start3A_595 = arith.constant 0 : i32
    %dma_start3A_596 = tpu.memref_slice %arg4[%dma_start3A_592, %dma_start3A_594, %dma_start3A_595] : memref<2x32x1024xf32, #tpu.memory_space<vmem>> -> memref<1x32x1024xf32, #tpu.memory_space<vmem>>
    %dma_start3A_597 = tpu.memref_squeeze %dma_start3A_596 : memref<1x32x1024xf32, #tpu.memory_space<vmem>> -> memref<32x1024xf32, #tpu.memory_space<vmem>>
    %dma_start3A_598 = arith.constant 0 : i32
    %dma_start3A_599 = tpu.memref_slice %arg3[%dma_start3A_593, %add3A_591, %dma_start3A_598] : memref<4x8192x1024xf32, #tpu.memory_space<hbm>> -> memref<1x32x1024xf32, #tpu.memory_space<hbm>>
    %dma_start3A_600 = tpu.memref_squeeze %dma_start3A_599 : memref<1x32x1024xf32, #tpu.memory_space<hbm>> -> memref<32x1024xf32, #tpu.memory_space<hbm>>
    %dma_start3A_601 = arith.constant 0 : i32
    %dma_start3A_602 = tpu.memref_slice %arg3[%dma_start3A_593, %add3A_591, %dma_start3A_601] : memref<4x8192x1024xf32, #tpu.memory_space<hbm>> -> memref<1x32x1024xf32, #tpu.memory_space<hbm>>
    %dma_start3A_603 = tpu.memref_squeeze %dma_start3A_602 : memref<1x32x1024xf32, #tpu.memory_space<hbm>> -> memref<32x1024xf32, #tpu.memory_space<hbm>>
    %dma_start3A_604 = arith.constant 0 : i32
    %dma_start3A_605 = arith.constant 0 : i32
    %dma_start3A_606 = tpu.memref_slice %arg4[%dma_start3A_592, %dma_start3A_604, %dma_start3A_605] : memref<2x32x1024xf32, #tpu.memory_space<vmem>> -> memref<1x32x1024xf32, #tpu.memory_space<vmem>>
    %dma_start3A_607 = tpu.memref_squeeze %dma_start3A_606 : memref<1x32x1024xf32, #tpu.memory_space<vmem>> -> memref<32x1024xf32, #tpu.memory_space<vmem>>
    tpu.enqueue_dma source(%dma_start3A_607 : memref<32x1024xf32, #tpu.memory_space<vmem>>) target(%dma_start3A_603 : memref<32x1024xf32, #tpu.memory_space<hbm>>) target_semaphore(%arg6 : memref<!tpu.dma_semaphore, #tpu.memory_space<semaphore_mem>>)
    %dma_wait3A_608 = arith.constant 1 : i32
    %dma_wait3A_609 = arith.constant 0 : i32
    %dma_wait3A_610 = arith.constant 0 : i32
    %dma_wait3A_611 = arith.constant 0 : i32
    %dma_wait3A_612 = tpu.memref_slice %arg4[%dma_wait3A_608, %dma_wait3A_610, %dma_wait3A_611] : memref<2x32x1024xf32, #tpu.memory_space<vmem>> -> memref<1x32x1024xf32, #tpu.memory_space<vmem>>
    %dma_wait3A_613 = tpu.memref_squeeze %dma_wait3A_612 : memref<1x32x1024xf32, #tpu.memory_space<vmem>> -> memref<32x1024xf32, #tpu.memory_space<vmem>>
    %dma_wait3A_614 = arith.constant 0 : i32
    %dma_wait3A_615 = tpu.memref_slice %arg3[%dma_wait3A_609, %add3A_537, %dma_wait3A_614] : memref<4x8192x1024xf32, #tpu.memory_space<hbm>> -> memref<1x32x1024xf32, #tpu.memory_space<hbm>>
    %dma_wait3A_616 = tpu.memref_squeeze %dma_wait3A_615 : memref<1x32x1024xf32, #tpu.memory_space<hbm>> -> memref<32x1024xf32, #tpu.memory_space<hbm>>
    %dma_wait3A_617 = arith.constant 0 : i32
    %dma_wait3A_618 = tpu.memref_slice %arg3[%dma_wait3A_609, %add3A_537, %dma_wait3A_617] : memref<4x8192x1024xf32, #tpu.memory_space<hbm>> -> memref<1x32x1024xf32, #tpu.memory_space<hbm>>
    %dma_wait3A_619 = tpu.memref_squeeze %dma_wait3A_618 : memref<1x32x1024xf32, #tpu.memory_space<hbm>> -> memref<32x1024xf32, #tpu.memory_space<hbm>>
    %dma_wait3A_620 = arith.constant 0 : i32
    %dma_wait3A_621 = arith.constant 0 : i32
    %dma_wait3A_622 = tpu.memref_slice %arg4[%dma_wait3A_608, %dma_wait3A_620, %dma_wait3A_621] : memref<2x32x1024xf32, #tpu.memory_space<vmem>> -> memref<1x32x1024xf32, #tpu.memory_space<vmem>>
    %dma_wait3A_623 = tpu.memref_squeeze %dma_wait3A_622 : memref<1x32x1024xf32, #tpu.memory_space<vmem>> -> memref<32x1024xf32, #tpu.memory_space<vmem>>
    tpu.wait_dma2 semaphore(%arg6 : memref<!tpu.dma_semaphore, #tpu.memory_space<semaphore_mem>>) src(%dma_wait3A_623 : memref<32x1024xf32, #tpu.memory_space<vmem>>) dst(%dma_wait3A_619 : memref<32x1024xf32, #tpu.memory_space<hbm>>)
    %dma_wait3A_624 = arith.constant 1 : i32
    %dma_wait3A_625 = arith.constant 1 : i32
    %dma_wait3A_626 = arith.constant 0 : i32
    %dma_wait3A_627 = arith.constant 0 : i32
    %dma_wait3A_628 = tpu.memref_slice %arg4[%dma_wait3A_624, %dma_wait3A_626, %dma_wait3A_627] : memref<2x32x1024xf32, #tpu.memory_space<vmem>> -> memref<1x32x1024xf32, #tpu.memory_space<vmem>>
    %dma_wait3A_629 = tpu.memref_squeeze %dma_wait3A_628 : memref<1x32x1024xf32, #tpu.memory_space<vmem>> -> memref<32x1024xf32, #tpu.memory_space<vmem>>
    %dma_wait3A_630 = arith.constant 0 : i32
    %dma_wait3A_631 = tpu.memref_slice %arg3[%dma_wait3A_625, %add3A_555, %dma_wait3A_630] : memref<4x8192x1024xf32, #tpu.memory_space<hbm>> -> memref<1x32x1024xf32, #tpu.memory_space<hbm>>
    %dma_wait3A_632 = tpu.memref_squeeze %dma_wait3A_631 : memref<1x32x1024xf32, #tpu.memory_space<hbm>> -> memref<32x1024xf32, #tpu.memory_space<hbm>>
    %dma_wait3A_633 = arith.constant 0 : i32
    %dma_wait3A_634 = tpu.memref_slice %arg3[%dma_wait3A_625, %add3A_555, %dma_wait3A_633] : memref<4x8192x1024xf32, #tpu.memory_space<hbm>> -> memref<1x32x1024xf32, #tpu.memory_space<hbm>>
    %dma_wait3A_635 = tpu.memref_squeeze %dma_wait3A_634 : memref<1x32x1024xf32, #tpu.memory_space<hbm>> -> memref<32x1024xf32, #tpu.memory_space<hbm>>
    %dma_wait3A_636 = arith.constant 0 : i32
    %dma_wait3A_637 = arith.constant 0 : i32
    %dma_wait3A_638 = tpu.memref_slice %arg4[%dma_wait3A_624, %dma_wait3A_636, %dma_wait3A_637] : memref<2x32x1024xf32, #tpu.memory_space<vmem>> -> memref<1x32x1024xf32, #tpu.memory_space<vmem>>
    %dma_wait3A_639 = tpu.memref_squeeze %dma_wait3A_638 : memref<1x32x1024xf32, #tpu.memory_space<vmem>> -> memref<32x1024xf32, #tpu.memory_space<vmem>>
    tpu.wait_dma2 semaphore(%arg6 : memref<!tpu.dma_semaphore, #tpu.memory_space<semaphore_mem>>) src(%dma_wait3A_639 : memref<32x1024xf32, #tpu.memory_space<vmem>>) dst(%dma_wait3A_635 : memref<32x1024xf32, #tpu.memory_space<hbm>>)
    %dma_wait3A_640 = arith.constant 1 : i32
    %dma_wait3A_641 = arith.constant 2 : i32
    %dma_wait3A_642 = arith.constant 0 : i32
    %dma_wait3A_643 = arith.constant 0 : i32
    %dma_wait3A_644 = tpu.memref_slice %arg4[%dma_wait3A_640, %dma_wait3A_642, %dma_wait3A_643] : memref<2x32x1024xf32, #tpu.memory_space<vmem>> -> memref<1x32x1024xf32, #tpu.memory_space<vmem>>
    %dma_wait3A_645 = tpu.memref_squeeze %dma_wait3A_644 : memref<1x32x1024xf32, #tpu.memory_space<vmem>> -> memref<32x1024xf32, #tpu.memory_space<vmem>>
    %dma_wait3A_646 = arith.constant 0 : i32
    %dma_wait3A_647 = tpu.memref_slice %arg3[%dma_wait3A_641, %add3A_573, %dma_wait3A_646] : memref<4x8192x1024xf32, #tpu.memory_space<hbm>> -> memref<1x32x1024xf32, #tpu.memory_space<hbm>>
    %dma_wait3A_648 = tpu.memref_squeeze %dma_wait3A_647 : memref<1x32x1024xf32, #tpu.memory_space<hbm>> -> memref<32x1024xf32, #tpu.memory_space<hbm>>
    %dma_wait3A_649 = arith.constant 0 : i32
    %dma_wait3A_650 = tpu.memref_slice %arg3[%dma_wait3A_641, %add3A_573, %dma_wait3A_649] : memref<4x8192x1024xf32, #tpu.memory_space<hbm>> -> memref<1x32x1024xf32, #tpu.memory_space<hbm>>
    %dma_wait3A_651 = tpu.memref_squeeze %dma_wait3A_650 : memref<1x32x1024xf32, #tpu.memory_space<hbm>> -> memref<32x1024xf32, #tpu.memory_space<hbm>>
    %dma_wait3A_652 = arith.constant 0 : i32
    %dma_wait3A_653 = arith.constant 0 : i32
    %dma_wait3A_654 = tpu.memref_slice %arg4[%dma_wait3A_640, %dma_wait3A_652, %dma_wait3A_653] : memref<2x32x1024xf32, #tpu.memory_space<vmem>> -> memref<1x32x1024xf32, #tpu.memory_space<vmem>>
    %dma_wait3A_655 = tpu.memref_squeeze %dma_wait3A_654 : memref<1x32x1024xf32, #tpu.memory_space<vmem>> -> memref<32x1024xf32, #tpu.memory_space<vmem>>
    tpu.wait_dma2 semaphore(%arg6 : memref<!tpu.dma_semaphore, #tpu.memory_space<semaphore_mem>>) src(%dma_wait3A_655 : memref<32x1024xf32, #tpu.memory_space<vmem>>) dst(%dma_wait3A_651 : memref<32x1024xf32, #tpu.memory_space<hbm>>)
    %dma_wait3A_656 = arith.constant 1 : i32
    %dma_wait3A_657 = arith.constant 3 : i32
    %dma_wait3A_658 = arith.constant 0 : i32
    %dma_wait3A_659 = arith.constant 0 : i32
    %dma_wait3A_660 = tpu.memref_slice %arg4[%dma_wait3A_656, %dma_wait3A_658, %dma_wait3A_659] : memref<2x32x1024xf32, #tpu.memory_space<vmem>> -> memref<1x32x1024xf32, #tpu.memory_space<vmem>>
    %dma_wait3A_661 = tpu.memref_squeeze %dma_wait3A_660 : memref<1x32x1024xf32, #tpu.memory_space<vmem>> -> memref<32x1024xf32, #tpu.memory_space<vmem>>
    %dma_wait3A_662 = arith.constant 0 : i32
    %dma_wait3A_663 = tpu.memref_slice %arg3[%dma_wait3A_657, %add3A_591, %dma_wait3A_662] : memref<4x8192x1024xf32, #tpu.memory_space<hbm>> -> memref<1x32x1024xf32, #tpu.memory_space<hbm>>
    %dma_wait3A_664 = tpu.memref_squeeze %dma_wait3A_663 : memref<1x32x1024xf32, #tpu.memory_space<hbm>> -> memref<32x1024xf32, #tpu.memory_space<hbm>>
    %dma_wait3A_665 = arith.constant 0 : i32
    %dma_wait3A_666 = tpu.memref_slice %arg3[%dma_wait3A_657, %add3A_591, %dma_wait3A_665] : memref<4x8192x1024xf32, #tpu.memory_space<hbm>> -> memref<1x32x1024xf32, #tpu.memory_space<hbm>>
    %dma_wait3A_667 = tpu.memref_squeeze %dma_wait3A_666 : memref<1x32x1024xf32, #tpu.memory_space<hbm>> -> memref<32x1024xf32, #tpu.memory_space<hbm>>
    %dma_wait3A_668 = arith.constant 0 : i32
    %dma_wait3A_669 = arith.constant 0 : i32
    %dma_wait3A_670 = tpu.memref_slice %arg4[%dma_wait3A_656, %dma_wait3A_668, %dma_wait3A_669] : memref<2x32x1024xf32, #tpu.memory_space<vmem>> -> memref<1x32x1024xf32, #tpu.memory_space<vmem>>
    %dma_wait3A_671 = tpu.memref_squeeze %dma_wait3A_670 : memref<1x32x1024xf32, #tpu.memory_space<vmem>> -> memref<32x1024xf32, #tpu.memory_space<vmem>>
    tpu.wait_dma2 semaphore(%arg6 : memref<!tpu.dma_semaphore, #tpu.memory_space<semaphore_mem>>) src(%dma_wait3A_671 : memref<32x1024xf32, #tpu.memory_space<vmem>>) dst(%dma_wait3A_667 : memref<32x1024xf32, #tpu.memory_space<hbm>>)
    %add3A_672 = arith.constant 160 : i32
    %add3A_673 = arith.addi %mul3A_2, %add3A_672 : i32
    %dma_start3A_674 = arith.constant 1 : i32
    %dma_start3A_675 = arith.constant 0 : i32
    %dma_start3A_676 = arith.constant 0 : i32
    %dma_start3A_677 = tpu.memref_slice %arg4[%dma_start3A_674, %dma_start3A_675, %dma_start3A_676] : memref<2x32x1024xf32, #tpu.memory_space<vmem>> -> memref<1x32x1024xf32, #tpu.memory_space<vmem>>
    %dma_start3A_678 = tpu.memref_squeeze %dma_start3A_677 : memref<1x32x1024xf32, #tpu.memory_space<vmem>> -> memref<32x1024xf32, #tpu.memory_space<vmem>>
    %dma_start3A_679 = arith.constant 0 : i32
    %dma_start3A_680 = tpu.memref_slice %arg2[%add3A_673, %dma_start3A_679] : memref<8192x1024xf32, #tpu.memory_space<hbm>> -> memref<32x1024xf32, #tpu.memory_space<hbm>>
    %dma_start3A_681 = arith.constant 0 : i32
    %dma_start3A_682 = arith.constant 0 : i32
    %dma_start3A_683 = tpu.memref_slice %arg4[%dma_start3A_674, %dma_start3A_681, %dma_start3A_682] : memref<2x32x1024xf32, #tpu.memory_space<vmem>> -> memref<1x32x1024xf32, #tpu.memory_space<vmem>>
    %dma_start3A_684 = tpu.memref_squeeze %dma_start3A_683 : memref<1x32x1024xf32, #tpu.memory_space<vmem>> -> memref<32x1024xf32, #tpu.memory_space<vmem>>
    %dma_start3A_685 = arith.constant 0 : i32
    %dma_start3A_686 = tpu.memref_slice %arg2[%add3A_673, %dma_start3A_685] : memref<8192x1024xf32, #tpu.memory_space<hbm>> -> memref<32x1024xf32, #tpu.memory_space<hbm>>
    tpu.enqueue_dma source(%dma_start3A_686 : memref<32x1024xf32, #tpu.memory_space<hbm>>) target(%dma_start3A_684 : memref<32x1024xf32, #tpu.memory_space<vmem>>) target_semaphore(%arg5 : memref<!tpu.dma_semaphore, #tpu.memory_space<semaphore_mem>>)
    %dma_wait3A_687 = arith.constant 0 : i32
    %dma_wait3A_688 = arith.constant 0 : i32
    %dma_wait3A_689 = arith.constant 0 : i32
    %dma_wait3A_690 = tpu.memref_slice %arg4[%dma_wait3A_687, %dma_wait3A_688, %dma_wait3A_689] : memref<2x32x1024xf32, #tpu.memory_space<vmem>> -> memref<1x32x1024xf32, #tpu.memory_space<vmem>>
    %dma_wait3A_691 = tpu.memref_squeeze %dma_wait3A_690 : memref<1x32x1024xf32, #tpu.memory_space<vmem>> -> memref<32x1024xf32, #tpu.memory_space<vmem>>
    %dma_wait3A_692 = arith.constant 0 : i32
    %dma_wait3A_693 = tpu.memref_slice %arg2[%add3A_509, %dma_wait3A_692] : memref<8192x1024xf32, #tpu.memory_space<hbm>> -> memref<32x1024xf32, #tpu.memory_space<hbm>>
    %dma_wait3A_694 = arith.constant 0 : i32
    %dma_wait3A_695 = arith.constant 0 : i32
    %dma_wait3A_696 = tpu.memref_slice %arg4[%dma_wait3A_687, %dma_wait3A_694, %dma_wait3A_695] : memref<2x32x1024xf32, #tpu.memory_space<vmem>> -> memref<1x32x1024xf32, #tpu.memory_space<vmem>>
    %dma_wait3A_697 = tpu.memref_squeeze %dma_wait3A_696 : memref<1x32x1024xf32, #tpu.memory_space<vmem>> -> memref<32x1024xf32, #tpu.memory_space<vmem>>
    %dma_wait3A_698 = arith.constant 0 : i32
    %dma_wait3A_699 = tpu.memref_slice %arg2[%add3A_509, %dma_wait3A_698] : memref<8192x1024xf32, #tpu.memory_space<hbm>> -> memref<32x1024xf32, #tpu.memory_space<hbm>>
    tpu.wait_dma2 semaphore(%arg5 : memref<!tpu.dma_semaphore, #tpu.memory_space<semaphore_mem>>) src(%dma_wait3A_699 : memref<32x1024xf32, #tpu.memory_space<hbm>>) dst(%dma_wait3A_697 : memref<32x1024xf32, #tpu.memory_space<vmem>>)
    %add3A_700 = arith.constant 128 : i32
    %add3A_701 = arith.addi %mul3A_2, %add3A_700 : i32
    %dma_start3A_702 = arith.constant 0 : i32
    %dma_start3A_703 = arith.constant 0 : i32
    %dma_start3A_704 = arith.constant 0 : i32
    %dma_start3A_705 = arith.constant 0 : i32
    %dma_start3A_706 = tpu.memref_slice %arg4[%dma_start3A_702, %dma_start3A_704, %dma_start3A_705] : memref<2x32x1024xf32, #tpu.memory_space<vmem>> -> memref<1x32x1024xf32, #tpu.memory_space<vmem>>
    %dma_start3A_707 = tpu.memref_squeeze %dma_start3A_706 : memref<1x32x1024xf32, #tpu.memory_space<vmem>> -> memref<32x1024xf32, #tpu.memory_space<vmem>>
    %dma_start3A_708 = arith.constant 0 : i32
    %dma_start3A_709 = tpu.memref_slice %arg3[%dma_start3A_703, %add3A_701, %dma_start3A_708] : memref<4x8192x1024xf32, #tpu.memory_space<hbm>> -> memref<1x32x1024xf32, #tpu.memory_space<hbm>>
    %dma_start3A_710 = tpu.memref_squeeze %dma_start3A_709 : memref<1x32x1024xf32, #tpu.memory_space<hbm>> -> memref<32x1024xf32, #tpu.memory_space<hbm>>
    %dma_start3A_711 = arith.constant 0 : i32
    %dma_start3A_712 = tpu.memref_slice %arg3[%dma_start3A_703, %add3A_701, %dma_start3A_711] : memref<4x8192x1024xf32, #tpu.memory_space<hbm>> -> memref<1x32x1024xf32, #tpu.memory_space<hbm>>
    %dma_start3A_713 = tpu.memref_squeeze %dma_start3A_712 : memref<1x32x1024xf32, #tpu.memory_space<hbm>> -> memref<32x1024xf32, #tpu.memory_space<hbm>>
    %dma_start3A_714 = arith.constant 0 : i32
    %dma_start3A_715 = arith.constant 0 : i32
    %dma_start3A_716 = tpu.memref_slice %arg4[%dma_start3A_702, %dma_start3A_714, %dma_start3A_715] : memref<2x32x1024xf32, #tpu.memory_space<vmem>> -> memref<1x32x1024xf32, #tpu.memory_space<vmem>>
    %dma_start3A_717 = tpu.memref_squeeze %dma_start3A_716 : memref<1x32x1024xf32, #tpu.memory_space<vmem>> -> memref<32x1024xf32, #tpu.memory_space<vmem>>
    tpu.enqueue_dma source(%dma_start3A_717 : memref<32x1024xf32, #tpu.memory_space<vmem>>) target(%dma_start3A_713 : memref<32x1024xf32, #tpu.memory_space<hbm>>) target_semaphore(%arg6 : memref<!tpu.dma_semaphore, #tpu.memory_space<semaphore_mem>>)
    %add3A_718 = arith.constant 128 : i32
    %add3A_719 = arith.addi %mul3A_2, %add3A_718 : i32
    %dma_start3A_720 = arith.constant 0 : i32
    %dma_start3A_721 = arith.constant 1 : i32
    %dma_start3A_722 = arith.constant 0 : i32
    %dma_start3A_723 = arith.constant 0 : i32
    %dma_start3A_724 = tpu.memref_slice %arg4[%dma_start3A_720, %dma_start3A_722, %dma_start3A_723] : memref<2x32x1024xf32, #tpu.memory_space<vmem>> -> memref<1x32x1024xf32, #tpu.memory_space<vmem>>
    %dma_start3A_725 = tpu.memref_squeeze %dma_start3A_724 : memref<1x32x1024xf32, #tpu.memory_space<vmem>> -> memref<32x1024xf32, #tpu.memory_space<vmem>>
    %dma_start3A_726 = arith.constant 0 : i32
    %dma_start3A_727 = tpu.memref_slice %arg3[%dma_start3A_721, %add3A_719, %dma_start3A_726] : memref<4x8192x1024xf32, #tpu.memory_space<hbm>> -> memref<1x32x1024xf32, #tpu.memory_space<hbm>>
    %dma_start3A_728 = tpu.memref_squeeze %dma_start3A_727 : memref<1x32x1024xf32, #tpu.memory_space<hbm>> -> memref<32x1024xf32, #tpu.memory_space<hbm>>
    %dma_start3A_729 = arith.constant 0 : i32
    %dma_start3A_730 = tpu.memref_slice %arg3[%dma_start3A_721, %add3A_719, %dma_start3A_729] : memref<4x8192x1024xf32, #tpu.memory_space<hbm>> -> memref<1x32x1024xf32, #tpu.memory_space<hbm>>
    %dma_start3A_731 = tpu.memref_squeeze %dma_start3A_730 : memref<1x32x1024xf32, #tpu.memory_space<hbm>> -> memref<32x1024xf32, #tpu.memory_space<hbm>>
    %dma_start3A_732 = arith.constant 0 : i32
    %dma_start3A_733 = arith.constant 0 : i32
    %dma_start3A_734 = tpu.memref_slice %arg4[%dma_start3A_720, %dma_start3A_732, %dma_start3A_733] : memref<2x32x1024xf32, #tpu.memory_space<vmem>> -> memref<1x32x1024xf32, #tpu.memory_space<vmem>>
    %dma_start3A_735 = tpu.memref_squeeze %dma_start3A_734 : memref<1x32x1024xf32, #tpu.memory_space<vmem>> -> memref<32x1024xf32, #tpu.memory_space<vmem>>
    tpu.enqueue_dma source(%dma_start3A_735 : memref<32x1024xf32, #tpu.memory_space<vmem>>) target(%dma_start3A_731 : memref<32x1024xf32, #tpu.memory_space<hbm>>) target_semaphore(%arg6 : memref<!tpu.dma_semaphore, #tpu.memory_space<semaphore_mem>>)
    %add3A_736 = arith.constant 128 : i32
    %add3A_737 = arith.addi %mul3A_2, %add3A_736 : i32
    %dma_start3A_738 = arith.constant 0 : i32
    %dma_start3A_739 = arith.constant 2 : i32
    %dma_start3A_740 = arith.constant 0 : i32
    %dma_start3A_741 = arith.constant 0 : i32
    %dma_start3A_742 = tpu.memref_slice %arg4[%dma_start3A_738, %dma_start3A_740, %dma_start3A_741] : memref<2x32x1024xf32, #tpu.memory_space<vmem>> -> memref<1x32x1024xf32, #tpu.memory_space<vmem>>
    %dma_start3A_743 = tpu.memref_squeeze %dma_start3A_742 : memref<1x32x1024xf32, #tpu.memory_space<vmem>> -> memref<32x1024xf32, #tpu.memory_space<vmem>>
    %dma_start3A_744 = arith.constant 0 : i32
    %dma_start3A_745 = tpu.memref_slice %arg3[%dma_start3A_739, %add3A_737, %dma_start3A_744] : memref<4x8192x1024xf32, #tpu.memory_space<hbm>> -> memref<1x32x1024xf32, #tpu.memory_space<hbm>>
    %dma_start3A_746 = tpu.memref_squeeze %dma_start3A_745 : memref<1x32x1024xf32, #tpu.memory_space<hbm>> -> memref<32x1024xf32, #tpu.memory_space<hbm>>
    %dma_start3A_747 = arith.constant 0 : i32
    %dma_start3A_748 = tpu.memref_slice %arg3[%dma_start3A_739, %add3A_737, %dma_start3A_747] : memref<4x8192x1024xf32, #tpu.memory_space<hbm>> -> memref<1x32x1024xf32, #tpu.memory_space<hbm>>
    %dma_start3A_749 = tpu.memref_squeeze %dma_start3A_748 : memref<1x32x1024xf32, #tpu.memory_space<hbm>> -> memref<32x1024xf32, #tpu.memory_space<hbm>>
    %dma_start3A_750 = arith.constant 0 : i32
    %dma_start3A_751 = arith.constant 0 : i32
    %dma_start3A_752 = tpu.memref_slice %arg4[%dma_start3A_738, %dma_start3A_750, %dma_start3A_751] : memref<2x32x1024xf32, #tpu.memory_space<vmem>> -> memref<1x32x1024xf32, #tpu.memory_space<vmem>>
    %dma_start3A_753 = tpu.memref_squeeze %dma_start3A_752 : memref<1x32x1024xf32, #tpu.memory_space<vmem>> -> memref<32x1024xf32, #tpu.memory_space<vmem>>
    tpu.enqueue_dma source(%dma_start3A_753 : memref<32x1024xf32, #tpu.memory_space<vmem>>) target(%dma_start3A_749 : memref<32x1024xf32, #tpu.memory_space<hbm>>) target_semaphore(%arg6 : memref<!tpu.dma_semaphore, #tpu.memory_space<semaphore_mem>>)
    %add3A_754 = arith.constant 128 : i32
    %add3A_755 = arith.addi %mul3A_2, %add3A_754 : i32
    %dma_start3A_756 = arith.constant 0 : i32
    %dma_start3A_757 = arith.constant 3 : i32
    %dma_start3A_758 = arith.constant 0 : i32
    %dma_start3A_759 = arith.constant 0 : i32
    %dma_start3A_760 = tpu.memref_slice %arg4[%dma_start3A_756, %dma_start3A_758, %dma_start3A_759] : memref<2x32x1024xf32, #tpu.memory_space<vmem>> -> memref<1x32x1024xf32, #tpu.memory_space<vmem>>
    %dma_start3A_761 = tpu.memref_squeeze %dma_start3A_760 : memref<1x32x1024xf32, #tpu.memory_space<vmem>> -> memref<32x1024xf32, #tpu.memory_space<vmem>>
    %dma_start3A_762 = arith.constant 0 : i32
    %dma_start3A_763 = tpu.memref_slice %arg3[%dma_start3A_757, %add3A_755, %dma_start3A_762] : memref<4x8192x1024xf32, #tpu.memory_space<hbm>> -> memref<1x32x1024xf32, #tpu.memory_space<hbm>>
    %dma_start3A_764 = tpu.memref_squeeze %dma_start3A_763 : memref<1x32x1024xf32, #tpu.memory_space<hbm>> -> memref<32x1024xf32, #tpu.memory_space<hbm>>
    %dma_start3A_765 = arith.constant 0 : i32
    %dma_start3A_766 = tpu.memref_slice %arg3[%dma_start3A_757, %add3A_755, %dma_start3A_765] : memref<4x8192x1024xf32, #tpu.memory_space<hbm>> -> memref<1x32x1024xf32, #tpu.memory_space<hbm>>
    %dma_start3A_767 = tpu.memref_squeeze %dma_start3A_766 : memref<1x32x1024xf32, #tpu.memory_space<hbm>> -> memref<32x1024xf32, #tpu.memory_space<hbm>>
    %dma_start3A_768 = arith.constant 0 : i32
    %dma_start3A_769 = arith.constant 0 : i32
    %dma_start3A_770 = tpu.memref_slice %arg4[%dma_start3A_756, %dma_start3A_768, %dma_start3A_769] : memref<2x32x1024xf32, #tpu.memory_space<vmem>> -> memref<1x32x1024xf32, #tpu.memory_space<vmem>>
    %dma_start3A_771 = tpu.memref_squeeze %dma_start3A_770 : memref<1x32x1024xf32, #tpu.memory_space<vmem>> -> memref<32x1024xf32, #tpu.memory_space<vmem>>
    tpu.enqueue_dma source(%dma_start3A_771 : memref<32x1024xf32, #tpu.memory_space<vmem>>) target(%dma_start3A_767 : memref<32x1024xf32, #tpu.memory_space<hbm>>) target_semaphore(%arg6 : memref<!tpu.dma_semaphore, #tpu.memory_space<semaphore_mem>>)
    %dma_wait3A_772 = arith.constant 0 : i32
    %dma_wait3A_773 = arith.constant 0 : i32
    %dma_wait3A_774 = arith.constant 0 : i32
    %dma_wait3A_775 = arith.constant 0 : i32
    %dma_wait3A_776 = tpu.memref_slice %arg4[%dma_wait3A_772, %dma_wait3A_774, %dma_wait3A_775] : memref<2x32x1024xf32, #tpu.memory_space<vmem>> -> memref<1x32x1024xf32, #tpu.memory_space<vmem>>
    %dma_wait3A_777 = tpu.memref_squeeze %dma_wait3A_776 : memref<1x32x1024xf32, #tpu.memory_space<vmem>> -> memref<32x1024xf32, #tpu.memory_space<vmem>>
    %dma_wait3A_778 = arith.constant 0 : i32
    %dma_wait3A_779 = tpu.memref_slice %arg3[%dma_wait3A_773, %add3A_701, %dma_wait3A_778] : memref<4x8192x1024xf32, #tpu.memory_space<hbm>> -> memref<1x32x1024xf32, #tpu.memory_space<hbm>>
    %dma_wait3A_780 = tpu.memref_squeeze %dma_wait3A_779 : memref<1x32x1024xf32, #tpu.memory_space<hbm>> -> memref<32x1024xf32, #tpu.memory_space<hbm>>
    %dma_wait3A_781 = arith.constant 0 : i32
    %dma_wait3A_782 = tpu.memref_slice %arg3[%dma_wait3A_773, %add3A_701, %dma_wait3A_781] : memref<4x8192x1024xf32, #tpu.memory_space<hbm>> -> memref<1x32x1024xf32, #tpu.memory_space<hbm>>
    %dma_wait3A_783 = tpu.memref_squeeze %dma_wait3A_782 : memref<1x32x1024xf32, #tpu.memory_space<hbm>> -> memref<32x1024xf32, #tpu.memory_space<hbm>>
    %dma_wait3A_784 = arith.constant 0 : i32
    %dma_wait3A_785 = arith.constant 0 : i32
    %dma_wait3A_786 = tpu.memref_slice %arg4[%dma_wait3A_772, %dma_wait3A_784, %dma_wait3A_785] : memref<2x32x1024xf32, #tpu.memory_space<vmem>> -> memref<1x32x1024xf32, #tpu.memory_space<vmem>>
    %dma_wait3A_787 = tpu.memref_squeeze %dma_wait3A_786 : memref<1x32x1024xf32, #tpu.memory_space<vmem>> -> memref<32x1024xf32, #tpu.memory_space<vmem>>
    tpu.wait_dma2 semaphore(%arg6 : memref<!tpu.dma_semaphore, #tpu.memory_space<semaphore_mem>>) src(%dma_wait3A_787 : memref<32x1024xf32, #tpu.memory_space<vmem>>) dst(%dma_wait3A_783 : memref<32x1024xf32, #tpu.memory_space<hbm>>)
    %dma_wait3A_788 = arith.constant 0 : i32
    %dma_wait3A_789 = arith.constant 1 : i32
    %dma_wait3A_790 = arith.constant 0 : i32
    %dma_wait3A_791 = arith.constant 0 : i32
    %dma_wait3A_792 = tpu.memref_slice %arg4[%dma_wait3A_788, %dma_wait3A_790, %dma_wait3A_791] : memref<2x32x1024xf32, #tpu.memory_space<vmem>> -> memref<1x32x1024xf32, #tpu.memory_space<vmem>>
    %dma_wait3A_793 = tpu.memref_squeeze %dma_wait3A_792 : memref<1x32x1024xf32, #tpu.memory_space<vmem>> -> memref<32x1024xf32, #tpu.memory_space<vmem>>
    %dma_wait3A_794 = arith.constant 0 : i32
    %dma_wait3A_795 = tpu.memref_slice %arg3[%dma_wait3A_789, %add3A_719, %dma_wait3A_794] : memref<4x8192x1024xf32, #tpu.memory_space<hbm>> -> memref<1x32x1024xf32, #tpu.memory_space<hbm>>
    %dma_wait3A_796 = tpu.memref_squeeze %dma_wait3A_795 : memref<1x32x1024xf32, #tpu.memory_space<hbm>> -> memref<32x1024xf32, #tpu.memory_space<hbm>>
    %dma_wait3A_797 = arith.constant 0 : i32
    %dma_wait3A_798 = tpu.memref_slice %arg3[%dma_wait3A_789, %add3A_719, %dma_wait3A_797] : memref<4x8192x1024xf32, #tpu.memory_space<hbm>> -> memref<1x32x1024xf32, #tpu.memory_space<hbm>>
    %dma_wait3A_799 = tpu.memref_squeeze %dma_wait3A_798 : memref<1x32x1024xf32, #tpu.memory_space<hbm>> -> memref<32x1024xf32, #tpu.memory_space<hbm>>
    %dma_wait3A_800 = arith.constant 0 : i32
    %dma_wait3A_801 = arith.constant 0 : i32
    %dma_wait3A_802 = tpu.memref_slice %arg4[%dma_wait3A_788, %dma_wait3A_800, %dma_wait3A_801] : memref<2x32x1024xf32, #tpu.memory_space<vmem>> -> memref<1x32x1024xf32, #tpu.memory_space<vmem>>
    %dma_wait3A_803 = tpu.memref_squeeze %dma_wait3A_802 : memref<1x32x1024xf32, #tpu.memory_space<vmem>> -> memref<32x1024xf32, #tpu.memory_space<vmem>>
    tpu.wait_dma2 semaphore(%arg6 : memref<!tpu.dma_semaphore, #tpu.memory_space<semaphore_mem>>) src(%dma_wait3A_803 : memref<32x1024xf32, #tpu.memory_space<vmem>>) dst(%dma_wait3A_799 : memref<32x1024xf32, #tpu.memory_space<hbm>>)
    %dma_wait3A_804 = arith.constant 0 : i32
    %dma_wait3A_805 = arith.constant 2 : i32
    %dma_wait3A_806 = arith.constant 0 : i32
    %dma_wait3A_807 = arith.constant 0 : i32
    %dma_wait3A_808 = tpu.memref_slice %arg4[%dma_wait3A_804, %dma_wait3A_806, %dma_wait3A_807] : memref<2x32x1024xf32, #tpu.memory_space<vmem>> -> memref<1x32x1024xf32, #tpu.memory_space<vmem>>
    %dma_wait3A_809 = tpu.memref_squeeze %dma_wait3A_808 : memref<1x32x1024xf32, #tpu.memory_space<vmem>> -> memref<32x1024xf32, #tpu.memory_space<vmem>>
    %dma_wait3A_810 = arith.constant 0 : i32
    %dma_wait3A_811 = tpu.memref_slice %arg3[%dma_wait3A_805, %add3A_737, %dma_wait3A_810] : memref<4x8192x1024xf32, #tpu.memory_space<hbm>> -> memref<1x32x1024xf32, #tpu.memory_space<hbm>>
    %dma_wait3A_812 = tpu.memref_squeeze %dma_wait3A_811 : memref<1x32x1024xf32, #tpu.memory_space<hbm>> -> memref<32x1024xf32, #tpu.memory_space<hbm>>
    %dma_wait3A_813 = arith.constant 0 : i32
    %dma_wait3A_814 = tpu.memref_slice %arg3[%dma_wait3A_805, %add3A_737, %dma_wait3A_813] : memref<4x8192x1024xf32, #tpu.memory_space<hbm>> -> memref<1x32x1024xf32, #tpu.memory_space<hbm>>
    %dma_wait3A_815 = tpu.memref_squeeze %dma_wait3A_814 : memref<1x32x1024xf32, #tpu.memory_space<hbm>> -> memref<32x1024xf32, #tpu.memory_space<hbm>>
    %dma_wait3A_816 = arith.constant 0 : i32
    %dma_wait3A_817 = arith.constant 0 : i32
    %dma_wait3A_818 = tpu.memref_slice %arg4[%dma_wait3A_804, %dma_wait3A_816, %dma_wait3A_817] : memref<2x32x1024xf32, #tpu.memory_space<vmem>> -> memref<1x32x1024xf32, #tpu.memory_space<vmem>>
    %dma_wait3A_819 = tpu.memref_squeeze %dma_wait3A_818 : memref<1x32x1024xf32, #tpu.memory_space<vmem>> -> memref<32x1024xf32, #tpu.memory_space<vmem>>
    tpu.wait_dma2 semaphore(%arg6 : memref<!tpu.dma_semaphore, #tpu.memory_space<semaphore_mem>>) src(%dma_wait3A_819 : memref<32x1024xf32, #tpu.memory_space<vmem>>) dst(%dma_wait3A_815 : memref<32x1024xf32, #tpu.memory_space<hbm>>)
    %dma_wait3A_820 = arith.constant 0 : i32
    %dma_wait3A_821 = arith.constant 3 : i32
    %dma_wait3A_822 = arith.constant 0 : i32
    %dma_wait3A_823 = arith.constant 0 : i32
    %dma_wait3A_824 = tpu.memref_slice %arg4[%dma_wait3A_820, %dma_wait3A_822, %dma_wait3A_823] : memref<2x32x1024xf32, #tpu.memory_space<vmem>> -> memref<1x32x1024xf32, #tpu.memory_space<vmem>>
    %dma_wait3A_825 = tpu.memref_squeeze %dma_wait3A_824 : memref<1x32x1024xf32, #tpu.memory_space<vmem>> -> memref<32x1024xf32, #tpu.memory_space<vmem>>
    %dma_wait3A_826 = arith.constant 0 : i32
    %dma_wait3A_827 = tpu.memref_slice %arg3[%dma_wait3A_821, %add3A_755, %dma_wait3A_826] : memref<4x8192x1024xf32, #tpu.memory_space<hbm>> -> memref<1x32x1024xf32, #tpu.memory_space<hbm>>
    %dma_wait3A_828 = tpu.memref_squeeze %dma_wait3A_827 : memref<1x32x1024xf32, #tpu.memory_space<hbm>> -> memref<32x1024xf32, #tpu.memory_space<hbm>>
    %dma_wait3A_829 = arith.constant 0 : i32
    %dma_wait3A_830 = tpu.memref_slice %arg3[%dma_wait3A_821, %add3A_755, %dma_wait3A_829] : memref<4x8192x1024xf32, #tpu.memory_space<hbm>> -> memref<1x32x1024xf32, #tpu.memory_space<hbm>>
    %dma_wait3A_831 = tpu.memref_squeeze %dma_wait3A_830 : memref<1x32x1024xf32, #tpu.memory_space<hbm>> -> memref<32x1024xf32, #tpu.memory_space<hbm>>
    %dma_wait3A_832 = arith.constant 0 : i32
    %dma_wait3A_833 = arith.constant 0 : i32
    %dma_wait3A_834 = tpu.memref_slice %arg4[%dma_wait3A_820, %dma_wait3A_832, %dma_wait3A_833] : memref<2x32x1024xf32, #tpu.memory_space<vmem>> -> memref<1x32x1024xf32, #tpu.memory_space<vmem>>
    %dma_wait3A_835 = tpu.memref_squeeze %dma_wait3A_834 : memref<1x32x1024xf32, #tpu.memory_space<vmem>> -> memref<32x1024xf32, #tpu.memory_space<vmem>>
    tpu.wait_dma2 semaphore(%arg6 : memref<!tpu.dma_semaphore, #tpu.memory_space<semaphore_mem>>) src(%dma_wait3A_835 : memref<32x1024xf32, #tpu.memory_space<vmem>>) dst(%dma_wait3A_831 : memref<32x1024xf32, #tpu.memory_space<hbm>>)
    %add3A_836 = arith.constant 192 : i32
    %add3A_837 = arith.addi %mul3A_2, %add3A_836 : i32
    %dma_start3A_838 = arith.constant 0 : i32
    %dma_start3A_839 = arith.constant 0 : i32
    %dma_start3A_840 = arith.constant 0 : i32
    %dma_start3A_841 = tpu.memref_slice %arg4[%dma_start3A_838, %dma_start3A_839, %dma_start3A_840] : memref<2x32x1024xf32, #tpu.memory_space<vmem>> -> memref<1x32x1024xf32, #tpu.memory_space<vmem>>
    %dma_start3A_842 = tpu.memref_squeeze %dma_start3A_841 : memref<1x32x1024xf32, #tpu.memory_space<vmem>> -> memref<32x1024xf32, #tpu.memory_space<vmem>>
    %dma_start3A_843 = arith.constant 0 : i32
    %dma_start3A_844 = tpu.memref_slice %arg2[%add3A_837, %dma_start3A_843] : memref<8192x1024xf32, #tpu.memory_space<hbm>> -> memref<32x1024xf32, #tpu.memory_space<hbm>>
    %dma_start3A_845 = arith.constant 0 : i32
    %dma_start3A_846 = arith.constant 0 : i32
    %dma_start3A_847 = tpu.memref_slice %arg4[%dma_start3A_838, %dma_start3A_845, %dma_start3A_846] : memref<2x32x1024xf32, #tpu.memory_space<vmem>> -> memref<1x32x1024xf32, #tpu.memory_space<vmem>>
    %dma_start3A_848 = tpu.memref_squeeze %dma_start3A_847 : memref<1x32x1024xf32, #tpu.memory_space<vmem>> -> memref<32x1024xf32, #tpu.memory_space<vmem>>
    %dma_start3A_849 = arith.constant 0 : i32
    %dma_start3A_850 = tpu.memref_slice %arg2[%add3A_837, %dma_start3A_849] : memref<8192x1024xf32, #tpu.memory_space<hbm>> -> memref<32x1024xf32, #tpu.memory_space<hbm>>
    tpu.enqueue_dma source(%dma_start3A_850 : memref<32x1024xf32, #tpu.memory_space<hbm>>) target(%dma_start3A_848 : memref<32x1024xf32, #tpu.memory_space<vmem>>) target_semaphore(%arg5 : memref<!tpu.dma_semaphore, #tpu.memory_space<semaphore_mem>>)
    %dma_wait3A_851 = arith.constant 1 : i32
    %dma_wait3A_852 = arith.constant 0 : i32
    %dma_wait3A_853 = arith.constant 0 : i32
    %dma_wait3A_854 = tpu.memref_slice %arg4[%dma_wait3A_851, %dma_wait3A_852, %dma_wait3A_853] : memref<2x32x1024xf32, #tpu.memory_space<vmem>> -> memref<1x32x1024xf32, #tpu.memory_space<vmem>>
    %dma_wait3A_855 = tpu.memref_squeeze %dma_wait3A_854 : memref<1x32x1024xf32, #tpu.memory_space<vmem>> -> memref<32x1024xf32, #tpu.memory_space<vmem>>
    %dma_wait3A_856 = arith.constant 0 : i32
    %dma_wait3A_857 = tpu.memref_slice %arg2[%add3A_673, %dma_wait3A_856] : memref<8192x1024xf32, #tpu.memory_space<hbm>> -> memref<32x1024xf32, #tpu.memory_space<hbm>>
    %dma_wait3A_858 = arith.constant 0 : i32
    %dma_wait3A_859 = arith.constant 0 : i32
    %dma_wait3A_860 = tpu.memref_slice %arg4[%dma_wait3A_851, %dma_wait3A_858, %dma_wait3A_859] : memref<2x32x1024xf32, #tpu.memory_space<vmem>> -> memref<1x32x1024xf32, #tpu.memory_space<vmem>>
    %dma_wait3A_861 = tpu.memref_squeeze %dma_wait3A_860 : memref<1x32x1024xf32, #tpu.memory_space<vmem>> -> memref<32x1024xf32, #tpu.memory_space<vmem>>
    %dma_wait3A_862 = arith.constant 0 : i32
    %dma_wait3A_863 = tpu.memref_slice %arg2[%add3A_673, %dma_wait3A_862] : memref<8192x1024xf32, #tpu.memory_space<hbm>> -> memref<32x1024xf32, #tpu.memory_space<hbm>>
    tpu.wait_dma2 semaphore(%arg5 : memref<!tpu.dma_semaphore, #tpu.memory_space<semaphore_mem>>) src(%dma_wait3A_863 : memref<32x1024xf32, #tpu.memory_space<hbm>>) dst(%dma_wait3A_861 : memref<32x1024xf32, #tpu.memory_space<vmem>>)
    %add3A_864 = arith.constant 160 : i32
    %add3A_865 = arith.addi %mul3A_2, %add3A_864 : i32
    %dma_start3A_866 = arith.constant 1 : i32
    %dma_start3A_867 = arith.constant 0 : i32
    %dma_start3A_868 = arith.constant 0 : i32
    %dma_start3A_869 = arith.constant 0 : i32
    %dma_start3A_870 = tpu.memref_slice %arg4[%dma_start3A_866, %dma_start3A_868, %dma_start3A_869] : memref<2x32x1024xf32, #tpu.memory_space<vmem>> -> memref<1x32x1024xf32, #tpu.memory_space<vmem>>
    %dma_start3A_871 = tpu.memref_squeeze %dma_start3A_870 : memref<1x32x1024xf32, #tpu.memory_space<vmem>> -> memref<32x1024xf32, #tpu.memory_space<vmem>>
    %dma_start3A_872 = arith.constant 0 : i32
    %dma_start3A_873 = tpu.memref_slice %arg3[%dma_start3A_867, %add3A_865, %dma_start3A_872] : memref<4x8192x1024xf32, #tpu.memory_space<hbm>> -> memref<1x32x1024xf32, #tpu.memory_space<hbm>>
    %dma_start3A_874 = tpu.memref_squeeze %dma_start3A_873 : memref<1x32x1024xf32, #tpu.memory_space<hbm>> -> memref<32x1024xf32, #tpu.memory_space<hbm>>
    %dma_start3A_875 = arith.constant 0 : i32
    %dma_start3A_876 = tpu.memref_slice %arg3[%dma_start3A_867, %add3A_865, %dma_start3A_875] : memref<4x8192x1024xf32, #tpu.memory_space<hbm>> -> memref<1x32x1024xf32, #tpu.memory_space<hbm>>
    %dma_start3A_877 = tpu.memref_squeeze %dma_start3A_876 : memref<1x32x1024xf32, #tpu.memory_space<hbm>> -> memref<32x1024xf32, #tpu.memory_space<hbm>>
    %dma_start3A_878 = arith.constant 0 : i32
    %dma_start3A_879 = arith.constant 0 : i32
    %dma_start3A_880 = tpu.memref_slice %arg4[%dma_start3A_866, %dma_start3A_878, %dma_start3A_879] : memref<2x32x1024xf32, #tpu.memory_space<vmem>> -> memref<1x32x1024xf32, #tpu.memory_space<vmem>>
    %dma_start3A_881 = tpu.memref_squeeze %dma_start3A_880 : memref<1x32x1024xf32, #tpu.memory_space<vmem>> -> memref<32x1024xf32, #tpu.memory_space<vmem>>
    tpu.enqueue_dma source(%dma_start3A_881 : memref<32x1024xf32, #tpu.memory_space<vmem>>) target(%dma_start3A_877 : memref<32x1024xf32, #tpu.memory_space<hbm>>) target_semaphore(%arg6 : memref<!tpu.dma_semaphore, #tpu.memory_space<semaphore_mem>>)
    %add3A_882 = arith.constant 160 : i32
    %add3A_883 = arith.addi %mul3A_2, %add3A_882 : i32
    %dma_start3A_884 = arith.constant 1 : i32
    %dma_start3A_885 = arith.constant 1 : i32
    %dma_start3A_886 = arith.constant 0 : i32
    %dma_start3A_887 = arith.constant 0 : i32
    %dma_start3A_888 = tpu.memref_slice %arg4[%dma_start3A_884, %dma_start3A_886, %dma_start3A_887] : memref<2x32x1024xf32, #tpu.memory_space<vmem>> -> memref<1x32x1024xf32, #tpu.memory_space<vmem>>
    %dma_start3A_889 = tpu.memref_squeeze %dma_start3A_888 : memref<1x32x1024xf32, #tpu.memory_space<vmem>> -> memref<32x1024xf32, #tpu.memory_space<vmem>>
    %dma_start3A_890 = arith.constant 0 : i32
    %dma_start3A_891 = tpu.memref_slice %arg3[%dma_start3A_885, %add3A_883, %dma_start3A_890] : memref<4x8192x1024xf32, #tpu.memory_space<hbm>> -> memref<1x32x1024xf32, #tpu.memory_space<hbm>>
    %dma_start3A_892 = tpu.memref_squeeze %dma_start3A_891 : memref<1x32x1024xf32, #tpu.memory_space<hbm>> -> memref<32x1024xf32, #tpu.memory_space<hbm>>
    %dma_start3A_893 = arith.constant 0 : i32
    %dma_start3A_894 = tpu.memref_slice %arg3[%dma_start3A_885, %add3A_883, %dma_start3A_893] : memref<4x8192x1024xf32, #tpu.memory_space<hbm>> -> memref<1x32x1024xf32, #tpu.memory_space<hbm>>
    %dma_start3A_895 = tpu.memref_squeeze %dma_start3A_894 : memref<1x32x1024xf32, #tpu.memory_space<hbm>> -> memref<32x1024xf32, #tpu.memory_space<hbm>>
    %dma_start3A_896 = arith.constant 0 : i32
    %dma_start3A_897 = arith.constant 0 : i32
    %dma_start3A_898 = tpu.memref_slice %arg4[%dma_start3A_884, %dma_start3A_896, %dma_start3A_897] : memref<2x32x1024xf32, #tpu.memory_space<vmem>> -> memref<1x32x1024xf32, #tpu.memory_space<vmem>>
    %dma_start3A_899 = tpu.memref_squeeze %dma_start3A_898 : memref<1x32x1024xf32, #tpu.memory_space<vmem>> -> memref<32x1024xf32, #tpu.memory_space<vmem>>
    tpu.enqueue_dma source(%dma_start3A_899 : memref<32x1024xf32, #tpu.memory_space<vmem>>) target(%dma_start3A_895 : memref<32x1024xf32, #tpu.memory_space<hbm>>) target_semaphore(%arg6 : memref<!tpu.dma_semaphore, #tpu.memory_space<semaphore_mem>>)
    %add3A_900 = arith.constant 160 : i32
    %add3A_901 = arith.addi %mul3A_2, %add3A_900 : i32
    %dma_start3A_902 = arith.constant 1 : i32
    %dma_start3A_903 = arith.constant 2 : i32
    %dma_start3A_904 = arith.constant 0 : i32
    %dma_start3A_905 = arith.constant 0 : i32
    %dma_start3A_906 = tpu.memref_slice %arg4[%dma_start3A_902, %dma_start3A_904, %dma_start3A_905] : memref<2x32x1024xf32, #tpu.memory_space<vmem>> -> memref<1x32x1024xf32, #tpu.memory_space<vmem>>
    %dma_start3A_907 = tpu.memref_squeeze %dma_start3A_906 : memref<1x32x1024xf32, #tpu.memory_space<vmem>> -> memref<32x1024xf32, #tpu.memory_space<vmem>>
    %dma_start3A_908 = arith.constant 0 : i32
    %dma_start3A_909 = tpu.memref_slice %arg3[%dma_start3A_903, %add3A_901, %dma_start3A_908] : memref<4x8192x1024xf32, #tpu.memory_space<hbm>> -> memref<1x32x1024xf32, #tpu.memory_space<hbm>>
    %dma_start3A_910 = tpu.memref_squeeze %dma_start3A_909 : memref<1x32x1024xf32, #tpu.memory_space<hbm>> -> memref<32x1024xf32, #tpu.memory_space<hbm>>
    %dma_start3A_911 = arith.constant 0 : i32
    %dma_start3A_912 = tpu.memref_slice %arg3[%dma_start3A_903, %add3A_901, %dma_start3A_911] : memref<4x8192x1024xf32, #tpu.memory_space<hbm>> -> memref<1x32x1024xf32, #tpu.memory_space<hbm>>
    %dma_start3A_913 = tpu.memref_squeeze %dma_start3A_912 : memref<1x32x1024xf32, #tpu.memory_space<hbm>> -> memref<32x1024xf32, #tpu.memory_space<hbm>>
    %dma_start3A_914 = arith.constant 0 : i32
    %dma_start3A_915 = arith.constant 0 : i32
    %dma_start3A_916 = tpu.memref_slice %arg4[%dma_start3A_902, %dma_start3A_914, %dma_start3A_915] : memref<2x32x1024xf32, #tpu.memory_space<vmem>> -> memref<1x32x1024xf32, #tpu.memory_space<vmem>>
    %dma_start3A_917 = tpu.memref_squeeze %dma_start3A_916 : memref<1x32x1024xf32, #tpu.memory_space<vmem>> -> memref<32x1024xf32, #tpu.memory_space<vmem>>
    tpu.enqueue_dma source(%dma_start3A_917 : memref<32x1024xf32, #tpu.memory_space<vmem>>) target(%dma_start3A_913 : memref<32x1024xf32, #tpu.memory_space<hbm>>) target_semaphore(%arg6 : memref<!tpu.dma_semaphore, #tpu.memory_space<semaphore_mem>>)
    %add3A_918 = arith.constant 160 : i32
    %add3A_919 = arith.addi %mul3A_2, %add3A_918 : i32
    %dma_start3A_920 = arith.constant 1 : i32
    %dma_start3A_921 = arith.constant 3 : i32
    %dma_start3A_922 = arith.constant 0 : i32
    %dma_start3A_923 = arith.constant 0 : i32
    %dma_start3A_924 = tpu.memref_slice %arg4[%dma_start3A_920, %dma_start3A_922, %dma_start3A_923] : memref<2x32x1024xf32, #tpu.memory_space<vmem>> -> memref<1x32x1024xf32, #tpu.memory_space<vmem>>
    %dma_start3A_925 = tpu.memref_squeeze %dma_start3A_924 : memref<1x32x1024xf32, #tpu.memory_space<vmem>> -> memref<32x1024xf32, #tpu.memory_space<vmem>>
    %dma_start3A_926 = arith.constant 0 : i32
    %dma_start3A_927 = tpu.memref_slice %arg3[%dma_start3A_921, %add3A_919, %dma_start3A_926] : memref<4x8192x1024xf32, #tpu.memory_space<hbm>> -> memref<1x32x1024xf32, #tpu.memory_space<hbm>>
    %dma_start3A_928 = tpu.memref_squeeze %dma_start3A_927 : memref<1x32x1024xf32, #tpu.memory_space<hbm>> -> memref<32x1024xf32, #tpu.memory_space<hbm>>
    %dma_start3A_929 = arith.constant 0 : i32
    %dma_start3A_930 = tpu.memref_slice %arg3[%dma_start3A_921, %add3A_919, %dma_start3A_929] : memref<4x8192x1024xf32, #tpu.memory_space<hbm>> -> memref<1x32x1024xf32, #tpu.memory_space<hbm>>
    %dma_start3A_931 = tpu.memref_squeeze %dma_start3A_930 : memref<1x32x1024xf32, #tpu.memory_space<hbm>> -> memref<32x1024xf32, #tpu.memory_space<hbm>>
    %dma_start3A_932 = arith.constant 0 : i32
    %dma_start3A_933 = arith.constant 0 : i32
    %dma_start3A_934 = tpu.memref_slice %arg4[%dma_start3A_920, %dma_start3A_932, %dma_start3A_933] : memref<2x32x1024xf32, #tpu.memory_space<vmem>> -> memref<1x32x1024xf32, #tpu.memory_space<vmem>>
    %dma_start3A_935 = tpu.memref_squeeze %dma_start3A_934 : memref<1x32x1024xf32, #tpu.memory_space<vmem>> -> memref<32x1024xf32, #tpu.memory_space<vmem>>
    tpu.enqueue_dma source(%dma_start3A_935 : memref<32x1024xf32, #tpu.memory_space<vmem>>) target(%dma_start3A_931 : memref<32x1024xf32, #tpu.memory_space<hbm>>) target_semaphore(%arg6 : memref<!tpu.dma_semaphore, #tpu.memory_space<semaphore_mem>>)
    %dma_wait3A_936 = arith.constant 1 : i32
    %dma_wait3A_937 = arith.constant 0 : i32
    %dma_wait3A_938 = arith.constant 0 : i32
    %dma_wait3A_939 = arith.constant 0 : i32
    %dma_wait3A_940 = tpu.memref_slice %arg4[%dma_wait3A_936, %dma_wait3A_938, %dma_wait3A_939] : memref<2x32x1024xf32, #tpu.memory_space<vmem>> -> memref<1x32x1024xf32, #tpu.memory_space<vmem>>
    %dma_wait3A_941 = tpu.memref_squeeze %dma_wait3A_940 : memref<1x32x1024xf32, #tpu.memory_space<vmem>> -> memref<32x1024xf32, #tpu.memory_space<vmem>>
    %dma_wait3A_942 = arith.constant 0 : i32
    %dma_wait3A_943 = tpu.memref_slice %arg3[%dma_wait3A_937, %add3A_865, %dma_wait3A_942] : memref<4x8192x1024xf32, #tpu.memory_space<hbm>> -> memref<1x32x1024xf32, #tpu.memory_space<hbm>>
    %dma_wait3A_944 = tpu.memref_squeeze %dma_wait3A_943 : memref<1x32x1024xf32, #tpu.memory_space<hbm>> -> memref<32x1024xf32, #tpu.memory_space<hbm>>
    %dma_wait3A_945 = arith.constant 0 : i32
    %dma_wait3A_946 = tpu.memref_slice %arg3[%dma_wait3A_937, %add3A_865, %dma_wait3A_945] : memref<4x8192x1024xf32, #tpu.memory_space<hbm>> -> memref<1x32x1024xf32, #tpu.memory_space<hbm>>
    %dma_wait3A_947 = tpu.memref_squeeze %dma_wait3A_946 : memref<1x32x1024xf32, #tpu.memory_space<hbm>> -> memref<32x1024xf32, #tpu.memory_space<hbm>>
    %dma_wait3A_948 = arith.constant 0 : i32
    %dma_wait3A_949 = arith.constant 0 : i32
    %dma_wait3A_950 = tpu.memref_slice %arg4[%dma_wait3A_936, %dma_wait3A_948, %dma_wait3A_949] : memref<2x32x1024xf32, #tpu.memory_space<vmem>> -> memref<1x32x1024xf32, #tpu.memory_space<vmem>>
    %dma_wait3A_951 = tpu.memref_squeeze %dma_wait3A_950 : memref<1x32x1024xf32, #tpu.memory_space<vmem>> -> memref<32x1024xf32, #tpu.memory_space<vmem>>
    tpu.wait_dma2 semaphore(%arg6 : memref<!tpu.dma_semaphore, #tpu.memory_space<semaphore_mem>>) src(%dma_wait3A_951 : memref<32x1024xf32, #tpu.memory_space<vmem>>) dst(%dma_wait3A_947 : memref<32x1024xf32, #tpu.memory_space<hbm>>)
    %dma_wait3A_952 = arith.constant 1 : i32
    %dma_wait3A_953 = arith.constant 1 : i32
    %dma_wait3A_954 = arith.constant 0 : i32
    %dma_wait3A_955 = arith.constant 0 : i32
    %dma_wait3A_956 = tpu.memref_slice %arg4[%dma_wait3A_952, %dma_wait3A_954, %dma_wait3A_955] : memref<2x32x1024xf32, #tpu.memory_space<vmem>> -> memref<1x32x1024xf32, #tpu.memory_space<vmem>>
    %dma_wait3A_957 = tpu.memref_squeeze %dma_wait3A_956 : memref<1x32x1024xf32, #tpu.memory_space<vmem>> -> memref<32x1024xf32, #tpu.memory_space<vmem>>
    %dma_wait3A_958 = arith.constant 0 : i32
    %dma_wait3A_959 = tpu.memref_slice %arg3[%dma_wait3A_953, %add3A_883, %dma_wait3A_958] : memref<4x8192x1024xf32, #tpu.memory_space<hbm>> -> memref<1x32x1024xf32, #tpu.memory_space<hbm>>
    %dma_wait3A_960 = tpu.memref_squeeze %dma_wait3A_959 : memref<1x32x1024xf32, #tpu.memory_space<hbm>> -> memref<32x1024xf32, #tpu.memory_space<hbm>>
    %dma_wait3A_961 = arith.constant 0 : i32
    %dma_wait3A_962 = tpu.memref_slice %arg3[%dma_wait3A_953, %add3A_883, %dma_wait3A_961] : memref<4x8192x1024xf32, #tpu.memory_space<hbm>> -> memref<1x32x1024xf32, #tpu.memory_space<hbm>>
    %dma_wait3A_963 = tpu.memref_squeeze %dma_wait3A_962 : memref<1x32x1024xf32, #tpu.memory_space<hbm>> -> memref<32x1024xf32, #tpu.memory_space<hbm>>
    %dma_wait3A_964 = arith.constant 0 : i32
    %dma_wait3A_965 = arith.constant 0 : i32
    %dma_wait3A_966 = tpu.memref_slice %arg4[%dma_wait3A_952, %dma_wait3A_964, %dma_wait3A_965] : memref<2x32x1024xf32, #tpu.memory_space<vmem>> -> memref<1x32x1024xf32, #tpu.memory_space<vmem>>
    %dma_wait3A_967 = tpu.memref_squeeze %dma_wait3A_966 : memref<1x32x1024xf32, #tpu.memory_space<vmem>> -> memref<32x1024xf32, #tpu.memory_space<vmem>>
    tpu.wait_dma2 semaphore(%arg6 : memref<!tpu.dma_semaphore, #tpu.memory_space<semaphore_mem>>) src(%dma_wait3A_967 : memref<32x1024xf32, #tpu.memory_space<vmem>>) dst(%dma_wait3A_963 : memref<32x1024xf32, #tpu.memory_space<hbm>>)
    %dma_wait3A_968 = arith.constant 1 : i32
    %dma_wait3A_969 = arith.constant 2 : i32
    %dma_wait3A_970 = arith.constant 0 : i32
    %dma_wait3A_971 = arith.constant 0 : i32
    %dma_wait3A_972 = tpu.memref_slice %arg4[%dma_wait3A_968, %dma_wait3A_970, %dma_wait3A_971] : memref<2x32x1024xf32, #tpu.memory_space<vmem>> -> memref<1x32x1024xf32, #tpu.memory_space<vmem>>
    %dma_wait3A_973 = tpu.memref_squeeze %dma_wait3A_972 : memref<1x32x1024xf32, #tpu.memory_space<vmem>> -> memref<32x1024xf32, #tpu.memory_space<vmem>>
    %dma_wait3A_974 = arith.constant 0 : i32
    %dma_wait3A_975 = tpu.memref_slice %arg3[%dma_wait3A_969, %add3A_901, %dma_wait3A_974] : memref<4x8192x1024xf32, #tpu.memory_space<hbm>> -> memref<1x32x1024xf32, #tpu.memory_space<hbm>>
    %dma_wait3A_976 = tpu.memref_squeeze %dma_wait3A_975 : memref<1x32x1024xf32, #tpu.memory_space<hbm>> -> memref<32x1024xf32, #tpu.memory_space<hbm>>
    %dma_wait3A_977 = arith.constant 0 : i32
    %dma_wait3A_978 = tpu.memref_slice %arg3[%dma_wait3A_969, %add3A_901, %dma_wait3A_977] : memref<4x8192x1024xf32, #tpu.memory_space<hbm>> -> memref<1x32x1024xf32, #tpu.memory_space<hbm>>
    %dma_wait3A_979 = tpu.memref_squeeze %dma_wait3A_978 : memref<1x32x1024xf32, #tpu.memory_space<hbm>> -> memref<32x1024xf32, #tpu.memory_space<hbm>>
    %dma_wait3A_980 = arith.constant 0 : i32
    %dma_wait3A_981 = arith.constant 0 : i32
    %dma_wait3A_982 = tpu.memref_slice %arg4[%dma_wait3A_968, %dma_wait3A_980, %dma_wait3A_981] : memref<2x32x1024xf32, #tpu.memory_space<vmem>> -> memref<1x32x1024xf32, #tpu.memory_space<vmem>>
    %dma_wait3A_983 = tpu.memref_squeeze %dma_wait3A_982 : memref<1x32x1024xf32, #tpu.memory_space<vmem>> -> memref<32x1024xf32, #tpu.memory_space<vmem>>
    tpu.wait_dma2 semaphore(%arg6 : memref<!tpu.dma_semaphore, #tpu.memory_space<semaphore_mem>>) src(%dma_wait3A_983 : memref<32x1024xf32, #tpu.memory_space<vmem>>) dst(%dma_wait3A_979 : memref<32x1024xf32, #tpu.memory_space<hbm>>)
    %dma_wait3A_984 = arith.constant 1 : i32
    %dma_wait3A_985 = arith.constant 3 : i32
    %dma_wait3A_986 = arith.constant 0 : i32
    %dma_wait3A_987 = arith.constant 0 : i32
    %dma_wait3A_988 = tpu.memref_slice %arg4[%dma_wait3A_984, %dma_wait3A_986, %dma_wait3A_987] : memref<2x32x1024xf32, #tpu.memory_space<vmem>> -> memref<1x32x1024xf32, #tpu.memory_space<vmem>>
    %dma_wait3A_989 = tpu.memref_squeeze %dma_wait3A_988 : memref<1x32x1024xf32, #tpu.memory_space<vmem>> -> memref<32x1024xf32, #tpu.memory_space<vmem>>
    %dma_wait3A_990 = arith.constant 0 : i32
    %dma_wait3A_991 = tpu.memref_slice %arg3[%dma_wait3A_985, %add3A_919, %dma_wait3A_990] : memref<4x8192x1024xf32, #tpu.memory_space<hbm>> -> memref<1x32x1024xf32, #tpu.memory_space<hbm>>
    %dma_wait3A_992 = tpu.memref_squeeze %dma_wait3A_991 : memref<1x32x1024xf32, #tpu.memory_space<hbm>> -> memref<32x1024xf32, #tpu.memory_space<hbm>>
    %dma_wait3A_993 = arith.constant 0 : i32
    %dma_wait3A_994 = tpu.memref_slice %arg3[%dma_wait3A_985, %add3A_919, %dma_wait3A_993] : memref<4x8192x1024xf32, #tpu.memory_space<hbm>> -> memref<1x32x1024xf32, #tpu.memory_space<hbm>>
    %dma_wait3A_995 = tpu.memref_squeeze %dma_wait3A_994 : memref<1x32x1024xf32, #tpu.memory_space<hbm>> -> memref<32x1024xf32, #tpu.memory_space<hbm>>
    %dma_wait3A_996 = arith.constant 0 : i32
    %dma_wait3A_997 = arith.constant 0 : i32
    %dma_wait3A_998 = tpu.memref_slice %arg4[%dma_wait3A_984, %dma_wait3A_996, %dma_wait3A_997] : memref<2x32x1024xf32, #tpu.memory_space<vmem>> -> memref<1x32x1024xf32, #tpu.memory_space<vmem>>
    %dma_wait3A_999 = tpu.memref_squeeze %dma_wait3A_998 : memref<1x32x1024xf32, #tpu.memory_space<vmem>> -> memref<32x1024xf32, #tpu.memory_space<vmem>>
    tpu.wait_dma2 semaphore(%arg6 : memref<!tpu.dma_semaphore, #tpu.memory_space<semaphore_mem>>) src(%dma_wait3A_999 : memref<32x1024xf32, #tpu.memory_space<vmem>>) dst(%dma_wait3A_995 : memref<32x1024xf32, #tpu.memory_space<hbm>>)
    %add3A_1000 = arith.constant 224 : i32
    %add3A_1001 = arith.addi %mul3A_2, %add3A_1000 : i32
    %dma_start3A_1002 = arith.constant 1 : i32
    %dma_start3A_1003 = arith.constant 0 : i32
    %dma_start3A_1004 = arith.constant 0 : i32
    %dma_start3A_1005 = tpu.memref_slice %arg4[%dma_start3A_1002, %dma_start3A_1003, %dma_start3A_1004] : memref<2x32x1024xf32, #tpu.memory_space<vmem>> -> memref<1x32x1024xf32, #tpu.memory_space<vmem>>
    %dma_start3A_1006 = tpu.memref_squeeze %dma_start3A_1005 : memref<1x32x1024xf32, #tpu.memory_space<vmem>> -> memref<32x1024xf32, #tpu.memory_space<vmem>>
    %dma_start3A_1007 = arith.constant 0 : i32
    %dma_start3A_1008 = tpu.memref_slice %arg2[%add3A_1001, %dma_start3A_1007] : memref<8192x1024xf32, #tpu.memory_space<hbm>> -> memref<32x1024xf32, #tpu.memory_space<hbm>>
    %dma_start3A_1009 = arith.constant 0 : i32
    %dma_start3A_1010 = arith.constant 0 : i32
    %dma_start3A_1011 = tpu.memref_slice %arg4[%dma_start3A_1002, %dma_start3A_1009, %dma_start3A_1010] : memref<2x32x1024xf32, #tpu.memory_space<vmem>> -> memref<1x32x1024xf32, #tpu.memory_space<vmem>>
    %dma_start3A_1012 = tpu.memref_squeeze %dma_start3A_1011 : memref<1x32x1024xf32, #tpu.memory_space<vmem>> -> memref<32x1024xf32, #tpu.memory_space<vmem>>
    %dma_start3A_1013 = arith.constant 0 : i32
    %dma_start3A_1014 = tpu.memref_slice %arg2[%add3A_1001, %dma_start3A_1013] : memref<8192x1024xf32, #tpu.memory_space<hbm>> -> memref<32x1024xf32, #tpu.memory_space<hbm>>
    tpu.enqueue_dma source(%dma_start3A_1014 : memref<32x1024xf32, #tpu.memory_space<hbm>>) target(%dma_start3A_1012 : memref<32x1024xf32, #tpu.memory_space<vmem>>) target_semaphore(%arg5 : memref<!tpu.dma_semaphore, #tpu.memory_space<semaphore_mem>>)
    %dma_wait3A_1015 = arith.constant 0 : i32
    %dma_wait3A_1016 = arith.constant 0 : i32
    %dma_wait3A_1017 = arith.constant 0 : i32
    %dma_wait3A_1018 = tpu.memref_slice %arg4[%dma_wait3A_1015, %dma_wait3A_1016, %dma_wait3A_1017] : memref<2x32x1024xf32, #tpu.memory_space<vmem>> -> memref<1x32x1024xf32, #tpu.memory_space<vmem>>
    %dma_wait3A_1019 = tpu.memref_squeeze %dma_wait3A_1018 : memref<1x32x1024xf32, #tpu.memory_space<vmem>> -> memref<32x1024xf32, #tpu.memory_space<vmem>>
    %dma_wait3A_1020 = arith.constant 0 : i32
    %dma_wait3A_1021 = tpu.memref_slice %arg2[%add3A_837, %dma_wait3A_1020] : memref<8192x1024xf32, #tpu.memory_space<hbm>> -> memref<32x1024xf32, #tpu.memory_space<hbm>>
    %dma_wait3A_1022 = arith.constant 0 : i32
    %dma_wait3A_1023 = arith.constant 0 : i32
    %dma_wait3A_1024 = tpu.memref_slice %arg4[%dma_wait3A_1015, %dma_wait3A_1022, %dma_wait3A_1023] : memref<2x32x1024xf32, #tpu.memory_space<vmem>> -> memref<1x32x1024xf32, #tpu.memory_space<vmem>>
    %dma_wait3A_1025 = tpu.memref_squeeze %dma_wait3A_1024 : memref<1x32x1024xf32, #tpu.memory_space<vmem>> -> memref<32x1024xf32, #tpu.memory_space<vmem>>
    %dma_wait3A_1026 = arith.constant 0 : i32
    %dma_wait3A_1027 = tpu.memref_slice %arg2[%add3A_837, %dma_wait3A_1026] : memref<8192x1024xf32, #tpu.memory_space<hbm>> -> memref<32x1024xf32, #tpu.memory_space<hbm>>
    tpu.wait_dma2 semaphore(%arg5 : memref<!tpu.dma_semaphore, #tpu.memory_space<semaphore_mem>>) src(%dma_wait3A_1027 : memref<32x1024xf32, #tpu.memory_space<hbm>>) dst(%dma_wait3A_1025 : memref<32x1024xf32, #tpu.memory_space<vmem>>)
    %add3A_1028 = arith.constant 192 : i32
    %add3A_1029 = arith.addi %mul3A_2, %add3A_1028 : i32
    %dma_start3A_1030 = arith.constant 0 : i32
    %dma_start3A_1031 = arith.constant 0 : i32
    %dma_start3A_1032 = arith.constant 0 : i32
    %dma_start3A_1033 = arith.constant 0 : i32
    %dma_start3A_1034 = tpu.memref_slice %arg4[%dma_start3A_1030, %dma_start3A_1032, %dma_start3A_1033] : memref<2x32x1024xf32, #tpu.memory_space<vmem>> -> memref<1x32x1024xf32, #tpu.memory_space<vmem>>
    %dma_start3A_1035 = tpu.memref_squeeze %dma_start3A_1034 : memref<1x32x1024xf32, #tpu.memory_space<vmem>> -> memref<32x1024xf32, #tpu.memory_space<vmem>>
    %dma_start3A_1036 = arith.constant 0 : i32
    %dma_start3A_1037 = tpu.memref_slice %arg3[%dma_start3A_1031, %add3A_1029, %dma_start3A_1036] : memref<4x8192x1024xf32, #tpu.memory_space<hbm>> -> memref<1x32x1024xf32, #tpu.memory_space<hbm>>
    %dma_start3A_1038 = tpu.memref_squeeze %dma_start3A_1037 : memref<1x32x1024xf32, #tpu.memory_space<hbm>> -> memref<32x1024xf32, #tpu.memory_space<hbm>>
    %dma_start3A_1039 = arith.constant 0 : i32
    %dma_start3A_1040 = tpu.memref_slice %arg3[%dma_start3A_1031, %add3A_1029, %dma_start3A_1039] : memref<4x8192x1024xf32, #tpu.memory_space<hbm>> -> memref<1x32x1024xf32, #tpu.memory_space<hbm>>
    %dma_start3A_1041 = tpu.memref_squeeze %dma_start3A_1040 : memref<1x32x1024xf32, #tpu.memory_space<hbm>> -> memref<32x1024xf32, #tpu.memory_space<hbm>>
    %dma_start3A_1042 = arith.constant 0 : i32
    %dma_start3A_1043 = arith.constant 0 : i32
    %dma_start3A_1044 = tpu.memref_slice %arg4[%dma_start3A_1030, %dma_start3A_1042, %dma_start3A_1043] : memref<2x32x1024xf32, #tpu.memory_space<vmem>> -> memref<1x32x1024xf32, #tpu.memory_space<vmem>>
    %dma_start3A_1045 = tpu.memref_squeeze %dma_start3A_1044 : memref<1x32x1024xf32, #tpu.memory_space<vmem>> -> memref<32x1024xf32, #tpu.memory_space<vmem>>
    tpu.enqueue_dma source(%dma_start3A_1045 : memref<32x1024xf32, #tpu.memory_space<vmem>>) target(%dma_start3A_1041 : memref<32x1024xf32, #tpu.memory_space<hbm>>) target_semaphore(%arg6 : memref<!tpu.dma_semaphore, #tpu.memory_space<semaphore_mem>>)
    %add3A_1046 = arith.constant 192 : i32
    %add3A_1047 = arith.addi %mul3A_2, %add3A_1046 : i32
    %dma_start3A_1048 = arith.constant 0 : i32
    %dma_start3A_1049 = arith.constant 1 : i32
    %dma_start3A_1050 = arith.constant 0 : i32
    %dma_start3A_1051 = arith.constant 0 : i32
    %dma_start3A_1052 = tpu.memref_slice %arg4[%dma_start3A_1048, %dma_start3A_1050, %dma_start3A_1051] : memref<2x32x1024xf32, #tpu.memory_space<vmem>> -> memref<1x32x1024xf32, #tpu.memory_space<vmem>>
    %dma_start3A_1053 = tpu.memref_squeeze %dma_start3A_1052 : memref<1x32x1024xf32, #tpu.memory_space<vmem>> -> memref<32x1024xf32, #tpu.memory_space<vmem>>
    %dma_start3A_1054 = arith.constant 0 : i32
    %dma_start3A_1055 = tpu.memref_slice %arg3[%dma_start3A_1049, %add3A_1047, %dma_start3A_1054] : memref<4x8192x1024xf32, #tpu.memory_space<hbm>> -> memref<1x32x1024xf32, #tpu.memory_space<hbm>>
    %dma_start3A_1056 = tpu.memref_squeeze %dma_start3A_1055 : memref<1x32x1024xf32, #tpu.memory_space<hbm>> -> memref<32x1024xf32, #tpu.memory_space<hbm>>
    %dma_start3A_1057 = arith.constant 0 : i32
    %dma_start3A_1058 = tpu.memref_slice %arg3[%dma_start3A_1049, %add3A_1047, %dma_start3A_1057] : memref<4x8192x1024xf32, #tpu.memory_space<hbm>> -> memref<1x32x1024xf32, #tpu.memory_space<hbm>>
    %dma_start3A_1059 = tpu.memref_squeeze %dma_start3A_1058 : memref<1x32x1024xf32, #tpu.memory_space<hbm>> -> memref<32x1024xf32, #tpu.memory_space<hbm>>
    %dma_start3A_1060 = arith.constant 0 : i32
    %dma_start3A_1061 = arith.constant 0 : i32
    %dma_start3A_1062 = tpu.memref_slice %arg4[%dma_start3A_1048, %dma_start3A_1060, %dma_start3A_1061] : memref<2x32x1024xf32, #tpu.memory_space<vmem>> -> memref<1x32x1024xf32, #tpu.memory_space<vmem>>
    %dma_start3A_1063 = tpu.memref_squeeze %dma_start3A_1062 : memref<1x32x1024xf32, #tpu.memory_space<vmem>> -> memref<32x1024xf32, #tpu.memory_space<vmem>>
    tpu.enqueue_dma source(%dma_start3A_1063 : memref<32x1024xf32, #tpu.memory_space<vmem>>) target(%dma_start3A_1059 : memref<32x1024xf32, #tpu.memory_space<hbm>>) target_semaphore(%arg6 : memref<!tpu.dma_semaphore, #tpu.memory_space<semaphore_mem>>)
    %add3A_1064 = arith.constant 192 : i32
    %add3A_1065 = arith.addi %mul3A_2, %add3A_1064 : i32
    %dma_start3A_1066 = arith.constant 0 : i32
    %dma_start3A_1067 = arith.constant 2 : i32
    %dma_start3A_1068 = arith.constant 0 : i32
    %dma_start3A_1069 = arith.constant 0 : i32
    %dma_start3A_1070 = tpu.memref_slice %arg4[%dma_start3A_1066, %dma_start3A_1068, %dma_start3A_1069] : memref<2x32x1024xf32, #tpu.memory_space<vmem>> -> memref<1x32x1024xf32, #tpu.memory_space<vmem>>
    %dma_start3A_1071 = tpu.memref_squeeze %dma_start3A_1070 : memref<1x32x1024xf32, #tpu.memory_space<vmem>> -> memref<32x1024xf32, #tpu.memory_space<vmem>>
    %dma_start3A_1072 = arith.constant 0 : i32
    %dma_start3A_1073 = tpu.memref_slice %arg3[%dma_start3A_1067, %add3A_1065, %dma_start3A_1072] : memref<4x8192x1024xf32, #tpu.memory_space<hbm>> -> memref<1x32x1024xf32, #tpu.memory_space<hbm>>
    %dma_start3A_1074 = tpu.memref_squeeze %dma_start3A_1073 : memref<1x32x1024xf32, #tpu.memory_space<hbm>> -> memref<32x1024xf32, #tpu.memory_space<hbm>>
    %dma_start3A_1075 = arith.constant 0 : i32
    %dma_start3A_1076 = tpu.memref_slice %arg3[%dma_start3A_1067, %add3A_1065, %dma_start3A_1075] : memref<4x8192x1024xf32, #tpu.memory_space<hbm>> -> memref<1x32x1024xf32, #tpu.memory_space<hbm>>
    %dma_start3A_1077 = tpu.memref_squeeze %dma_start3A_1076 : memref<1x32x1024xf32, #tpu.memory_space<hbm>> -> memref<32x1024xf32, #tpu.memory_space<hbm>>
    %dma_start3A_1078 = arith.constant 0 : i32
    %dma_start3A_1079 = arith.constant 0 : i32
    %dma_start3A_1080 = tpu.memref_slice %arg4[%dma_start3A_1066, %dma_start3A_1078, %dma_start3A_1079] : memref<2x32x1024xf32, #tpu.memory_space<vmem>> -> memref<1x32x1024xf32, #tpu.memory_space<vmem>>
    %dma_start3A_1081 = tpu.memref_squeeze %dma_start3A_1080 : memref<1x32x1024xf32, #tpu.memory_space<vmem>> -> memref<32x1024xf32, #tpu.memory_space<vmem>>
    tpu.enqueue_dma source(%dma_start3A_1081 : memref<32x1024xf32, #tpu.memory_space<vmem>>) target(%dma_start3A_1077 : memref<32x1024xf32, #tpu.memory_space<hbm>>) target_semaphore(%arg6 : memref<!tpu.dma_semaphore, #tpu.memory_space<semaphore_mem>>)
    %add3A_1082 = arith.constant 192 : i32
    %add3A_1083 = arith.addi %mul3A_2, %add3A_1082 : i32
    %dma_start3A_1084 = arith.constant 0 : i32
    %dma_start3A_1085 = arith.constant 3 : i32
    %dma_start3A_1086 = arith.constant 0 : i32
    %dma_start3A_1087 = arith.constant 0 : i32
    %dma_start3A_1088 = tpu.memref_slice %arg4[%dma_start3A_1084, %dma_start3A_1086, %dma_start3A_1087] : memref<2x32x1024xf32, #tpu.memory_space<vmem>> -> memref<1x32x1024xf32, #tpu.memory_space<vmem>>
    %dma_start3A_1089 = tpu.memref_squeeze %dma_start3A_1088 : memref<1x32x1024xf32, #tpu.memory_space<vmem>> -> memref<32x1024xf32, #tpu.memory_space<vmem>>
    %dma_start3A_1090 = arith.constant 0 : i32
    %dma_start3A_1091 = tpu.memref_slice %arg3[%dma_start3A_1085, %add3A_1083, %dma_start3A_1090] : memref<4x8192x1024xf32, #tpu.memory_space<hbm>> -> memref<1x32x1024xf32, #tpu.memory_space<hbm>>
    %dma_start3A_1092 = tpu.memref_squeeze %dma_start3A_1091 : memref<1x32x1024xf32, #tpu.memory_space<hbm>> -> memref<32x1024xf32, #tpu.memory_space<hbm>>
    %dma_start3A_1093 = arith.constant 0 : i32
    %dma_start3A_1094 = tpu.memref_slice %arg3[%dma_start3A_1085, %add3A_1083, %dma_start3A_1093] : memref<4x8192x1024xf32, #tpu.memory_space<hbm>> -> memref<1x32x1024xf32, #tpu.memory_space<hbm>>
    %dma_start3A_1095 = tpu.memref_squeeze %dma_start3A_1094 : memref<1x32x1024xf32, #tpu.memory_space<hbm>> -> memref<32x1024xf32, #tpu.memory_space<hbm>>
    %dma_start3A_1096 = arith.constant 0 : i32
    %dma_start3A_1097 = arith.constant 0 : i32
    %dma_start3A_1098 = tpu.memref_slice %arg4[%dma_start3A_1084, %dma_start3A_1096, %dma_start3A_1097] : memref<2x32x1024xf32, #tpu.memory_space<vmem>> -> memref<1x32x1024xf32, #tpu.memory_space<vmem>>
    %dma_start3A_1099 = tpu.memref_squeeze %dma_start3A_1098 : memref<1x32x1024xf32, #tpu.memory_space<vmem>> -> memref<32x1024xf32, #tpu.memory_space<vmem>>
    tpu.enqueue_dma source(%dma_start3A_1099 : memref<32x1024xf32, #tpu.memory_space<vmem>>) target(%dma_start3A_1095 : memref<32x1024xf32, #tpu.memory_space<hbm>>) target_semaphore(%arg6 : memref<!tpu.dma_semaphore, #tpu.memory_space<semaphore_mem>>)
    %dma_wait3A_1100 = arith.constant 0 : i32
    %dma_wait3A_1101 = arith.constant 0 : i32
    %dma_wait3A_1102 = arith.constant 0 : i32
    %dma_wait3A_1103 = arith.constant 0 : i32
    %dma_wait3A_1104 = tpu.memref_slice %arg4[%dma_wait3A_1100, %dma_wait3A_1102, %dma_wait3A_1103] : memref<2x32x1024xf32, #tpu.memory_space<vmem>> -> memref<1x32x1024xf32, #tpu.memory_space<vmem>>
    %dma_wait3A_1105 = tpu.memref_squeeze %dma_wait3A_1104 : memref<1x32x1024xf32, #tpu.memory_space<vmem>> -> memref<32x1024xf32, #tpu.memory_space<vmem>>
    %dma_wait3A_1106 = arith.constant 0 : i32
    %dma_wait3A_1107 = tpu.memref_slice %arg3[%dma_wait3A_1101, %add3A_1029, %dma_wait3A_1106] : memref<4x8192x1024xf32, #tpu.memory_space<hbm>> -> memref<1x32x1024xf32, #tpu.memory_space<hbm>>
    %dma_wait3A_1108 = tpu.memref_squeeze %dma_wait3A_1107 : memref<1x32x1024xf32, #tpu.memory_space<hbm>> -> memref<32x1024xf32, #tpu.memory_space<hbm>>
    %dma_wait3A_1109 = arith.constant 0 : i32
    %dma_wait3A_1110 = tpu.memref_slice %arg3[%dma_wait3A_1101, %add3A_1029, %dma_wait3A_1109] : memref<4x8192x1024xf32, #tpu.memory_space<hbm>> -> memref<1x32x1024xf32, #tpu.memory_space<hbm>>
    %dma_wait3A_1111 = tpu.memref_squeeze %dma_wait3A_1110 : memref<1x32x1024xf32, #tpu.memory_space<hbm>> -> memref<32x1024xf32, #tpu.memory_space<hbm>>
    %dma_wait3A_1112 = arith.constant 0 : i32
    %dma_wait3A_1113 = arith.constant 0 : i32
    %dma_wait3A_1114 = tpu.memref_slice %arg4[%dma_wait3A_1100, %dma_wait3A_1112, %dma_wait3A_1113] : memref<2x32x1024xf32, #tpu.memory_space<vmem>> -> memref<1x32x1024xf32, #tpu.memory_space<vmem>>
    %dma_wait3A_1115 = tpu.memref_squeeze %dma_wait3A_1114 : memref<1x32x1024xf32, #tpu.memory_space<vmem>> -> memref<32x1024xf32, #tpu.memory_space<vmem>>
    tpu.wait_dma2 semaphore(%arg6 : memref<!tpu.dma_semaphore, #tpu.memory_space<semaphore_mem>>) src(%dma_wait3A_1115 : memref<32x1024xf32, #tpu.memory_space<vmem>>) dst(%dma_wait3A_1111 : memref<32x1024xf32, #tpu.memory_space<hbm>>)
    %dma_wait3A_1116 = arith.constant 0 : i32
    %dma_wait3A_1117 = arith.constant 1 : i32
    %dma_wait3A_1118 = arith.constant 0 : i32
    %dma_wait3A_1119 = arith.constant 0 : i32
    %dma_wait3A_1120 = tpu.memref_slice %arg4[%dma_wait3A_1116, %dma_wait3A_1118, %dma_wait3A_1119] : memref<2x32x1024xf32, #tpu.memory_space<vmem>> -> memref<1x32x1024xf32, #tpu.memory_space<vmem>>
    %dma_wait3A_1121 = tpu.memref_squeeze %dma_wait3A_1120 : memref<1x32x1024xf32, #tpu.memory_space<vmem>> -> memref<32x1024xf32, #tpu.memory_space<vmem>>
    %dma_wait3A_1122 = arith.constant 0 : i32
    %dma_wait3A_1123 = tpu.memref_slice %arg3[%dma_wait3A_1117, %add3A_1047, %dma_wait3A_1122] : memref<4x8192x1024xf32, #tpu.memory_space<hbm>> -> memref<1x32x1024xf32, #tpu.memory_space<hbm>>
    %dma_wait3A_1124 = tpu.memref_squeeze %dma_wait3A_1123 : memref<1x32x1024xf32, #tpu.memory_space<hbm>> -> memref<32x1024xf32, #tpu.memory_space<hbm>>
    %dma_wait3A_1125 = arith.constant 0 : i32
    %dma_wait3A_1126 = tpu.memref_slice %arg3[%dma_wait3A_1117, %add3A_1047, %dma_wait3A_1125] : memref<4x8192x1024xf32, #tpu.memory_space<hbm>> -> memref<1x32x1024xf32, #tpu.memory_space<hbm>>
    %dma_wait3A_1127 = tpu.memref_squeeze %dma_wait3A_1126 : memref<1x32x1024xf32, #tpu.memory_space<hbm>> -> memref<32x1024xf32, #tpu.memory_space<hbm>>
    %dma_wait3A_1128 = arith.constant 0 : i32
    %dma_wait3A_1129 = arith.constant 0 : i32
    %dma_wait3A_1130 = tpu.memref_slice %arg4[%dma_wait3A_1116, %dma_wait3A_1128, %dma_wait3A_1129] : memref<2x32x1024xf32, #tpu.memory_space<vmem>> -> memref<1x32x1024xf32, #tpu.memory_space<vmem>>
    %dma_wait3A_1131 = tpu.memref_squeeze %dma_wait3A_1130 : memref<1x32x1024xf32, #tpu.memory_space<vmem>> -> memref<32x1024xf32, #tpu.memory_space<vmem>>
    tpu.wait_dma2 semaphore(%arg6 : memref<!tpu.dma_semaphore, #tpu.memory_space<semaphore_mem>>) src(%dma_wait3A_1131 : memref<32x1024xf32, #tpu.memory_space<vmem>>) dst(%dma_wait3A_1127 : memref<32x1024xf32, #tpu.memory_space<hbm>>)
    %dma_wait3A_1132 = arith.constant 0 : i32
    %dma_wait3A_1133 = arith.constant 2 : i32
    %dma_wait3A_1134 = arith.constant 0 : i32
    %dma_wait3A_1135 = arith.constant 0 : i32
    %dma_wait3A_1136 = tpu.memref_slice %arg4[%dma_wait3A_1132, %dma_wait3A_1134, %dma_wait3A_1135] : memref<2x32x1024xf32, #tpu.memory_space<vmem>> -> memref<1x32x1024xf32, #tpu.memory_space<vmem>>
    %dma_wait3A_1137 = tpu.memref_squeeze %dma_wait3A_1136 : memref<1x32x1024xf32, #tpu.memory_space<vmem>> -> memref<32x1024xf32, #tpu.memory_space<vmem>>
    %dma_wait3A_1138 = arith.constant 0 : i32
    %dma_wait3A_1139 = tpu.memref_slice %arg3[%dma_wait3A_1133, %add3A_1065, %dma_wait3A_1138] : memref<4x8192x1024xf32, #tpu.memory_space<hbm>> -> memref<1x32x1024xf32, #tpu.memory_space<hbm>>
    %dma_wait3A_1140 = tpu.memref_squeeze %dma_wait3A_1139 : memref<1x32x1024xf32, #tpu.memory_space<hbm>> -> memref<32x1024xf32, #tpu.memory_space<hbm>>
    %dma_wait3A_1141 = arith.constant 0 : i32
    %dma_wait3A_1142 = tpu.memref_slice %arg3[%dma_wait3A_1133, %add3A_1065, %dma_wait3A_1141] : memref<4x8192x1024xf32, #tpu.memory_space<hbm>> -> memref<1x32x1024xf32, #tpu.memory_space<hbm>>
    %dma_wait3A_1143 = tpu.memref_squeeze %dma_wait3A_1142 : memref<1x32x1024xf32, #tpu.memory_space<hbm>> -> memref<32x1024xf32, #tpu.memory_space<hbm>>
    %dma_wait3A_1144 = arith.constant 0 : i32
    %dma_wait3A_1145 = arith.constant 0 : i32
    %dma_wait3A_1146 = tpu.memref_slice %arg4[%dma_wait3A_1132, %dma_wait3A_1144, %dma_wait3A_1145] : memref<2x32x1024xf32, #tpu.memory_space<vmem>> -> memref<1x32x1024xf32, #tpu.memory_space<vmem>>
    %dma_wait3A_1147 = tpu.memref_squeeze %dma_wait3A_1146 : memref<1x32x1024xf32, #tpu.memory_space<vmem>> -> memref<32x1024xf32, #tpu.memory_space<vmem>>
    tpu.wait_dma2 semaphore(%arg6 : memref<!tpu.dma_semaphore, #tpu.memory_space<semaphore_mem>>) src(%dma_wait3A_1147 : memref<32x1024xf32, #tpu.memory_space<vmem>>) dst(%dma_wait3A_1143 : memref<32x1024xf32, #tpu.memory_space<hbm>>)
    %dma_wait3A_1148 = arith.constant 0 : i32
    %dma_wait3A_1149 = arith.constant 3 : i32
    %dma_wait3A_1150 = arith.constant 0 : i32
    %dma_wait3A_1151 = arith.constant 0 : i32
    %dma_wait3A_1152 = tpu.memref_slice %arg4[%dma_wait3A_1148, %dma_wait3A_1150, %dma_wait3A_1151] : memref<2x32x1024xf32, #tpu.memory_space<vmem>> -> memref<1x32x1024xf32, #tpu.memory_space<vmem>>
    %dma_wait3A_1153 = tpu.memref_squeeze %dma_wait3A_1152 : memref<1x32x1024xf32, #tpu.memory_space<vmem>> -> memref<32x1024xf32, #tpu.memory_space<vmem>>
    %dma_wait3A_1154 = arith.constant 0 : i32
    %dma_wait3A_1155 = tpu.memref_slice %arg3[%dma_wait3A_1149, %add3A_1083, %dma_wait3A_1154] : memref<4x8192x1024xf32, #tpu.memory_space<hbm>> -> memref<1x32x1024xf32, #tpu.memory_space<hbm>>
    %dma_wait3A_1156 = tpu.memref_squeeze %dma_wait3A_1155 : memref<1x32x1024xf32, #tpu.memory_space<hbm>> -> memref<32x1024xf32, #tpu.memory_space<hbm>>
    %dma_wait3A_1157 = arith.constant 0 : i32
    %dma_wait3A_1158 = tpu.memref_slice %arg3[%dma_wait3A_1149, %add3A_1083, %dma_wait3A_1157] : memref<4x8192x1024xf32, #tpu.memory_space<hbm>> -> memref<1x32x1024xf32, #tpu.memory_space<hbm>>
    %dma_wait3A_1159 = tpu.memref_squeeze %dma_wait3A_1158 : memref<1x32x1024xf32, #tpu.memory_space<hbm>> -> memref<32x1024xf32, #tpu.memory_space<hbm>>
    %dma_wait3A_1160 = arith.constant 0 : i32
    %dma_wait3A_1161 = arith.constant 0 : i32
    %dma_wait3A_1162 = tpu.memref_slice %arg4[%dma_wait3A_1148, %dma_wait3A_1160, %dma_wait3A_1161] : memref<2x32x1024xf32, #tpu.memory_space<vmem>> -> memref<1x32x1024xf32, #tpu.memory_space<vmem>>
    %dma_wait3A_1163 = tpu.memref_squeeze %dma_wait3A_1162 : memref<1x32x1024xf32, #tpu.memory_space<vmem>> -> memref<32x1024xf32, #tpu.memory_space<vmem>>
    tpu.wait_dma2 semaphore(%arg6 : memref<!tpu.dma_semaphore, #tpu.memory_space<semaphore_mem>>) src(%dma_wait3A_1163 : memref<32x1024xf32, #tpu.memory_space<vmem>>) dst(%dma_wait3A_1159 : memref<32x1024xf32, #tpu.memory_space<hbm>>)
    %dma_wait3A_1164 = arith.constant 1 : i32
    %dma_wait3A_1165 = arith.constant 0 : i32
    %dma_wait3A_1166 = arith.constant 0 : i32
    %dma_wait3A_1167 = tpu.memref_slice %arg4[%dma_wait3A_1164, %dma_wait3A_1165, %dma_wait3A_1166] : memref<2x32x1024xf32, #tpu.memory_space<vmem>> -> memref<1x32x1024xf32, #tpu.memory_space<vmem>>
    %dma_wait3A_1168 = tpu.memref_squeeze %dma_wait3A_1167 : memref<1x32x1024xf32, #tpu.memory_space<vmem>> -> memref<32x1024xf32, #tpu.memory_space<vmem>>
    %dma_wait3A_1169 = arith.constant 0 : i32
    %dma_wait3A_1170 = tpu.memref_slice %arg2[%add3A_1001, %dma_wait3A_1169] : memref<8192x1024xf32, #tpu.memory_space<hbm>> -> memref<32x1024xf32, #tpu.memory_space<hbm>>
    %dma_wait3A_1171 = arith.constant 0 : i32
    %dma_wait3A_1172 = arith.constant 0 : i32
    %dma_wait3A_1173 = tpu.memref_slice %arg4[%dma_wait3A_1164, %dma_wait3A_1171, %dma_wait3A_1172] : memref<2x32x1024xf32, #tpu.memory_space<vmem>> -> memref<1x32x1024xf32, #tpu.memory_space<vmem>>
    %dma_wait3A_1174 = tpu.memref_squeeze %dma_wait3A_1173 : memref<1x32x1024xf32, #tpu.memory_space<vmem>> -> memref<32x1024xf32, #tpu.memory_space<vmem>>
    %dma_wait3A_1175 = arith.constant 0 : i32
    %dma_wait3A_1176 = tpu.memref_slice %arg2[%add3A_1001, %dma_wait3A_1175] : memref<8192x1024xf32, #tpu.memory_space<hbm>> -> memref<32x1024xf32, #tpu.memory_space<hbm>>
    tpu.wait_dma2 semaphore(%arg5 : memref<!tpu.dma_semaphore, #tpu.memory_space<semaphore_mem>>) src(%dma_wait3A_1176 : memref<32x1024xf32, #tpu.memory_space<hbm>>) dst(%dma_wait3A_1174 : memref<32x1024xf32, #tpu.memory_space<vmem>>)
    %add3A_1177 = arith.constant 224 : i32
    %add3A_1178 = arith.addi %mul3A_2, %add3A_1177 : i32
    %dma_start3A_1179 = arith.constant 1 : i32
    %dma_start3A_1180 = arith.constant 0 : i32
    %dma_start3A_1181 = arith.constant 0 : i32
    %dma_start3A_1182 = arith.constant 0 : i32
    %dma_start3A_1183 = tpu.memref_slice %arg4[%dma_start3A_1179, %dma_start3A_1181, %dma_start3A_1182] : memref<2x32x1024xf32, #tpu.memory_space<vmem>> -> memref<1x32x1024xf32, #tpu.memory_space<vmem>>
    %dma_start3A_1184 = tpu.memref_squeeze %dma_start3A_1183 : memref<1x32x1024xf32, #tpu.memory_space<vmem>> -> memref<32x1024xf32, #tpu.memory_space<vmem>>
    %dma_start3A_1185 = arith.constant 0 : i32
    %dma_start3A_1186 = tpu.memref_slice %arg3[%dma_start3A_1180, %add3A_1178, %dma_start3A_1185] : memref<4x8192x1024xf32, #tpu.memory_space<hbm>> -> memref<1x32x1024xf32, #tpu.memory_space<hbm>>
    %dma_start3A_1187 = tpu.memref_squeeze %dma_start3A_1186 : memref<1x32x1024xf32, #tpu.memory_space<hbm>> -> memref<32x1024xf32, #tpu.memory_space<hbm>>
    %dma_start3A_1188 = arith.constant 0 : i32
    %dma_start3A_1189 = tpu.memref_slice %arg3[%dma_start3A_1180, %add3A_1178, %dma_start3A_1188] : memref<4x8192x1024xf32, #tpu.memory_space<hbm>> -> memref<1x32x1024xf32, #tpu.memory_space<hbm>>
    %dma_start3A_1190 = tpu.memref_squeeze %dma_start3A_1189 : memref<1x32x1024xf32, #tpu.memory_space<hbm>> -> memref<32x1024xf32, #tpu.memory_space<hbm>>
    %dma_start3A_1191 = arith.constant 0 : i32
    %dma_start3A_1192 = arith.constant 0 : i32
    %dma_start3A_1193 = tpu.memref_slice %arg4[%dma_start3A_1179, %dma_start3A_1191, %dma_start3A_1192] : memref<2x32x1024xf32, #tpu.memory_space<vmem>> -> memref<1x32x1024xf32, #tpu.memory_space<vmem>>
    %dma_start3A_1194 = tpu.memref_squeeze %dma_start3A_1193 : memref<1x32x1024xf32, #tpu.memory_space<vmem>> -> memref<32x1024xf32, #tpu.memory_space<vmem>>
    tpu.enqueue_dma source(%dma_start3A_1194 : memref<32x1024xf32, #tpu.memory_space<vmem>>) target(%dma_start3A_1190 : memref<32x1024xf32, #tpu.memory_space<hbm>>) target_semaphore(%arg6 : memref<!tpu.dma_semaphore, #tpu.memory_space<semaphore_mem>>)
    %add3A_1195 = arith.constant 224 : i32
    %add3A_1196 = arith.addi %mul3A_2, %add3A_1195 : i32
    %dma_start3A_1197 = arith.constant 1 : i32
    %dma_start3A_1198 = arith.constant 1 : i32
    %dma_start3A_1199 = arith.constant 0 : i32
    %dma_start3A_1200 = arith.constant 0 : i32
    %dma_start3A_1201 = tpu.memref_slice %arg4[%dma_start3A_1197, %dma_start3A_1199, %dma_start3A_1200] : memref<2x32x1024xf32, #tpu.memory_space<vmem>> -> memref<1x32x1024xf32, #tpu.memory_space<vmem>>
    %dma_start3A_1202 = tpu.memref_squeeze %dma_start3A_1201 : memref<1x32x1024xf32, #tpu.memory_space<vmem>> -> memref<32x1024xf32, #tpu.memory_space<vmem>>
    %dma_start3A_1203 = arith.constant 0 : i32
    %dma_start3A_1204 = tpu.memref_slice %arg3[%dma_start3A_1198, %add3A_1196, %dma_start3A_1203] : memref<4x8192x1024xf32, #tpu.memory_space<hbm>> -> memref<1x32x1024xf32, #tpu.memory_space<hbm>>
    %dma_start3A_1205 = tpu.memref_squeeze %dma_start3A_1204 : memref<1x32x1024xf32, #tpu.memory_space<hbm>> -> memref<32x1024xf32, #tpu.memory_space<hbm>>
    %dma_start3A_1206 = arith.constant 0 : i32
    %dma_start3A_1207 = tpu.memref_slice %arg3[%dma_start3A_1198, %add3A_1196, %dma_start3A_1206] : memref<4x8192x1024xf32, #tpu.memory_space<hbm>> -> memref<1x32x1024xf32, #tpu.memory_space<hbm>>
    %dma_start3A_1208 = tpu.memref_squeeze %dma_start3A_1207 : memref<1x32x1024xf32, #tpu.memory_space<hbm>> -> memref<32x1024xf32, #tpu.memory_space<hbm>>
    %dma_start3A_1209 = arith.constant 0 : i32
    %dma_start3A_1210 = arith.constant 0 : i32
    %dma_start3A_1211 = tpu.memref_slice %arg4[%dma_start3A_1197, %dma_start3A_1209, %dma_start3A_1210] : memref<2x32x1024xf32, #tpu.memory_space<vmem>> -> memref<1x32x1024xf32, #tpu.memory_space<vmem>>
    %dma_start3A_1212 = tpu.memref_squeeze %dma_start3A_1211 : memref<1x32x1024xf32, #tpu.memory_space<vmem>> -> memref<32x1024xf32, #tpu.memory_space<vmem>>
    tpu.enqueue_dma source(%dma_start3A_1212 : memref<32x1024xf32, #tpu.memory_space<vmem>>) target(%dma_start3A_1208 : memref<32x1024xf32, #tpu.memory_space<hbm>>) target_semaphore(%arg6 : memref<!tpu.dma_semaphore, #tpu.memory_space<semaphore_mem>>)
    %add3A_1213 = arith.constant 224 : i32
    %add3A_1214 = arith.addi %mul3A_2, %add3A_1213 : i32
    %dma_start3A_1215 = arith.constant 1 : i32
    %dma_start3A_1216 = arith.constant 2 : i32
    %dma_start3A_1217 = arith.constant 0 : i32
    %dma_start3A_1218 = arith.constant 0 : i32
    %dma_start3A_1219 = tpu.memref_slice %arg4[%dma_start3A_1215, %dma_start3A_1217, %dma_start3A_1218] : memref<2x32x1024xf32, #tpu.memory_space<vmem>> -> memref<1x32x1024xf32, #tpu.memory_space<vmem>>
    %dma_start3A_1220 = tpu.memref_squeeze %dma_start3A_1219 : memref<1x32x1024xf32, #tpu.memory_space<vmem>> -> memref<32x1024xf32, #tpu.memory_space<vmem>>
    %dma_start3A_1221 = arith.constant 0 : i32
    %dma_start3A_1222 = tpu.memref_slice %arg3[%dma_start3A_1216, %add3A_1214, %dma_start3A_1221] : memref<4x8192x1024xf32, #tpu.memory_space<hbm>> -> memref<1x32x1024xf32, #tpu.memory_space<hbm>>
    %dma_start3A_1223 = tpu.memref_squeeze %dma_start3A_1222 : memref<1x32x1024xf32, #tpu.memory_space<hbm>> -> memref<32x1024xf32, #tpu.memory_space<hbm>>
    %dma_start3A_1224 = arith.constant 0 : i32
    %dma_start3A_1225 = tpu.memref_slice %arg3[%dma_start3A_1216, %add3A_1214, %dma_start3A_1224] : memref<4x8192x1024xf32, #tpu.memory_space<hbm>> -> memref<1x32x1024xf32, #tpu.memory_space<hbm>>
    %dma_start3A_1226 = tpu.memref_squeeze %dma_start3A_1225 : memref<1x32x1024xf32, #tpu.memory_space<hbm>> -> memref<32x1024xf32, #tpu.memory_space<hbm>>
    %dma_start3A_1227 = arith.constant 0 : i32
    %dma_start3A_1228 = arith.constant 0 : i32
    %dma_start3A_1229 = tpu.memref_slice %arg4[%dma_start3A_1215, %dma_start3A_1227, %dma_start3A_1228] : memref<2x32x1024xf32, #tpu.memory_space<vmem>> -> memref<1x32x1024xf32, #tpu.memory_space<vmem>>
    %dma_start3A_1230 = tpu.memref_squeeze %dma_start3A_1229 : memref<1x32x1024xf32, #tpu.memory_space<vmem>> -> memref<32x1024xf32, #tpu.memory_space<vmem>>
    tpu.enqueue_dma source(%dma_start3A_1230 : memref<32x1024xf32, #tpu.memory_space<vmem>>) target(%dma_start3A_1226 : memref<32x1024xf32, #tpu.memory_space<hbm>>) target_semaphore(%arg6 : memref<!tpu.dma_semaphore, #tpu.memory_space<semaphore_mem>>)
    %add3A_1231 = arith.constant 224 : i32
    %add3A_1232 = arith.addi %mul3A_2, %add3A_1231 : i32
    %dma_start3A_1233 = arith.constant 1 : i32
    %dma_start3A_1234 = arith.constant 3 : i32
    %dma_start3A_1235 = arith.constant 0 : i32
    %dma_start3A_1236 = arith.constant 0 : i32
    %dma_start3A_1237 = tpu.memref_slice %arg4[%dma_start3A_1233, %dma_start3A_1235, %dma_start3A_1236] : memref<2x32x1024xf32, #tpu.memory_space<vmem>> -> memref<1x32x1024xf32, #tpu.memory_space<vmem>>
    %dma_start3A_1238 = tpu.memref_squeeze %dma_start3A_1237 : memref<1x32x1024xf32, #tpu.memory_space<vmem>> -> memref<32x1024xf32, #tpu.memory_space<vmem>>
    %dma_start3A_1239 = arith.constant 0 : i32
    %dma_start3A_1240 = tpu.memref_slice %arg3[%dma_start3A_1234, %add3A_1232, %dma_start3A_1239] : memref<4x8192x1024xf32, #tpu.memory_space<hbm>> -> memref<1x32x1024xf32, #tpu.memory_space<hbm>>
    %dma_start3A_1241 = tpu.memref_squeeze %dma_start3A_1240 : memref<1x32x1024xf32, #tpu.memory_space<hbm>> -> memref<32x1024xf32, #tpu.memory_space<hbm>>
    %dma_start3A_1242 = arith.constant 0 : i32
    %dma_start3A_1243 = tpu.memref_slice %arg3[%dma_start3A_1234, %add3A_1232, %dma_start3A_1242] : memref<4x8192x1024xf32, #tpu.memory_space<hbm>> -> memref<1x32x1024xf32, #tpu.memory_space<hbm>>
    %dma_start3A_1244 = tpu.memref_squeeze %dma_start3A_1243 : memref<1x32x1024xf32, #tpu.memory_space<hbm>> -> memref<32x1024xf32, #tpu.memory_space<hbm>>
    %dma_start3A_1245 = arith.constant 0 : i32
    %dma_start3A_1246 = arith.constant 0 : i32
    %dma_start3A_1247 = tpu.memref_slice %arg4[%dma_start3A_1233, %dma_start3A_1245, %dma_start3A_1246] : memref<2x32x1024xf32, #tpu.memory_space<vmem>> -> memref<1x32x1024xf32, #tpu.memory_space<vmem>>
    %dma_start3A_1248 = tpu.memref_squeeze %dma_start3A_1247 : memref<1x32x1024xf32, #tpu.memory_space<vmem>> -> memref<32x1024xf32, #tpu.memory_space<vmem>>
    tpu.enqueue_dma source(%dma_start3A_1248 : memref<32x1024xf32, #tpu.memory_space<vmem>>) target(%dma_start3A_1244 : memref<32x1024xf32, #tpu.memory_space<hbm>>) target_semaphore(%arg6 : memref<!tpu.dma_semaphore, #tpu.memory_space<semaphore_mem>>)
    %dma_wait3A_1249 = arith.constant 1 : i32
    %dma_wait3A_1250 = arith.constant 0 : i32
    %dma_wait3A_1251 = arith.constant 0 : i32
    %dma_wait3A_1252 = arith.constant 0 : i32
    %dma_wait3A_1253 = tpu.memref_slice %arg4[%dma_wait3A_1249, %dma_wait3A_1251, %dma_wait3A_1252] : memref<2x32x1024xf32, #tpu.memory_space<vmem>> -> memref<1x32x1024xf32, #tpu.memory_space<vmem>>
    %dma_wait3A_1254 = tpu.memref_squeeze %dma_wait3A_1253 : memref<1x32x1024xf32, #tpu.memory_space<vmem>> -> memref<32x1024xf32, #tpu.memory_space<vmem>>
    %dma_wait3A_1255 = arith.constant 0 : i32
    %dma_wait3A_1256 = tpu.memref_slice %arg3[%dma_wait3A_1250, %add3A_1178, %dma_wait3A_1255] : memref<4x8192x1024xf32, #tpu.memory_space<hbm>> -> memref<1x32x1024xf32, #tpu.memory_space<hbm>>
    %dma_wait3A_1257 = tpu.memref_squeeze %dma_wait3A_1256 : memref<1x32x1024xf32, #tpu.memory_space<hbm>> -> memref<32x1024xf32, #tpu.memory_space<hbm>>
    %dma_wait3A_1258 = arith.constant 0 : i32
    %dma_wait3A_1259 = tpu.memref_slice %arg3[%dma_wait3A_1250, %add3A_1178, %dma_wait3A_1258] : memref<4x8192x1024xf32, #tpu.memory_space<hbm>> -> memref<1x32x1024xf32, #tpu.memory_space<hbm>>
    %dma_wait3A_1260 = tpu.memref_squeeze %dma_wait3A_1259 : memref<1x32x1024xf32, #tpu.memory_space<hbm>> -> memref<32x1024xf32, #tpu.memory_space<hbm>>
    %dma_wait3A_1261 = arith.constant 0 : i32
    %dma_wait3A_1262 = arith.constant 0 : i32
    %dma_wait3A_1263 = tpu.memref_slice %arg4[%dma_wait3A_1249, %dma_wait3A_1261, %dma_wait3A_1262] : memref<2x32x1024xf32, #tpu.memory_space<vmem>> -> memref<1x32x1024xf32, #tpu.memory_space<vmem>>
    %dma_wait3A_1264 = tpu.memref_squeeze %dma_wait3A_1263 : memref<1x32x1024xf32, #tpu.memory_space<vmem>> -> memref<32x1024xf32, #tpu.memory_space<vmem>>
    tpu.wait_dma2 semaphore(%arg6 : memref<!tpu.dma_semaphore, #tpu.memory_space<semaphore_mem>>) src(%dma_wait3A_1264 : memref<32x1024xf32, #tpu.memory_space<vmem>>) dst(%dma_wait3A_1260 : memref<32x1024xf32, #tpu.memory_space<hbm>>)
    %dma_wait3A_1265 = arith.constant 1 : i32
    %dma_wait3A_1266 = arith.constant 1 : i32
    %dma_wait3A_1267 = arith.constant 0 : i32
    %dma_wait3A_1268 = arith.constant 0 : i32
    %dma_wait3A_1269 = tpu.memref_slice %arg4[%dma_wait3A_1265, %dma_wait3A_1267, %dma_wait3A_1268] : memref<2x32x1024xf32, #tpu.memory_space<vmem>> -> memref<1x32x1024xf32, #tpu.memory_space<vmem>>
    %dma_wait3A_1270 = tpu.memref_squeeze %dma_wait3A_1269 : memref<1x32x1024xf32, #tpu.memory_space<vmem>> -> memref<32x1024xf32, #tpu.memory_space<vmem>>
    %dma_wait3A_1271 = arith.constant 0 : i32
    %dma_wait3A_1272 = tpu.memref_slice %arg3[%dma_wait3A_1266, %add3A_1196, %dma_wait3A_1271] : memref<4x8192x1024xf32, #tpu.memory_space<hbm>> -> memref<1x32x1024xf32, #tpu.memory_space<hbm>>
    %dma_wait3A_1273 = tpu.memref_squeeze %dma_wait3A_1272 : memref<1x32x1024xf32, #tpu.memory_space<hbm>> -> memref<32x1024xf32, #tpu.memory_space<hbm>>
    %dma_wait3A_1274 = arith.constant 0 : i32
    %dma_wait3A_1275 = tpu.memref_slice %arg3[%dma_wait3A_1266, %add3A_1196, %dma_wait3A_1274] : memref<4x8192x1024xf32, #tpu.memory_space<hbm>> -> memref<1x32x1024xf32, #tpu.memory_space<hbm>>
    %dma_wait3A_1276 = tpu.memref_squeeze %dma_wait3A_1275 : memref<1x32x1024xf32, #tpu.memory_space<hbm>> -> memref<32x1024xf32, #tpu.memory_space<hbm>>
    %dma_wait3A_1277 = arith.constant 0 : i32
    %dma_wait3A_1278 = arith.constant 0 : i32
    %dma_wait3A_1279 = tpu.memref_slice %arg4[%dma_wait3A_1265, %dma_wait3A_1277, %dma_wait3A_1278] : memref<2x32x1024xf32, #tpu.memory_space<vmem>> -> memref<1x32x1024xf32, #tpu.memory_space<vmem>>
    %dma_wait3A_1280 = tpu.memref_squeeze %dma_wait3A_1279 : memref<1x32x1024xf32, #tpu.memory_space<vmem>> -> memref<32x1024xf32, #tpu.memory_space<vmem>>
    tpu.wait_dma2 semaphore(%arg6 : memref<!tpu.dma_semaphore, #tpu.memory_space<semaphore_mem>>) src(%dma_wait3A_1280 : memref<32x1024xf32, #tpu.memory_space<vmem>>) dst(%dma_wait3A_1276 : memref<32x1024xf32, #tpu.memory_space<hbm>>)
    %dma_wait3A_1281 = arith.constant 1 : i32
    %dma_wait3A_1282 = arith.constant 2 : i32
    %dma_wait3A_1283 = arith.constant 0 : i32
    %dma_wait3A_1284 = arith.constant 0 : i32
    %dma_wait3A_1285 = tpu.memref_slice %arg4[%dma_wait3A_1281, %dma_wait3A_1283, %dma_wait3A_1284] : memref<2x32x1024xf32, #tpu.memory_space<vmem>> -> memref<1x32x1024xf32, #tpu.memory_space<vmem>>
    %dma_wait3A_1286 = tpu.memref_squeeze %dma_wait3A_1285 : memref<1x32x1024xf32, #tpu.memory_space<vmem>> -> memref<32x1024xf32, #tpu.memory_space<vmem>>
    %dma_wait3A_1287 = arith.constant 0 : i32
    %dma_wait3A_1288 = tpu.memref_slice %arg3[%dma_wait3A_1282, %add3A_1214, %dma_wait3A_1287] : memref<4x8192x1024xf32, #tpu.memory_space<hbm>> -> memref<1x32x1024xf32, #tpu.memory_space<hbm>>
    %dma_wait3A_1289 = tpu.memref_squeeze %dma_wait3A_1288 : memref<1x32x1024xf32, #tpu.memory_space<hbm>> -> memref<32x1024xf32, #tpu.memory_space<hbm>>
    %dma_wait3A_1290 = arith.constant 0 : i32
    %dma_wait3A_1291 = tpu.memref_slice %arg3[%dma_wait3A_1282, %add3A_1214, %dma_wait3A_1290] : memref<4x8192x1024xf32, #tpu.memory_space<hbm>> -> memref<1x32x1024xf32, #tpu.memory_space<hbm>>
    %dma_wait3A_1292 = tpu.memref_squeeze %dma_wait3A_1291 : memref<1x32x1024xf32, #tpu.memory_space<hbm>> -> memref<32x1024xf32, #tpu.memory_space<hbm>>
    %dma_wait3A_1293 = arith.constant 0 : i32
    %dma_wait3A_1294 = arith.constant 0 : i32
    %dma_wait3A_1295 = tpu.memref_slice %arg4[%dma_wait3A_1281, %dma_wait3A_1293, %dma_wait3A_1294] : memref<2x32x1024xf32, #tpu.memory_space<vmem>> -> memref<1x32x1024xf32, #tpu.memory_space<vmem>>
    %dma_wait3A_1296 = tpu.memref_squeeze %dma_wait3A_1295 : memref<1x32x1024xf32, #tpu.memory_space<vmem>> -> memref<32x1024xf32, #tpu.memory_space<vmem>>
    tpu.wait_dma2 semaphore(%arg6 : memref<!tpu.dma_semaphore, #tpu.memory_space<semaphore_mem>>) src(%dma_wait3A_1296 : memref<32x1024xf32, #tpu.memory_space<vmem>>) dst(%dma_wait3A_1292 : memref<32x1024xf32, #tpu.memory_space<hbm>>)
    %dma_wait3A_1297 = arith.constant 1 : i32
    %dma_wait3A_1298 = arith.constant 3 : i32
    %dma_wait3A_1299 = arith.constant 0 : i32
    %dma_wait3A_1300 = arith.constant 0 : i32
    %dma_wait3A_1301 = tpu.memref_slice %arg4[%dma_wait3A_1297, %dma_wait3A_1299, %dma_wait3A_1300] : memref<2x32x1024xf32, #tpu.memory_space<vmem>> -> memref<1x32x1024xf32, #tpu.memory_space<vmem>>
    %dma_wait3A_1302 = tpu.memref_squeeze %dma_wait3A_1301 : memref<1x32x1024xf32, #tpu.memory_space<vmem>> -> memref<32x1024xf32, #tpu.memory_space<vmem>>
    %dma_wait3A_1303 = arith.constant 0 : i32
    %dma_wait3A_1304 = tpu.memref_slice %arg3[%dma_wait3A_1298, %add3A_1232, %dma_wait3A_1303] : memref<4x8192x1024xf32, #tpu.memory_space<hbm>> -> memref<1x32x1024xf32, #tpu.memory_space<hbm>>
    %dma_wait3A_1305 = tpu.memref_squeeze %dma_wait3A_1304 : memref<1x32x1024xf32, #tpu.memory_space<hbm>> -> memref<32x1024xf32, #tpu.memory_space<hbm>>
    %dma_wait3A_1306 = arith.constant 0 : i32
    %dma_wait3A_1307 = tpu.memref_slice %arg3[%dma_wait3A_1298, %add3A_1232, %dma_wait3A_1306] : memref<4x8192x1024xf32, #tpu.memory_space<hbm>> -> memref<1x32x1024xf32, #tpu.memory_space<hbm>>
    %dma_wait3A_1308 = tpu.memref_squeeze %dma_wait3A_1307 : memref<1x32x1024xf32, #tpu.memory_space<hbm>> -> memref<32x1024xf32, #tpu.memory_space<hbm>>
    %dma_wait3A_1309 = arith.constant 0 : i32
    %dma_wait3A_1310 = arith.constant 0 : i32
    %dma_wait3A_1311 = tpu.memref_slice %arg4[%dma_wait3A_1297, %dma_wait3A_1309, %dma_wait3A_1310] : memref<2x32x1024xf32, #tpu.memory_space<vmem>> -> memref<1x32x1024xf32, #tpu.memory_space<vmem>>
    %dma_wait3A_1312 = tpu.memref_squeeze %dma_wait3A_1311 : memref<1x32x1024xf32, #tpu.memory_space<vmem>> -> memref<32x1024xf32, #tpu.memory_space<vmem>>
    tpu.wait_dma2 semaphore(%arg6 : memref<!tpu.dma_semaphore, #tpu.memory_space<semaphore_mem>>) src(%dma_wait3A_1312 : memref<32x1024xf32, #tpu.memory_space<vmem>>) dst(%dma_wait3A_1308 : memref<32x1024xf32, #tpu.memory_space<hbm>>)
    return
  }
}

</mosaic_0001>

<sc_bundles>
// kernel: kernel.3.cloned.1.call-start
scs
__scs_entry_jumppad:
0x0: {  	(pc) =	sbr.rel $0x88, $3  }
0x1: {  	(tag) =	ssettag $0x0;
	lr =	simm.s32 $0x1  }
0x2: {  	[smem:$0x3FA0] =	sst lr;
	_ =	strace $0xD0000000  }
0x3: {  	_ = 	snop  }
0x4: {  	_ = 	snop  }
0x5: {  	_ = 	snop  }
0x6: {  	_ = 	snop  }
0x7: {  	_ = 	snop  }
__scs_overlays_trampoline_lowered:
0x8: {  	[smem:$0x3FAF] =	sst s0  }
0x9: {  	[smem:$0x3FB0] =	sst s1  }
0xa: {  	[smem:$0x3FB1] =	sst s2  }
0xb: {  	[smem:$0x3FB2] =	sst s3  }
0xc: {  	[smem:$0x3FB3] =	sst s4  }
0xd: {  	[smem:$0x3FB4] =	sst s5  }
0xe: {  	[smem:$0x3FB5] =	sst s6  }
0xf: {  	[smem:$0x3FB6] =	sst s7  }
0x10: {  	[smem:$0x3FB7] =	sst s8  }
0x11: {  	[smem:$0x3FB8] =	sst s9;
	s0 =	simm.s32 @!p0 $0x0  }
0x12: {  	s1 =	sld [smem:$0x3F9E];
	s0 =	simm.s32 @p0 $0x1  }
0x13: {  	[smem:$0x3FB9] =	sst s0;
	s0 =	simm.s32 @!p1 $0x0  }
0x14: {  	s2 =	sld [smem:$0x3F9D];
	s0 =	simm.s32 @p1 $0x1  }
0x15: {  	[smem:$0x3FBA] =	sst s0;
	s0 =	simm.s32 @!p2 $0x0  }
0x16: {  	s3 =	sld [smem:$0x3FDB];
	s0 =	simm.s32 @p2 $0x1  }
0x17: {  	s4 =	simm.s32 $0x1BF5;
	[smem:$0x3FBC] =	sst s0  }
0x18: {  	s0 =	sld [smem:$0x3F9F];
	_ =	swait.ge [sflag:s4], $0x0  }
0x19: {  	s7 =	sld [smem:$0x3FA0]  }
0x1a: {  	s8 =	sadd.s32 $0xFFFFE003, lr  }
0x1b: {  	s9 =	sadd.s32 $0xFFFFFEF7, lr;
	s5 =	simm.s32 $0xFFFFFFFF;
	p2 =	slt.u32 s8, $0xFFFFF086  }
0x1c: {  	p1 =	slt.u32 s9, $0xF7A;
	s5 =	simm.s32 @!p2 $0x0  }
0x1d: {  	s5 =	simm.s32 @p1 $0x1;
	p0 =	seq.s32 s7, s2  }
0x1e: {  	s7 =	smul.u32 @!p0 $0xF7A, s2;
	p2 =	seq.s32 @!p0 s5, $0x0  }
0x1f: {  	s9 =	smul.u32 $0xF7A, s1;
	s8 =	simm.s32 @!p0 $0x1BF5;
	p2 =	por !p2, p0  }
0x20: {  	[sflag:s8] =	ssyncset.s32 @!p0 $0xFFFFF086;
	s6 =	sadd.s32 @!p0 s3, s7;
	s7 =	simm.s32 @!p0 $0x108  }
0x21: {  	s3 =	sadd.s32 s3, s9;
	s6 =	sadd.s32 @!p0 $0x88, s6;
	s7 =	simm.s32 @p2 $0x1082  }
0x22: {  	[simem:s7], [sflag:s8] =	dma.local @!p0 [hbm:s6], $0xF7A  }
0x23: {  	s9 =	sor.u32 $0xD0000000, s2;
	s6 =	simm.s32 $0x108;
	_ =	swait.ge @!p0 [sflag:s8], $0x0  }
0x24: {  	s3 =	sadd.s32 $0x88, s3;
	s6 =	simm.s32 @!p1 $0x1082;
	[sflag:s4] =	ssyncset.s32 $0xFFFFF086  }
0x25: {  	[simem:s6], [sflag:s4] =	dma.local [hbm:s3], $0xF7A  }
0x26: {  	[smem:$0x3FA0] =	sst s1;
	(tag) =	ssettag s2;
	_ =	strace s9  }
0x27: {  	s1 =	sld [smem:$0x3FB0]  }
0x28: {  	s2 =	sld [smem:$0x3FB1]  }
0x29: {  	s4 =	sld [smem:$0x3FB3]  }
0x2a: {  	p0 =	seq.s32 s5, $0x0;
	s5 =	sld [smem:$0x3FB4]  }
0x2b: {  	s6 =	sld [smem:$0x3FB5]  }
0x2c: {  	s7 =	sld [smem:$0x3FB6]  }
0x2d: {  	s3 =	simm.s32 $0x108;
	s8 =	sld [smem:$0x3FB7]  }
0x2e: {  	s3 =	simm.s32 @!p0 $0x1082;
	s9 =	sld [smem:$0x3FB8]  }
0x2f: {  	lr =	sadd.s32 s0, s3;
	s0 =	sld [smem:$0x3FAF]  }
0x30: {  	s3 =	sld [smem:$0x3FB2]  }
0x31: {  	[smem:$0x3FBB] =	sst s10  }
0x32: {  	s10 =	sld [smem:$0x3FB9];
	_ =	sdelay $0x3  }
0x33: {  	p0 =	seq.s32 s10, $0x1;
	s10 =	sld [smem:$0x3FBB];
	_ =	sdelay $0x3  }
0x34: {  	[smem:$0x3FBB] =	sst s10  }
0x35: {  	s10 =	sld [smem:$0x3FBA];
	_ =	sdelay $0x3  }
0x36: {  	p1 =	seq.s32 s10, $0x1;
	s10 =	sld [smem:$0x3FBB];
	_ =	sdelay $0x3  }
0x37: {  	[smem:$0x3FBB] =	sst s10  }
0x38: {  	s10 =	sld [smem:$0x3FBC]  }
0x39: {  	_ = 	snop;
	(pc) =	sbr.ind lr, $3  }
0x3a: {  	_ = 	snop  }
0x3b: {  	_ = 	snop  }
0x3c: {  	p2 =	seq.s32 s10, $0x1;
	s10 =	sld [smem:$0x3FBB]  }
0x3d: {  	_ =	shalt  }
0x3e: {  	_ =	shalt  }
0x3f: {  	_ =	shalt  }
0x40: {  	_ =	shalt  }
0x41: {  	_ =	shalt  }
0x42: {  	_ =	shalt  }
0x43: {  	_ =	shalt  }
0x44: {  	_ =	shalt  }
0x45: {  	_ =	shalt  }
0x46: {  	_ =	shalt  }
0x47: {  	_ =	shalt  }
0x48: {  	_ =	shalt  }
0x49: {  	_ =	shalt  }
0x4a: {  	_ =	shalt  }
0x4b: {  	_ =	shalt  }
0x4c: {  	_ =	shalt  }
0x4d: {  	_ =	shalt  }
0x4e: {  	_ =	shalt  }
0x4f: {  	_ =	shalt  }
0x50: {  	_ =	shalt  }
0x51: {  	_ =	shalt  }
0x52: {  	_ =	shalt  }
0x53: {  	_ =	shalt  }
0x54: {  	_ =	shalt  }
0x55: {  	_ =	shalt  }
0x56: {  	_ =	shalt  }
0x57: {  	_ =	shalt  }
0x58: {  	_ =	shalt  }
0x59: {  	_ =	shalt  }
0x5a: {  	_ =	shalt  }
0x5b: {  	_ =	shalt  }
0x5c: {  	_ =	shalt  }
0x5d: {  	_ =	shalt  }
0x5e: {  	_ =	shalt  }
0x5f: {  	_ =	shalt  }
0x60: {  	_ =	shalt  }
0x61: {  	_ =	shalt  }
0x62: {  	_ =	shalt  }
0x63: {  	_ =	shalt  }
0x64: {  	_ =	shalt  }
0x65: {  	_ =	shalt  }
0x66: {  	_ =	shalt  }
0x67: {  	_ =	shalt  }
0x68: {  	_ =	shalt  }
0x69: {  	_ =	shalt  }
0x6a: {  	_ =	shalt  }
0x6b: {  	_ =	shalt  }
0x6c: {  	_ =	shalt  }
0x6d: {  	_ =	shalt  }
0x6e: {  	_ =	shalt  }
0x6f: {  	_ =	shalt  }
0x70: {  	_ =	shalt  }
0x71: {  	_ =	shalt  }
0x72: {  	_ =	shalt  }
0x73: {  	_ =	shalt  }
0x74: {  	_ =	shalt  }
0x75: {  	_ =	shalt  }
0x76: {  	_ =	shalt  }
0x77: {  	_ =	shalt  }
0x78: {  	_ =	shalt  }
0x79: {  	_ =	shalt  }
0x7a: {  	_ =	shalt  }
0x7b: {  	_ =	shalt  }
0x7c: {  	_ =	shalt  }
0x7d: {  	_ =	shalt  }
0x7e: {  	_ =	shalt  }
0x7f: {  	_ =	shalt  }
0x80: {  	_ =	shalt  }
0x81: {  	_ =	shalt  }
0x82: {  	_ =	shalt  }
0x83: {  	_ =	shalt  }
0x84: {  	_ =	shalt  }
0x85: {  	_ =	shalt  }
0x86: {  	_ =	shalt  }
0x87: {  	_ =	shalt  }
.Lfunc_end0:
.L_simem_size_0:
called_computation_lowered:
.L_overlay_start_0:
0x88: {  	s2 =	sld [smem:$0x3FD9]  }
0x89: {  	s3 =	sld [smem:$0x3FFE];
	_ =	sdelay $0x1  }
0x8a: {  	s1 =	srdreg.scid  }
0x8b: {  	s0 =	sand.u32 $0x1, s1  }
0x8c: {  	s18 =	sshll.u32 s0, $0xA;
	s2 =	sadd.s32 s3, s2  }
0x8d: {  	s2 =	sadd.s32 s2, s18  }
0x8e: {  	[smem:$0x3FC7] =	sst s2  }
0x8f: {  	_ = 	snop  }
0x90: {  	s2 =	sld [smem:$0x3FC9]  }
0x91: {  	s19 =	sld [smem:$0x3FD0];
	(tm) =	ssettm $0x1  }
0x92: {  	s4 =	sld [smem:$0x3FFB];
	_ =	sdelay $0x3  }
0x93: {  	_ =	strace s4  }
0x94: {  	s4 =	sld [smem:$0x3FFC];
	_ =	sdelay $0x3  }
0x95: {  	_ =	strace s4  }
0x96: {  	s4 =	sld [smem:$0x3FFD];
	_ =	sdelay $0x3  }
0x97: {  	_ =	strace s4  }
0x98: {  	_ =	strace $0x8FFFFFFF  }
0x99: {  	s20 =	sld [smem:$0x3FDB];
	_ =	sdelay $0x1  }
0x9a: {  	s5 =	simm.s32 $_scs_section_size  }
0x9b: {  	s6 =	simm.s32 $_size__tile_overlayer_lowered;
	s7 =	simm.s32 $_tile_overlayer_lowered  }
0x9c: {  	s23 =	simm.s32 $0x1BFF;
	s22 =	sshll.u32 s7, $0x1;
	s4 =	sadd.s32 s5, s20  }
0x9d: {  	s8 =	simm.s32 $0x0;
	s21 =	sshll.u32 s6, $0x1;
	s6 =	sadd.s32 s22, s4  }
0x9e: {  	[timem:s8], [sflag:s23] =	dma.local [hbm:s6], s21  }
0x9f: {  	_ =	swait.ge [sflag:s23], s21  }
0xa0: {  	s5 =	ssub.s32 $0x0, s21;
	[sflag:s23] =	ssyncset.done $0x0  }
0xa1: {  	[sflag:s23] =	ssyncadd.s32 s5;
	_ =	sdelay $0x1  }
0xa2: {  	s24 =	simm.s32 $0x1B8B  }
0xa3: {  	_ =	swait.ge [sflag:s24], $0x1  }
0xa4: {  	[sflag:s24] =	ssyncset.done $0x0  }
0xa5: {  	s25 =	simm.s32 $0x1B8E;
	[sflag:s24] =	ssyncadd.s32 $0xFFFFFFFF  }
0xa6: {  	s26 =	simm.s32 $execute0_lowered;
	[smem:$0x3FD2] =	sst s25  }
0xa7: {  	s5 =	sshll.u32 s26, $0x1;
	_ =	strace $0x80000046;
	[dreg:$0x1] =	wrdreg $0xFFFFFFFF  }
0xa8: {  	s28 =	simm.s32 $_size_execute0_lowered;
	s4 =	sadd.s32 s4, s5;
	[dreg:$0x0] =	wrdreg $0x0  }
0xa9: {  	s5 =	sshll.u32 s28, $0x1;
	[dreg:$0x2] =	wrdreg s4  }
0xaa: {  	[dreg:$0x3] =	wrdreg s5  }
0xab: {  	[dreg:$0x4] =	wrdreg $0xC0  }
0xac: {  	_ =	task [dreg:s8], $0x5FFFF  }
0xad: {  	[dreg:$0x1] =	wrdreg $0xFFFFFFFF  }
0xae: {  	[dreg:$0x0] =	wrdreg $0x60  }
0xaf: {  	[dreg:$0x2] =	wrdreg s2  }
0xb0: {  	[dreg:$0x3] =	wrdreg s19  }
0xb1: {  	[dreg:$0x4] =	wrdreg $0x9  }
0xb2: {  	_ =	task.clear_ibuf [dreg:s8], $0x5FFFF;
	_ =	strace $0x90000046  }
0xb3: {  	s29 =	simm.s32 $0x9;
	_ =	strace $0x80000048  }
0xb4: {  	_ =	swait.ge [sflag:s29], $0x1  }
0xb5: {  	[sflag:s29] =	ssyncadd.s32 $0xFFFFFFFF  }
0xb6: {  	_ =	strace $0x90000048  }
0xb7: {  	_ =	sfence  }
0xb8: {  	s30 =	sld [smem:$0x0];
	_ =	sdelay $0x2  }
0xb9: {  	s31 =	sshll.u32 s1, $0xD;
	s1 =	sshrl.u32 s1, $0x2  }
0xba: {  	s3 =	sand.u32 $0x4000, s31;
	s1 =	sadd.s32 s1, s30  }
0xbb: {  	s0 =	sor.u32 s3, s0;
	s1 =	sshll.u32 s1, $0x11  }
0xbc: {  	s0 =	sor.u32 s1, s0  }
0xbd: {  	s0 =	sadd.s32 $0x8F2B, s0  }
0xbe: {  	[sflag:s0] =	ssyncadd.remote.s32 $0x1  }
0xbf: {  	_ =	sfence.sel $0xFFFF  }
0xc0: {  	[dreg:$0x0] =	wrdreg $0xFFFFFFFF;
	(pc) =	sbr.abs _section_cstart, $3  }
0xc1: {  	[dreg:$0x1] =	wrdreg $0xFFFFFFFF  }
0xc2: {  	_ =	task.clear_ibuf [dreg:s8], $0x2FFFF;
	_ =	strace $0x9FFFFFFF  }
0xc3: {  	(tm) =	ssettm $0x7FFFFFFF  }
tec
execute0_lowered:
.L_overlay_start_1:
0x0: {  	(tag) =	ssettag $0x1  }
0x1: {  	s3 =	rddreg [dreg:$0x0]  }
0x2: {  	s0 =	rddreg [dreg:$0x1]  }
0x3: {  	s1 =	srdreg.scid;
	s4 =	stileid.u32  }
0x4: {  	s2 =	simm.s32 $0x0;
	p0 =	por $0x0, $0x0;
	s1 =	sand.u32 $0x1, s1  }
0x5: {  	s4 =	sshll.u32 s4, $0x10;
	[smem:$0x7FF] =	sst s2;
	s5 =	sshll.u32 s1, $0xF  }
0x6: {  	_ =	strace $0x80000047;
	s1 =	ssub.s32 $0x2, s1;
	s4 =	sor.u32 s5, s4  }
0x7: {  	s26 =	sshrl.u32 s1, $0x1;
	s5 =	sadd.s32 s3, s4;
	s6 =	sor.u32 $0x1000, s4  }
0x8: {  	s31 =	sadd.s32 s0, s4;
	[dreg:$0x3] =	wrdreg s5;
	s14 =	sadd.s32 s3, s6  }
0x9: {  	s7 =	sor.u32 $0x2000, s4;
	s15 =	sadd.s32 $0x100000, s31;
	[dreg:$0x4] =	wrdreg s14  }
0xa: {  	s23 =	sor.u32 $0x3000, s4;
	s16 =	sadd.s32 $0x200000, s31;
	[dreg:$0x5] =	wrdreg s15  }
0xb: {  	s1 =	ssub.s32 s1, s26;
	s17 =	sadd.s32 $0x300000, s31;
	[dreg:$0x6] =	wrdreg s16  }
0xc: {  	s11 =	sor.u32 $0x4000, s4;
	s18 =	sadd.s32 s3, s7;
	[dreg:$0x7] =	wrdreg s17  }
0xd: {  	s12 =	sor.u32 $0x5000, s4;
	s19 =	sadd.s32 s0, s6;
	[dreg:$0x8] =	wrdreg s18  }
0xe: {  	s13 =	sor.u32 $0x6000, s4;
	s20 =	sadd.s32 $0x101000, s31;
	[dreg:$0x9] =	wrdreg s19  }
0xf: {  	s4 =	sor.u32 $0x7000, s4;
	s21 =	sadd.s32 $0x201000, s31;
	[dreg:$0xa] =	wrdreg s20  }
0x10: {  	s22 =	sadd.s32 $0x301000, s31;
	s24 =	sadd.s32 s3, s23;
	[dreg:$0xb] =	wrdreg s21  }
0x11: {  	s25 =	sadd.s32 s0, s7;
	s8 =	sadd.s32 $0x102000, s31;
	[dreg:$0xc] =	wrdreg s22  }
0x12: {  	s9 =	sadd.s32 $0x202000, s31;
	s10 =	sadd.s32 $0x302000, s31;
	[dreg:$0xd] =	wrdreg s24  }
0x13: {  	s30 =	sadd.s32 s3, s11;
	s26 =	sadd.s32 $0x103000, s31;
	[dreg:$0xe] =	wrdreg s25  }
0x14: {  	s28 =	sadd.s32 $0x203000, s31;
	s29 =	sadd.s32 $0x303000, s31;
	[dreg:$0xf] =	wrdreg s8  }
0x15: {  	s1 =	smax.u32 s1, $0x1;
	s5 =	sadd.s32 $0x107000, s31;
	[dreg:$0x10] =	wrdreg s9  }
0x16: {  	s6 =	sadd.s32 $0x207000, s31;
	s7 =	sadd.s32 $0x307000, s31;
	[dreg:$0x11] =	wrdreg s10  }
0x17: {  	s25 =	sadd.s32 s0, s23;
	s24 =	sadd.s32 s3, s12;
	s20 =	sadd.s32 s0, s11  }
0x18: {  	s21 =	sadd.s32 $0x104000, s31;
	s22 =	sadd.s32 $0x204000, s31;
	s23 =	sadd.s32 $0x304000, s31  }
0x19: {  	s19 =	sadd.s32 s3, s13;
	s15 =	sadd.s32 s0, s12;
	p1 =	sne.s32 s1, $0x1  }
.Ltmp0:
0x1a: {  	s16 =	sadd.s32 $0x105000, s31;
	s17 =	sadd.s32 $0x205000, s31;
	(pc) =	sbr.rel @!p1 .LBB2_5-.Ltmp0, $4  }
0x1b: {  	s18 =	sadd.s32 $0x305000, s31;
	s14 =	sadd.s32 s3, s4;
	s10 =	sadd.s32 s0, s13  }
0x1c: {  	s11 =	sadd.s32 $0x106000, s31;
	s12 =	sadd.s32 $0x206000, s31;
	s4 =	sadd.s32 s0, s4  }
0x1d: {  	s13 =	sadd.s32 $0x306000, s31;
	s0 =	sadd.s32 $0xFFFFFFFF, s1;
	s8 =	simm.s32 $0x8000  }
0x1e: {  	s9 =	simm.s32 $0x1;
	s3 =	simm.s32 $0x2;
	s1 =	rddreg [dreg:$0x3]  }
0x1f: {  	[dreg:$0x13] =	wrdreg s0  }
0x20: {  	[tilespmem:s2], [sflag:$0x1] =	stream.linear.gather [hbm4b:s1+s2], $0x8000, $0x38;
	[tilespmem:$0x10000] =	vst v63  }
0x21: {  	s0 =	rddreg [dreg:$0x4]  }
0x22: {  	[tilespmem:s8], [sflag:$0x1] =	stream.linear.gather [hbm4b:s0+s2], $0x8000, $0x38;
	[tilespmem:$0x10000] =	vst v63  }
0x23: {  	_ =	swait.ge [sflag:s9], $0x8000  }
0x24: {  	[sflag:s9] =	ssyncset.done $0x0  }
0x25: {  	[sflag:s9] =	ssyncadd.s32 $0xFFFF8000  }
0x26: {  	[hbm4b:s31+s2] =	stream.linear.scatter [tilespmem:s2], [sflag:$0x2], $0x8000, $0x38;
	[tilespmem:$0x10000] =	vst v63  }
0x27: {  	s0 =	rddreg [dreg:$0x5]  }
0x28: {  	[hbm4b:s0+s2] =	stream.linear.scatter [tilespmem:s2], [sflag:$0x2], $0x8000, $0x38;
	[tilespmem:$0x10000] =	vst v63  }
0x29: {  	s1 =	rddreg [dreg:$0x6]  }
0x2a: {  	[hbm4b:s1+s2] =	stream.linear.scatter [tilespmem:s2], [sflag:$0x2], $0x8000, $0x38;
	[tilespmem:$0x10000] =	vst v63  }
0x2b: {  	s0 =	rddreg [dreg:$0x7]  }
0x2c: {  	[hbm4b:s0+s2] =	stream.linear.scatter [tilespmem:s2], [sflag:$0x2], $0x8000, $0x38;
	[tilespmem:$0x10000] =	vst v63  }
0x2d: {  	_ =	swait.ge [sflag:s3], $0x8000  }
0x2e: {  	[sflag:s3] =	ssyncset.done $0x0  }
0x2f: {  	[sflag:s3] =	ssyncadd.s32 $0xFFFF8000  }
0x30: {  	_ =	swait.ge [sflag:s3], $0x8000  }
0x31: {  	[sflag:s3] =	ssyncset.done $0x0  }
0x32: {  	[sflag:s3] =	ssyncadd.s32 $0xFFFF8000  }
0x33: {  	_ =	swait.ge [sflag:s3], $0x8000  }
0x34: {  	[sflag:s3] =	ssyncset.done $0x0  }
0x35: {  	[sflag:s3] =	ssyncadd.s32 $0xFFFF8000  }
0x36: {  	_ =	swait.ge [sflag:s3], $0x8000  }
0x37: {  	[sflag:s3] =	ssyncset.done $0x0  }
0x38: {  	s1 =	rddreg [dreg:$0x8];
	[sflag:s3] =	ssyncadd.s32 $0xFFFF8000  }
0x39: {  	[tilespmem:s2], [sflag:$0x1] =	stream.linear.gather [hbm4b:s1+s2], $0x8000, $0x38;
	[tilespmem:$0x10000] =	vst v63  }
0x3a: {  	_ =	swait.ge [sflag:s9], $0x8000  }
0x3b: {  	[sflag:s9] =	ssyncset.done $0x0  }
0x3c: {  	s0 =	rddreg [dreg:$0x9];
	[sflag:s9] =	ssyncadd.s32 $0xFFFF8000  }
0x3d: {  	[hbm4b:s0+s2] =	stream.linear.scatter [tilespmem:s8], [sflag:$0x2], $0x8000, $0x38;
	[tilespmem:$0x10000] =	vst v63  }
0x3e: {  	s1 =	rddreg [dreg:$0xa]  }
0x3f: {  	[hbm4b:s1+s2] =	stream.linear.scatter [tilespmem:s8], [sflag:$0x2], $0x8000, $0x38;
	[tilespmem:$0x10000] =	vst v63  }
0x40: {  	s0 =	rddreg [dreg:$0xb]  }
0x41: {  	[hbm4b:s0+s2] =	stream.linear.scatter [tilespmem:s8], [sflag:$0x2], $0x8000, $0x38;
	[tilespmem:$0x10000] =	vst v63  }
0x42: {  	s1 =	rddreg [dreg:$0xc]  }
0x43: {  	[hbm4b:s1+s2] =	stream.linear.scatter [tilespmem:s8], [sflag:$0x2], $0x8000, $0x38;
	[tilespmem:$0x10000] =	vst v63  }
0x44: {  	_ =	swait.ge [sflag:s3], $0x8000  }
0x45: {  	[sflag:s3] =	ssyncset.done $0x0  }
0x46: {  	[sflag:s3] =	ssyncadd.s32 $0xFFFF8000  }
0x47: {  	_ =	swait.ge [sflag:s3], $0x8000  }
0x48: {  	[sflag:s3] =	ssyncset.done $0x0  }
0x49: {  	[sflag:s3] =	ssyncadd.s32 $0xFFFF8000  }
0x4a: {  	_ =	swait.ge [sflag:s3], $0x8000  }
0x4b: {  	[sflag:s3] =	ssyncset.done $0x0  }
0x4c: {  	[sflag:s3] =	ssyncadd.s32 $0xFFFF8000  }
0x4d: {  	_ =	swait.ge [sflag:s3], $0x8000  }
0x4e: {  	[sflag:s3] =	ssyncset.done $0x0  }
0x4f: {  	s1 =	rddreg [dreg:$0xd];
	[sflag:s3] =	ssyncadd.s32 $0xFFFF8000  }
0x50: {  	[tilespmem:s8], [sflag:$0x1] =	stream.linear.gather [hbm4b:s1+s2], $0x8000, $0x38;
	[tilespmem:$0x10000] =	vst v63  }
0x51: {  	_ =	swait.ge [sflag:s9], $0x8000  }
0x52: {  	[sflag:s9] =	ssyncset.done $0x0  }
0x53: {  	s0 =	rddreg [dreg:$0xe];
	[sflag:s9] =	ssyncadd.s32 $0xFFFF8000  }
0x54: {  	[hbm4b:s0+s2] =	stream.linear.scatter [tilespmem:s2], [sflag:$0x2], $0x8000, $0x38;
	[tilespmem:$0x10000] =	vst v63  }
0x55: {  	s1 =	rddreg [dreg:$0xf]  }
0x56: {  	[hbm4b:s1+s2] =	stream.linear.scatter [tilespmem:s2], [sflag:$0x2], $0x8000, $0x38;
	[tilespmem:$0x10000] =	vst v63  }
0x57: {  	s0 =	rddreg [dreg:$0x10]  }
0x58: {  	[hbm4b:s0+s2] =	stream.linear.scatter [tilespmem:s2], [sflag:$0x2], $0x8000, $0x38;
	[tilespmem:$0x10000] =	vst v63  }
0x59: {  	s1 =	rddreg [dreg:$0x11]  }
0x5a: {  	[hbm4b:s1+s2] =	stream.linear.scatter [tilespmem:s2], [sflag:$0x2], $0x8000, $0x38;
	[tilespmem:$0x10000] =	vst v63  }
0x5b: {  	_ =	swait.ge [sflag:s3], $0x8000  }
0x5c: {  	[sflag:s3] =	ssyncset.done $0x0  }
0x5d: {  	[sflag:s3] =	ssyncadd.s32 $0xFFFF8000  }
0x5e: {  	_ =	swait.ge [sflag:s3], $0x8000  }
0x5f: {  	[sflag:s3] =	ssyncset.done $0x0  }
0x60: {  	[sflag:s3] =	ssyncadd.s32 $0xFFFF8000  }
0x61: {  	_ =	swait.ge [sflag:s3], $0x8000  }
0x62: {  	[sflag:s3] =	ssyncset.done $0x0  }
0x63: {  	[sflag:s3] =	ssyncadd.s32 $0xFFFF8000  }
0x64: {  	_ =	swait.ge [sflag:s3], $0x8000  }
0x65: {  	[sflag:s3] =	ssyncset.done $0x0  }
0x66: {  	[sflag:s3] =	ssyncadd.s32 $0xFFFF8000  }
0x67: {  	[tilespmem:s2], [sflag:$0x1] =	stream.linear.gather [hbm4b:s30+s2], $0x8000, $0x38;
	[tilespmem:$0x10000] =	vst v63  }
0x68: {  	_ =	swait.ge [sflag:s9], $0x8000  }
0x69: {  	[sflag:s9] =	ssyncset.done $0x0  }
0x6a: {  	[sflag:s9] =	ssyncadd.s32 $0xFFFF8000  }
0x6b: {  	[hbm4b:s25+s2] =	stream.linear.scatter [tilespmem:s8], [sflag:$0x2], $0x8000, $0x38;
	[tilespmem:$0x10000] =	vst v63  }
0x6c: {  	_ = 	snop  }
0x6d: {  	[hbm4b:s26+s2] =	stream.linear.scatter [tilespmem:s8], [sflag:$0x2], $0x8000, $0x38;
	[tilespmem:$0x10000] =	vst v63  }
0x6e: {  	_ = 	snop  }
0x6f: {  	[hbm4b:s28+s2] =	stream.linear.scatter [tilespmem:s8], [sflag:$0x2], $0x8000, $0x38;
	[tilespmem:$0x10000] =	vst v63  }
0x70: {  	_ = 	snop  }
0x71: {  	[hbm4b:s29+s2] =	stream.linear.scatter [tilespmem:s8], [sflag:$0x2], $0x8000, $0x38;
	[tilespmem:$0x10000] =	vst v63  }
0x72: {  	_ =	swait.ge [sflag:s3], $0x8000  }
0x73: {  	[sflag:s3] =	ssyncset.done $0x0  }
0x74: {  	[sflag:s3] =	ssyncadd.s32 $0xFFFF8000  }
0x75: {  	_ =	swait.ge [sflag:s3], $0x8000  }
0x76: {  	[sflag:s3] =	ssyncset.done $0x0  }
0x77: {  	[sflag:s3] =	ssyncadd.s32 $0xFFFF8000  }
0x78: {  	_ =	swait.ge [sflag:s3], $0x8000  }
0x79: {  	[sflag:s3] =	ssyncset.done $0x0  }
0x7a: {  	[sflag:s3] =	ssyncadd.s32 $0xFFFF8000  }
0x7b: {  	_ =	swait.ge [sflag:s3], $0x8000  }
0x7c: {  	[sflag:s3] =	ssyncset.done $0x0  }
0x7d: {  	[sflag:s3] =	ssyncadd.s32 $0xFFFF8000  }
0x7e: {  	[tilespmem:s8], [sflag:$0x1] =	stream.linear.gather [hbm4b:s24+s2], $0x8000, $0x38;
	[tilespmem:$0x10000] =	vst v63  }
0x7f: {  	_ =	swait.ge [sflag:s9], $0x8000  }
0x80: {  	[sflag:s9] =	ssyncset.done $0x0  }
0x81: {  	[sflag:s9] =	ssyncadd.s32 $0xFFFF8000  }
0x82: {  	[hbm4b:s20+s2] =	stream.linear.scatter [tilespmem:s2], [sflag:$0x2], $0x8000, $0x38;
	[tilespmem:$0x10000] =	vst v63  }
0x83: {  	_ = 	snop  }
0x84: {  	[hbm4b:s21+s2] =	stream.linear.scatter [tilespmem:s2], [sflag:$0x2], $0x8000, $0x38;
	[tilespmem:$0x10000] =	vst v63  }
0x85: {  	_ = 	snop  }
0x86: {  	[hbm4b:s22+s2] =	stream.linear.scatter [tilespmem:s2], [sflag:$0x2], $0x8000, $0x38;
	[tilespmem:$0x10000] =	vst v63  }
0x87: {  	_ = 	snop  }
0x88: {  	[hbm4b:s23+s2] =	stream.linear.scatter [tilespmem:s2], [sflag:$0x2], $0x8000, $0x38;
	[tilespmem:$0x10000] =	vst v63  }
0x89: {  	_ =	swait.ge [sflag:s3], $0x8000  }
0x8a: {  	[sflag:s3] =	ssyncset.done $0x0  }
0x8b: {  	[sflag:s3] =	ssyncadd.s32 $0xFFFF8000  }
0x8c: {  	_ =	swait.ge [sflag:s3], $0x8000  }
0x8d: {  	[sflag:s3] =	ssyncset.done $0x0  }
0x8e: {  	[sflag:s3] =	ssyncadd.s32 $0xFFFF8000  }
0x8f: {  	_ =	swait.ge [sflag:s3], $0x8000  }
0x90: {  	[sflag:s3] =	ssyncset.done $0x0  }
0x91: {  	[sflag:s3] =	ssyncadd.s32 $0xFFFF8000  }
0x92: {  	_ =	swait.ge [sflag:s3], $0x8000  }
0x93: {  	[sflag:s3] =	ssyncset.done $0x0  }
0x94: {  	[sflag:s3] =	ssyncadd.s32 $0xFFFF8000  }
0x95: {  	[tilespmem:s2], [sflag:$0x1] =	stream.linear.gather [hbm4b:s19+s2], $0x8000, $0x38;
	[tilespmem:$0x10000] =	vst v63  }
0x96: {  	_ =	swait.ge [sflag:s9], $0x8000  }
0x97: {  	[sflag:s9] =	ssyncset.done $0x0  }
0x98: {  	[sflag:s9] =	ssyncadd.s32 $0xFFFF8000  }
0x99: {  	[hbm4b:s15+s2] =	stream.linear.scatter [tilespmem:s8], [sflag:$0x2], $0x8000, $0x38;
	[tilespmem:$0x10000] =	vst v63  }
0x9a: {  	_ = 	snop  }
0x9b: {  	[hbm4b:s16+s2] =	stream.linear.scatter [tilespmem:s8], [sflag:$0x2], $0x8000, $0x38;
	[tilespmem:$0x10000] =	vst v63  }
0x9c: {  	_ = 	snop  }
0x9d: {  	[hbm4b:s17+s2] =	stream.linear.scatter [tilespmem:s8], [sflag:$0x2], $0x8000, $0x38;
	[tilespmem:$0x10000] =	vst v63  }
0x9e: {  	_ = 	snop  }
0x9f: {  	[hbm4b:s18+s2] =	stream.linear.scatter [tilespmem:s8], [sflag:$0x2], $0x8000, $0x38;
	[tilespmem:$0x10000] =	vst v63  }
0xa0: {  	_ =	swait.ge [sflag:s3], $0x8000  }
0xa1: {  	[sflag:s3] =	ssyncset.done $0x0  }
0xa2: {  	[sflag:s3] =	ssyncadd.s32 $0xFFFF8000  }
0xa3: {  	_ =	swait.ge [sflag:s3], $0x8000  }
0xa4: {  	[sflag:s3] =	ssyncset.done $0x0  }
0xa5: {  	[sflag:s3] =	ssyncadd.s32 $0xFFFF8000  }
0xa6: {  	_ =	swait.ge [sflag:s3], $0x8000  }
0xa7: {  	[sflag:s3] =	ssyncset.done $0x0  }
0xa8: {  	[sflag:s3] =	ssyncadd.s32 $0xFFFF8000  }
0xa9: {  	_ =	swait.ge [sflag:s3], $0x8000  }
0xaa: {  	[sflag:s3] =	ssyncset.done $0x0  }
0xab: {  	[sflag:s3] =	ssyncadd.s32 $0xFFFF8000  }
0xac: {  	[tilespmem:s8], [sflag:$0x1] =	stream.linear.gather [hbm4b:s14+s2], $0x8000, $0x38;
	[tilespmem:$0x10000] =	vst v63  }
0xad: {  	_ =	swait.ge [sflag:s9], $0x8000  }
0xae: {  	[sflag:s9] =	ssyncset.done $0x0  }
0xaf: {  	[sflag:s9] =	ssyncadd.s32 $0xFFFF8000  }
0xb0: {  	[hbm4b:s10+s2] =	stream.linear.scatter [tilespmem:s2], [sflag:$0x2], $0x8000, $0x38;
	[tilespmem:$0x10000] =	vst v63  }
0xb1: {  	_ = 	snop  }
0xb2: {  	[hbm4b:s11+s2] =	stream.linear.scatter [tilespmem:s2], [sflag:$0x2], $0x8000, $0x38;
	[tilespmem:$0x10000] =	vst v63  }
0xb3: {  	_ = 	snop  }
0xb4: {  	[hbm4b:s12+s2] =	stream.linear.scatter [tilespmem:s2], [sflag:$0x2], $0x8000, $0x38;
	[tilespmem:$0x10000] =	vst v63  }
0xb5: {  	_ = 	snop  }
0xb6: {  	[hbm4b:s13+s2] =	stream.linear.scatter [tilespmem:s2], [sflag:$0x2], $0x8000, $0x38;
	[tilespmem:$0x10000] =	vst v63  }
0xb7: {  	_ =	swait.ge [sflag:s3], $0x8000  }
0xb8: {  	[sflag:s3] =	ssyncset.done $0x0  }
0xb9: {  	[sflag:s3] =	ssyncadd.s32 $0xFFFF8000  }
0xba: {  	_ =	swait.ge [sflag:s3], $0x8000  }
0xbb: {  	[sflag:s3] =	ssyncset.done $0x0  }
0xbc: {  	[sflag:s3] =	ssyncadd.s32 $0xFFFF8000  }
0xbd: {  	_ =	swait.ge [sflag:s3], $0x8000  }
0xbe: {  	[sflag:s3] =	ssyncset.done $0x0  }
0xbf: {  	[sflag:s3] =	ssyncadd.s32 $0xFFFF8000  }
0xc0: {  	_ =	swait.ge [sflag:s3], $0x8000  }
0xc1: {  	[sflag:s3] =	ssyncset.done $0x0  }
0xc2: {  	[sflag:s3] =	ssyncadd.s32 $0xFFFF8000  }
0xc3: {  	_ =	swait.ge [sflag:s9], $0x8000  }
0xc4: {  	[sflag:s9] =	ssyncset.done $0x0  }
0xc5: {  	[sflag:s9] =	ssyncadd.s32 $0xFFFF8000  }
0xc6: {  	[hbm4b:s4+s2] =	stream.linear.scatter [tilespmem:s8], [sflag:$0x2], $0x8000, $0x38;
	[tilespmem:$0x10000] =	vst v63  }
0xc7: {  	_ = 	snop  }
0xc8: {  	[hbm4b:s5+s2] =	stream.linear.scatter [tilespmem:s8], [sflag:$0x2], $0x8000, $0x38;
	[tilespmem:$0x10000] =	vst v63  }
0xc9: {  	_ = 	snop  }
0xca: {  	[hbm4b:s6+s2] =	stream.linear.scatter [tilespmem:s8], [sflag:$0x2], $0x8000, $0x38;
	[tilespmem:$0x10000] =	vst v63  }
0xcb: {  	_ = 	snop  }
0xcc: {  	[hbm4b:s7+s2] =	stream.linear.scatter [tilespmem:s8], [sflag:$0x2], $0x8000, $0x38;
	[tilespmem:$0x10000] =	vst v63  }
0xcd: {  	_ =	swait.ge [sflag:s3], $0x8000  }
0xce: {  	[sflag:s3] =	ssyncset.done $0x0  }
0xcf: {  	[sflag:s3] =	ssyncadd.s32 $0xFFFF8000  }
0xd0: {  	_ =	swait.ge [sflag:s3], $0x8000  }
0xd1: {  	[sflag:s3] =	ssyncset.done $0x0  }
0xd2: {  	[sflag:s3] =	ssyncadd.s32 $0xFFFF8000  }
0xd3: {  	_ =	swait.ge [sflag:s3], $0x8000  }
0xd4: {  	s1 =	rddreg [dreg:$0x13]  }
0xd5: {  	p1 =	sne.s32 s1, $0x1  }
.Ltmp1:
0xd6: {  	_ = 	snop;
	(pc) =	sbr.rel @!p1 .LBB2_2-.Ltmp1, $4  }
0xd7: {  	[sflag:s3] =	ssyncset.done $0x0  }
0xd8: {  	[sflag:s3] =	ssyncadd.s32 $0xFFFF8000  }
0xd9: {  	p0 =	por $0x1, $0x1;
	_ =	swait.ge [sflag:s3], $0x8000;
	[dreg:$0x12] =	wrdreg s31  }
0xda: {  	s0 =	sadd.s32 $0xFFFFFFFF, s1;
	s1 =	rddreg [dreg:$0x3];
	[sflag:s3] =	ssyncset.done $0x0  }
.LBB2_3:
0xdb: {  	[sflag:s3] =	ssyncadd.s32 $0xFFFF8000;
	s31 =	smov.u32 s30  }
0xdc: {  	s30 =	smov.u32 s29;
	s29 =	smov.u32 s28;
	s28 =	smov.u32 s26  }
0xdd: {  	s26 =	smov.u32 s25;
	s25 =	smov.u32 s24;
	s24 =	smov.u32 s23  }
0xde: {  	s23 =	smov.u32 s22;
	s22 =	smov.u32 s21;
	s21 =	smov.u32 s20  }
0xdf: {  	s20 =	smov.u32 s19;
	s19 =	smov.u32 s18;
	s18 =	smov.u32 s17  }
0xe0: {  	s17 =	smov.u32 s16;
	s16 =	smov.u32 s15;
	s15 =	smov.u32 s14  }
0xe1: {  	s14 =	smov.u32 s13;
	s13 =	smov.u32 s12;
	s12 =	smov.u32 s11  }
0xe2: {  	s11 =	smov.u32 s10;
	s10 =	smov.u32 s7;
	s7 =	smov.u32 s6  }
0xe3: {  	[tilespmem:s2], [sflag:$0x1] =	stream.linear.gather [hbm4b:s1+s2], $0x8000, $0x38;
	[tilespmem:$0x10000] =	vst v63  }
0xe4: {  	s6 =	smov.u32 s5;
	s5 =	smov.u32 s4;
	s4 =	rddreg [dreg:$0x4]  }
0xe5: {  	[tilespmem:s8], [sflag:$0x1] =	stream.linear.gather [hbm4b:s4+s2], $0x8000, $0x38;
	[tilespmem:$0x10000] =	vst v63  }
0xe6: {  	_ =	swait.ge [sflag:s9], $0x8000  }
0xe7: {  	[sflag:s9] =	ssyncset.done $0x0  }
0xe8: {  	s4 =	rddreg [dreg:$0x12];
	[sflag:s9] =	ssyncadd.s32 $0xFFFF8000  }
0xe9: {  	[hbm4b:s4+s2] =	stream.linear.scatter [tilespmem:s2], [sflag:$0x2], $0x8000, $0x38;
	[tilespmem:$0x10000] =	vst v63  }
0xea: {  	s1 =	rddreg [dreg:$0x5]  }
0xeb: {  	[hbm4b:s1+s2] =	stream.linear.scatter [tilespmem:s2], [sflag:$0x2], $0x8000, $0x38;
	[tilespmem:$0x10000] =	vst v63  }
0xec: {  	s4 =	rddreg [dreg:$0x6]  }
0xed: {  	[hbm4b:s4+s2] =	stream.linear.scatter [tilespmem:s2], [sflag:$0x2], $0x8000, $0x38;
	[tilespmem:$0x10000] =	vst v63  }
0xee: {  	s1 =	rddreg [dreg:$0x7]  }
0xef: {  	[hbm4b:s1+s2] =	stream.linear.scatter [tilespmem:s2], [sflag:$0x2], $0x8000, $0x38;
	[tilespmem:$0x10000] =	vst v63  }
0xf0: {  	_ =	swait.ge [sflag:s3], $0x8000  }
0xf1: {  	[sflag:s3] =	ssyncset.done $0x0  }
0xf2: {  	[sflag:s3] =	ssyncadd.s32 $0xFFFF8000  }
0xf3: {  	_ =	swait.ge [sflag:s3], $0x8000  }
0xf4: {  	[sflag:s3] =	ssyncset.done $0x0  }
0xf5: {  	[sflag:s3] =	ssyncadd.s32 $0xFFFF8000  }
0xf6: {  	_ =	swait.ge [sflag:s3], $0x8000  }
0xf7: {  	[sflag:s3] =	ssyncset.done $0x0  }
0xf8: {  	[sflag:s3] =	ssyncadd.s32 $0xFFFF8000  }
0xf9: {  	_ =	swait.ge [sflag:s3], $0x8000  }
0xfa: {  	[sflag:s3] =	ssyncset.done $0x0  }
0xfb: {  	s4 =	rddreg [dreg:$0x8];
	[sflag:s3] =	ssyncadd.s32 $0xFFFF8000  }
0xfc: {  	[tilespmem:s2], [sflag:$0x1] =	stream.linear.gather [hbm4b:s4+s2], $0x8000, $0x38;
	[tilespmem:$0x10000] =	vst v63  }
0xfd: {  	_ =	swait.ge [sflag:s9], $0x8000  }
0xfe: {  	[sflag:s9] =	ssyncset.done $0x0  }
0xff: {  	s1 =	rddreg [dreg:$0x9];
	[sflag:s9] =	ssyncadd.s32 $0xFFFF8000  }
0x100: {  	[hbm4b:s1+s2] =	stream.linear.scatter [tilespmem:s8], [sflag:$0x2], $0x8000, $0x38;
	[tilespmem:$0x10000] =	vst v63  }
0x101: {  	s4 =	rddreg [dreg:$0xa]  }
0x102: {  	[hbm4b:s4+s2] =	stream.linear.scatter [tilespmem:s8], [sflag:$0x2], $0x8000, $0x38;
	[tilespmem:$0x10000] =	vst v63  }
0x103: {  	s1 =	rddreg [dreg:$0xb]  }
0x104: {  	[hbm4b:s1+s2] =	stream.linear.scatter [tilespmem:s8], [sflag:$0x2], $0x8000, $0x38;
	[tilespmem:$0x10000] =	vst v63  }
0x105: {  	s4 =	rddreg [dreg:$0xc]  }
0x106: {  	[hbm4b:s4+s2] =	stream.linear.scatter [tilespmem:s8], [sflag:$0x2], $0x8000, $0x38;
	[tilespmem:$0x10000] =	vst v63  }
0x107: {  	_ =	swait.ge [sflag:s3], $0x8000  }
0x108: {  	[sflag:s3] =	ssyncset.done $0x0  }
0x109: {  	[sflag:s3] =	ssyncadd.s32 $0xFFFF8000  }
0x10a: {  	_ =	swait.ge [sflag:s3], $0x8000  }
0x10b: {  	[sflag:s3] =	ssyncset.done $0x0  }
0x10c: {  	[sflag:s3] =	ssyncadd.s32 $0xFFFF8000  }
0x10d: {  	_ =	swait.ge [sflag:s3], $0x8000  }
0x10e: {  	[sflag:s3] =	ssyncset.done $0x0  }
0x10f: {  	[sflag:s3] =	ssyncadd.s32 $0xFFFF8000  }
0x110: {  	_ =	swait.ge [sflag:s3], $0x8000  }
0x111: {  	[sflag:s3] =	ssyncset.done $0x0  }
0x112: {  	s4 =	rddreg [dreg:$0xd];
	[sflag:s3] =	ssyncadd.s32 $0xFFFF8000  }
0x113: {  	[tilespmem:s8], [sflag:$0x1] =	stream.linear.gather [hbm4b:s4+s2], $0x8000, $0x38;
	[tilespmem:$0x10000] =	vst v63  }
0x114: {  	_ =	swait.ge [sflag:s9], $0x8000  }
0x115: {  	[sflag:s9] =	ssyncset.done $0x0  }
0x116: {  	s1 =	rddreg [dreg:$0xe];
	[sflag:s9] =	ssyncadd.s32 $0xFFFF8000  }
0x117: {  	[hbm4b:s1+s2] =	stream.linear.scatter [tilespmem:s2], [sflag:$0x2], $0x8000, $0x38;
	[tilespmem:$0x10000] =	vst v63  }
0x118: {  	s4 =	rddreg [dreg:$0xf]  }
0x119: {  	[hbm4b:s4+s2] =	stream.linear.scatter [tilespmem:s2], [sflag:$0x2], $0x8000, $0x38;
	[tilespmem:$0x10000] =	vst v63  }
0x11a: {  	s1 =	rddreg [dreg:$0x10]  }
0x11b: {  	[hbm4b:s1+s2] =	stream.linear.scatter [tilespmem:s2], [sflag:$0x2], $0x8000, $0x38;
	[tilespmem:$0x10000] =	vst v63  }
0x11c: {  	s4 =	rddreg [dreg:$0x11]  }
0x11d: {  	[hbm4b:s4+s2] =	stream.linear.scatter [tilespmem:s2], [sflag:$0x2], $0x8000, $0x38;
	[tilespmem:$0x10000] =	vst v63  }
0x11e: {  	_ =	swait.ge [sflag:s3], $0x8000  }
0x11f: {  	[sflag:s3] =	ssyncset.done $0x0  }
0x120: {  	[sflag:s3] =	ssyncadd.s32 $0xFFFF8000  }
0x121: {  	_ =	swait.ge [sflag:s3], $0x8000  }
0x122: {  	[sflag:s3] =	ssyncset.done $0x0  }
0x123: {  	s4 =	smov.u32 s5;
	s5 =	smov.u32 s6;
	[sflag:s3] =	ssyncadd.s32 $0xFFFF8000  }
0x124: {  	s6 =	smov.u32 s7;
	s7 =	smov.u32 s10;
	_ =	swait.ge [sflag:s3], $0x8000  }
0x125: {  	s10 =	smov.u32 s11;
	s11 =	smov.u32 s12;
	[sflag:s3] =	ssyncset.done $0x0  }
0x126: {  	s12 =	smov.u32 s13;
	s13 =	smov.u32 s14;
	[sflag:s3] =	ssyncadd.s32 $0xFFFF8000  }
0x127: {  	s14 =	smov.u32 s15;
	s15 =	smov.u32 s16;
	_ =	swait.ge [sflag:s3], $0x8000  }
0x128: {  	s16 =	smov.u32 s17;
	s17 =	smov.u32 s18;
	[sflag:s3] =	ssyncset.done $0x0  }
0x129: {  	s18 =	smov.u32 s19;
	s19 =	smov.u32 s20;
	[sflag:s3] =	ssyncadd.s32 $0xFFFF8000  }
0x12a: {  	[tilespmem:s2], [sflag:$0x1] =	stream.linear.gather [hbm4b:s31+s2], $0x8000, $0x38;
	[tilespmem:$0x10000] =	vst v63  }
0x12b: {  	s20 =	smov.u32 s21;
	s21 =	smov.u32 s22;
	_ =	swait.ge [sflag:s9], $0x8000  }
0x12c: {  	s22 =	smov.u32 s23;
	s23 =	smov.u32 s24;
	[sflag:s9] =	ssyncset.done $0x0  }
0x12d: {  	s24 =	smov.u32 s25;
	s25 =	smov.u32 s26;
	[sflag:s9] =	ssyncadd.s32 $0xFFFF8000  }
0x12e: {  	[hbm4b:s25+s2] =	stream.linear.scatter [tilespmem:s8], [sflag:$0x2], $0x8000, $0x38;
	[tilespmem:$0x10000] =	vst v63  }
0x12f: {  	s26 =	smov.u32 s28  }
0x130: {  	[hbm4b:s26+s2] =	stream.linear.scatter [tilespmem:s8], [sflag:$0x2], $0x8000, $0x38;
	[tilespmem:$0x10000] =	vst v63  }
0x131: {  	s28 =	smov.u32 s29  }
0x132: {  	[hbm4b:s28+s2] =	stream.linear.scatter [tilespmem:s8], [sflag:$0x2], $0x8000, $0x38;
	[tilespmem:$0x10000] =	vst v63  }
0x133: {  	s29 =	smov.u32 s30  }
0x134: {  	[hbm4b:s29+s2] =	stream.linear.scatter [tilespmem:s8], [sflag:$0x2], $0x8000, $0x38;
	[tilespmem:$0x10000] =	vst v63  }
0x135: {  	_ =	swait.ge [sflag:s3], $0x8000  }
0x136: {  	[sflag:s3] =	ssyncset.done $0x0  }
0x137: {  	[sflag:s3] =	ssyncadd.s32 $0xFFFF8000  }
0x138: {  	_ =	swait.ge [sflag:s3], $0x8000  }
0x139: {  	[sflag:s3] =	ssyncset.done $0x0  }
0x13a: {  	[sflag:s3] =	ssyncadd.s32 $0xFFFF8000  }
0x13b: {  	_ =	swait.ge [sflag:s3], $0x8000  }
0x13c: {  	[sflag:s3] =	ssyncset.done $0x0  }
0x13d: {  	[sflag:s3] =	ssyncadd.s32 $0xFFFF8000  }
0x13e: {  	_ =	swait.ge [sflag:s3], $0x8000  }
0x13f: {  	[sflag:s3] =	ssyncset.done $0x0  }
0x140: {  	[sflag:s3] =	ssyncadd.s32 $0xFFFF8000  }
0x141: {  	[tilespmem:s8], [sflag:$0x1] =	stream.linear.gather [hbm4b:s24+s2], $0x8000, $0x38;
	[tilespmem:$0x10000] =	vst v63  }
0x142: {  	_ =	swait.ge [sflag:s9], $0x8000  }
0x143: {  	[sflag:s9] =	ssyncset.done $0x0  }
0x144: {  	[sflag:s9] =	ssyncadd.s32 $0xFFFF8000  }
0x145: {  	[hbm4b:s20+s2] =	stream.linear.scatter [tilespmem:s2], [sflag:$0x2], $0x8000, $0x38;
	[tilespmem:$0x10000] =	vst v63  }
0x146: {  	_ = 	snop  }
0x147: {  	[hbm4b:s21+s2] =	stream.linear.scatter [tilespmem:s2], [sflag:$0x2], $0x8000, $0x38;
	[tilespmem:$0x10000] =	vst v63  }
0x148: {  	_ = 	snop  }
0x149: {  	[hbm4b:s22+s2] =	stream.linear.scatter [tilespmem:s2], [sflag:$0x2], $0x8000, $0x38;
	[tilespmem:$0x10000] =	vst v63  }
0x14a: {  	_ = 	snop  }
0x14b: {  	[hbm4b:s23+s2] =	stream.linear.scatter [tilespmem:s2], [sflag:$0x2], $0x8000, $0x38;
	[tilespmem:$0x10000] =	vst v63  }
0x14c: {  	_ =	swait.ge [sflag:s3], $0x8000  }
0x14d: {  	[sflag:s3] =	ssyncset.done $0x0  }
0x14e: {  	[sflag:s3] =	ssyncadd.s32 $0xFFFF8000  }
0x14f: {  	_ =	swait.ge [sflag:s3], $0x8000  }
0x150: {  	[sflag:s3] =	ssyncset.done $0x0  }
0x151: {  	[sflag:s3] =	ssyncadd.s32 $0xFFFF8000  }
0x152: {  	_ =	swait.ge [sflag:s3], $0x8000  }
0x153: {  	[sflag:s3] =	ssyncset.done $0x0  }
0x154: {  	[sflag:s3] =	ssyncadd.s32 $0xFFFF8000  }
0x155: {  	_ =	swait.ge [sflag:s3], $0x8000  }
0x156: {  	[sflag:s3] =	ssyncset.done $0x0  }
0x157: {  	[sflag:s3] =	ssyncadd.s32 $0xFFFF8000  }
0x158: {  	[tilespmem:s2], [sflag:$0x1] =	stream.linear.gather [hbm4b:s19+s2], $0x8000, $0x38;
	[tilespmem:$0x10000] =	vst v63  }
0x159: {  	_ =	swait.ge [sflag:s9], $0x8000  }
0x15a: {  	[sflag:s9] =	ssyncset.done $0x0  }
0x15b: {  	[sflag:s9] =	ssyncadd.s32 $0xFFFF8000  }
0x15c: {  	[hbm4b:s15+s2] =	stream.linear.scatter [tilespmem:s8], [sflag:$0x2], $0x8000, $0x38;
	[tilespmem:$0x10000] =	vst v63  }
0x15d: {  	_ = 	snop  }
0x15e: {  	[hbm4b:s16+s2] =	stream.linear.scatter [tilespmem:s8], [sflag:$0x2], $0x8000, $0x38;
	[tilespmem:$0x10000] =	vst v63  }
0x15f: {  	_ = 	snop  }
0x160: {  	[hbm4b:s17+s2] =	stream.linear.scatter [tilespmem:s8], [sflag:$0x2], $0x8000, $0x38;
	[tilespmem:$0x10000] =	vst v63  }
0x161: {  	_ = 	snop  }
0x162: {  	[hbm4b:s18+s2] =	stream.linear.scatter [tilespmem:s8], [sflag:$0x2], $0x8000, $0x38;
	[tilespmem:$0x10000] =	vst v63  }
0x163: {  	_ =	swait.ge [sflag:s3], $0x8000  }
0x164: {  	[sflag:s3] =	ssyncset.done $0x0  }
0x165: {  	[sflag:s3] =	ssyncadd.s32 $0xFFFF8000  }
0x166: {  	_ =	swait.ge [sflag:s3], $0x8000  }
0x167: {  	[sflag:s3] =	ssyncset.done $0x0  }
0x168: {  	[sflag:s3] =	ssyncadd.s32 $0xFFFF8000  }
0x169: {  	_ =	swait.ge [sflag:s3], $0x8000  }
0x16a: {  	[sflag:s3] =	ssyncset.done $0x0  }
0x16b: {  	[sflag:s3] =	ssyncadd.s32 $0xFFFF8000  }
0x16c: {  	_ =	swait.ge [sflag:s3], $0x8000  }
0x16d: {  	[sflag:s3] =	ssyncset.done $0x0  }
0x16e: {  	[sflag:s3] =	ssyncadd.s32 $0xFFFF8000  }
0x16f: {  	[tilespmem:s8], [sflag:$0x1] =	stream.linear.gather [hbm4b:s14+s2], $0x8000, $0x38;
	[tilespmem:$0x10000] =	vst v63  }
0x170: {  	_ =	swait.ge [sflag:s9], $0x8000  }
0x171: {  	[sflag:s9] =	ssyncset.done $0x0  }
0x172: {  	[sflag:s9] =	ssyncadd.s32 $0xFFFF8000  }
0x173: {  	[hbm4b:s10+s2] =	stream.linear.scatter [tilespmem:s2], [sflag:$0x2], $0x8000, $0x38;
	[tilespmem:$0x10000] =	vst v63  }
0x174: {  	_ = 	snop  }
0x175: {  	[hbm4b:s11+s2] =	stream.linear.scatter [tilespmem:s2], [sflag:$0x2], $0x8000, $0x38;
	[tilespmem:$0x10000] =	vst v63  }
0x176: {  	_ = 	snop  }
0x177: {  	[hbm4b:s12+s2] =	stream.linear.scatter [tilespmem:s2], [sflag:$0x2], $0x8000, $0x38;
	[tilespmem:$0x10000] =	vst v63  }
0x178: {  	_ = 	snop  }
0x179: {  	[hbm4b:s13+s2] =	stream.linear.scatter [tilespmem:s2], [sflag:$0x2], $0x8000, $0x38;
	[tilespmem:$0x10000] =	vst v63  }
0x17a: {  	_ =	swait.ge [sflag:s3], $0x8000  }
0x17b: {  	[sflag:s3] =	ssyncset.done $0x0  }
0x17c: {  	[sflag:s3] =	ssyncadd.s32 $0xFFFF8000  }
0x17d: {  	_ =	swait.ge [sflag:s3], $0x8000  }
0x17e: {  	[sflag:s3] =	ssyncset.done $0x0  }
0x17f: {  	[sflag:s3] =	ssyncadd.s32 $0xFFFF8000  }
0x180: {  	_ =	swait.ge [sflag:s3], $0x8000  }
0x181: {  	[sflag:s3] =	ssyncset.done $0x0  }
0x182: {  	[sflag:s3] =	ssyncadd.s32 $0xFFFF8000  }
0x183: {  	_ =	swait.ge [sflag:s3], $0x8000  }
0x184: {  	[sflag:s3] =	ssyncset.done $0x0  }
0x185: {  	[sflag:s3] =	ssyncadd.s32 $0xFFFF8000  }
0x186: {  	_ =	swait.ge [sflag:s9], $0x8000  }
0x187: {  	[sflag:s9] =	ssyncset.done $0x0  }
0x188: {  	[sflag:s9] =	ssyncadd.s32 $0xFFFF8000  }
0x189: {  	[hbm4b:s4+s2] =	stream.linear.scatter [tilespmem:s8], [sflag:$0x2], $0x8000, $0x38;
	[tilespmem:$0x10000] =	vst v63  }
0x18a: {  	_ = 	snop  }
0x18b: {  	[hbm4b:s5+s2] =	stream.linear.scatter [tilespmem:s8], [sflag:$0x2], $0x8000, $0x38;
	[tilespmem:$0x10000] =	vst v63  }
0x18c: {  	_ = 	snop  }
0x18d: {  	[hbm4b:s6+s2] =	stream.linear.scatter [tilespmem:s8], [sflag:$0x2], $0x8000, $0x38;
	[tilespmem:$0x10000] =	vst v63  }
0x18e: {  	_ = 	snop  }
0x18f: {  	[hbm4b:s7+s2] =	stream.linear.scatter [tilespmem:s8], [sflag:$0x2], $0x8000, $0x38;
	[tilespmem:$0x10000] =	vst v63  }
0x190: {  	_ =	swait.ge [sflag:s3], $0x8000  }
0x191: {  	[sflag:s3] =	ssyncset.done $0x0  }
0x192: {  	[sflag:s3] =	ssyncadd.s32 $0xFFFF8000  }
0x193: {  	_ =	swait.ge [sflag:s3], $0x8000  }
0x194: {  	[sflag:s3] =	ssyncset.done $0x0  }
0x195: {  	p1 =	sne.s32 s0, $0x1;
	[sflag:s3] =	ssyncadd.s32 $0xFFFF8000  }
.Ltmp2:
0x196: {  	_ =	swait.ge [sflag:s3], $0x8000;
	(pc) =	sbr.rel @p1 .LBB2_3-.Ltmp2, $4  }
0x197: {  	[sflag:s3] =	ssyncset.done $0x0  }
0x198: {  	[sflag:s3] =	ssyncadd.s32 $0xFFFF8000  }
0x199: {  	s0 =	sadd.s32 $0xFFFFFFFF, s0;
	_ =	swait.ge [sflag:s3], $0x8000  }
0x19a: {  	s30 =	smov.u32 s31;
	s1 =	rddreg [dreg:$0x3];
	[sflag:s3] =	ssyncset.done $0x0  }
0x19b: {  	s31 =	rddreg [dreg:$0x12]  }
.LBB2_5:
0x19c: {  	[sflag:s3] =	ssyncadd.s32 @p0 $0xFFFF8000  }
0x19d: {  	[tilespmem:s2], [sflag:$0x1] =	stream.linear.gather [hbm4b:s1+s2], $0x8000, $0x38;
	[tilespmem:$0x10000] =	vst v63  }
0x19e: {  	s0 =	rddreg [dreg:$0x4]  }
0x19f: {  	[tilespmem:s8], [sflag:$0x1] =	stream.linear.gather [hbm4b:s0+s2], $0x8000, $0x38;
	[tilespmem:$0x10000] =	vst v63  }
0x1a0: {  	_ =	swait.ge [sflag:s9], $0x8000  }
0x1a1: {  	[sflag:s9] =	ssyncset.done $0x0  }
0x1a2: {  	[sflag:s9] =	ssyncadd.s32 $0xFFFF8000  }
0x1a3: {  	[hbm4b:s31+s2] =	stream.linear.scatter [tilespmem:s2], [sflag:$0x2], $0x8000, $0x38;
	[tilespmem:$0x10000] =	vst v63  }
0x1a4: {  	s0 =	rddreg [dreg:$0x5]  }
0x1a5: {  	[hbm4b:s0+s2] =	stream.linear.scatter [tilespmem:s2], [sflag:$0x2], $0x8000, $0x38;
	[tilespmem:$0x10000] =	vst v63  }
0x1a6: {  	s1 =	rddreg [dreg:$0x6]  }
0x1a7: {  	[hbm4b:s1+s2] =	stream.linear.scatter [tilespmem:s2], [sflag:$0x2], $0x8000, $0x38;
	[tilespmem:$0x10000] =	vst v63  }
0x1a8: {  	s31 =	rddreg [dreg:$0x7]  }
0x1a9: {  	[hbm4b:s31+s2] =	stream.linear.scatter [tilespmem:s2], [sflag:$0x2], $0x8000, $0x38;
	[tilespmem:$0x10000] =	vst v63  }
0x1aa: {  	_ =	swait.ge [sflag:s3], $0x8000  }
0x1ab: {  	[sflag:s3] =	ssyncset.done $0x0  }
0x1ac: {  	[sflag:s3] =	ssyncadd.s32 $0xFFFF8000  }
0x1ad: {  	_ =	swait.ge [sflag:s3], $0x8000  }
0x1ae: {  	[sflag:s3] =	ssyncset.done $0x0  }
0x1af: {  	[sflag:s3] =	ssyncadd.s32 $0xFFFF8000  }
0x1b0: {  	_ =	swait.ge [sflag:s3], $0x8000  }
0x1b1: {  	[sflag:s3] =	ssyncset.done $0x0  }
0x1b2: {  	[sflag:s3] =	ssyncadd.s32 $0xFFFF8000  }
0x1b3: {  	_ =	swait.ge [sflag:s3], $0x8000  }
0x1b4: {  	[sflag:s3] =	ssyncset.done $0x0  }
0x1b5: {  	s31 =	rddreg [dreg:$0x8];
	[sflag:s3] =	ssyncadd.s32 $0xFFFF8000  }
0x1b6: {  	[tilespmem:s2], [sflag:$0x1] =	stream.linear.gather [hbm4b:s31+s2], $0x8000, $0x38;
	[tilespmem:$0x10000] =	vst v63  }
0x1b7: {  	_ =	swait.ge [sflag:s9], $0x8000  }
0x1b8: {  	[sflag:s9] =	ssyncset.done $0x0  }
0x1b9: {  	s1 =	rddreg [dreg:$0x9];
	[sflag:s9] =	ssyncadd.s32 $0xFFFF8000  }
0x1ba: {  	[hbm4b:s1+s2] =	stream.linear.scatter [tilespmem:s8], [sflag:$0x2], $0x8000, $0x38;
	[tilespmem:$0x10000] =	vst v63  }
0x1bb: {  	s31 =	rddreg [dreg:$0xa]  }
0x1bc: {  	[hbm4b:s31+s2] =	stream.linear.scatter [tilespmem:s8], [sflag:$0x2], $0x8000, $0x38;
	[tilespmem:$0x10000] =	vst v63  }
0x1bd: {  	s0 =	rddreg [dreg:$0xb]  }
0x1be: {  	[hbm4b:s0+s2] =	stream.linear.scatter [tilespmem:s8], [sflag:$0x2], $0x8000, $0x38;
	[tilespmem:$0x10000] =	vst v63  }
0x1bf: {  	s31 =	rddreg [dreg:$0xc]  }
0x1c0: {  	[hbm4b:s31+s2] =	stream.linear.scatter [tilespmem:s8], [sflag:$0x2], $0x8000, $0x38;
	[tilespmem:$0x10000] =	vst v63  }
0x1c1: {  	_ =	swait.ge [sflag:s3], $0x8000  }
0x1c2: {  	[sflag:s3] =	ssyncset.done $0x0  }
0x1c3: {  	[sflag:s3] =	ssyncadd.s32 $0xFFFF8000  }
0x1c4: {  	_ =	swait.ge [sflag:s3], $0x8000  }
0x1c5: {  	[sflag:s3] =	ssyncset.done $0x0  }
0x1c6: {  	[sflag:s3] =	ssyncadd.s32 $0xFFFF8000  }
0x1c7: {  	_ =	swait.ge [sflag:s3], $0x8000  }
0x1c8: {  	[sflag:s3] =	ssyncset.done $0x0  }
0x1c9: {  	[sflag:s3] =	ssyncadd.s32 $0xFFFF8000  }
0x1ca: {  	_ =	swait.ge [sflag:s3], $0x8000  }
0x1cb: {  	[sflag:s3] =	ssyncset.done $0x0  }
0x1cc: {  	s31 =	rddreg [dreg:$0xd];
	[sflag:s3] =	ssyncadd.s32 $0xFFFF8000  }
0x1cd: {  	[tilespmem:s8], [sflag:$0x1] =	stream.linear.gather [hbm4b:s31+s2], $0x8000, $0x38;
	[tilespmem:$0x10000] =	vst v63  }
0x1ce: {  	_ =	swait.ge [sflag:s9], $0x8000  }
0x1cf: {  	[sflag:s9] =	ssyncset.done $0x0  }
0x1d0: {  	s1 =	rddreg [dreg:$0xe];
	[sflag:s9] =	ssyncadd.s32 $0xFFFF8000  }
0x1d1: {  	[hbm4b:s1+s2] =	stream.linear.scatter [tilespmem:s2], [sflag:$0x2], $0x8000, $0x38;
	[tilespmem:$0x10000] =	vst v63  }
0x1d2: {  	s31 =	rddreg [dreg:$0xf]  }
0x1d3: {  	[hbm4b:s31+s2] =	stream.linear.scatter [tilespmem:s2], [sflag:$0x2], $0x8000, $0x38;
	[tilespmem:$0x10000] =	vst v63  }
0x1d4: {  	s0 =	rddreg [dreg:$0x10]  }
0x1d5: {  	[hbm4b:s0+s2] =	stream.linear.scatter [tilespmem:s2], [sflag:$0x2], $0x8000, $0x38;
	[tilespmem:$0x10000] =	vst v63  }
0x1d6: {  	s31 =	rddreg [dreg:$0x11]  }
0x1d7: {  	[hbm4b:s31+s2] =	stream.linear.scatter [tilespmem:s2], [sflag:$0x2], $0x8000, $0x38;
	[tilespmem:$0x10000] =	vst v63  }
0x1d8: {  	_ =	swait.ge [sflag:s3], $0x8000  }
0x1d9: {  	[sflag:s3] =	ssyncset.done $0x0  }
0x1da: {  	[sflag:s3] =	ssyncadd.s32 $0xFFFF8000  }
0x1db: {  	_ =	swait.ge [sflag:s3], $0x8000  }
0x1dc: {  	[sflag:s3] =	ssyncset.done $0x0  }
0x1dd: {  	[sflag:s3] =	ssyncadd.s32 $0xFFFF8000  }
0x1de: {  	_ =	swait.ge [sflag:s3], $0x8000  }
0x1df: {  	[sflag:s3] =	ssyncset.done $0x0  }
0x1e0: {  	[sflag:s3] =	ssyncadd.s32 $0xFFFF8000  }
0x1e1: {  	_ =	swait.ge [sflag:s3], $0x8000  }
0x1e2: {  	[sflag:s3] =	ssyncset.done $0x0  }
0x1e3: {  	[sflag:s3] =	ssyncadd.s32 $0xFFFF8000  }
0x1e4: {  	[tilespmem:s2], [sflag:$0x1] =	stream.linear.gather [hbm4b:s30+s2], $0x8000, $0x38;
	[tilespmem:$0x10000] =	vst v63  }
0x1e5: {  	_ =	swait.ge [sflag:s9], $0x8000  }
0x1e6: {  	[sflag:s9] =	ssyncset.done $0x0  }
0x1e7: {  	[sflag:s9] =	ssyncadd.s32 $0xFFFF8000  }
0x1e8: {  	[hbm4b:s25+s2] =	stream.linear.scatter [tilespmem:s8], [sflag:$0x2], $0x8000, $0x38;
	[tilespmem:$0x10000] =	vst v63  }
0x1e9: {  	_ = 	snop  }
0x1ea: {  	[hbm4b:s26+s2] =	stream.linear.scatter [tilespmem:s8], [sflag:$0x2], $0x8000, $0x38;
	[tilespmem:$0x10000] =	vst v63  }
0x1eb: {  	_ = 	snop  }
0x1ec: {  	[hbm4b:s28+s2] =	stream.linear.scatter [tilespmem:s8], [sflag:$0x2], $0x8000, $0x38;
	[tilespmem:$0x10000] =	vst v63  }
0x1ed: {  	_ = 	snop  }
0x1ee: {  	[hbm4b:s29+s2] =	stream.linear.scatter [tilespmem:s8], [sflag:$0x2], $0x8000, $0x38;
	[tilespmem:$0x10000] =	vst v63  }
0x1ef: {  	_ =	swait.ge [sflag:s3], $0x8000  }
0x1f0: {  	[sflag:s3] =	ssyncset.done $0x0  }
0x1f1: {  	[sflag:s3] =	ssyncadd.s32 $0xFFFF8000  }
0x1f2: {  	_ =	swait.ge [sflag:s3], $0x8000  }
0x1f3: {  	[sflag:s3] =	ssyncset.done $0x0  }
0x1f4: {  	[sflag:s3] =	ssyncadd.s32 $0xFFFF8000  }
0x1f5: {  	_ =	swait.ge [sflag:s3], $0x8000  }
0x1f6: {  	[sflag:s3] =	ssyncset.done $0x0  }
0x1f7: {  	[sflag:s3] =	ssyncadd.s32 $0xFFFF8000  }
0x1f8: {  	_ =	swait.ge [sflag:s3], $0x8000  }
0x1f9: {  	[sflag:s3] =	ssyncset.done $0x0  }
0x1fa: {  	[sflag:s3] =	ssyncadd.s32 $0xFFFF8000  }
0x1fb: {  	[tilespmem:s8], [sflag:$0x1] =	stream.linear.gather [hbm4b:s24+s2], $0x8000, $0x38;
	[tilespmem:$0x10000] =	vst v63  }
0x1fc: {  	_ =	swait.ge [sflag:s9], $0x8000  }
0x1fd: {  	[sflag:s9] =	ssyncset.done $0x0  }
0x1fe: {  	[sflag:s9] =	ssyncadd.s32 $0xFFFF8000  }
0x1ff: {  	[hbm4b:s20+s2] =	stream.linear.scatter [tilespmem:s2], [sflag:$0x2], $0x8000, $0x38;
	[tilespmem:$0x10000] =	vst v63  }
0x200: {  	_ = 	snop  }
0x201: {  	[hbm4b:s21+s2] =	stream.linear.scatter [tilespmem:s2], [sflag:$0x2], $0x8000, $0x38;
	[tilespmem:$0x10000] =	vst v63  }
0x202: {  	_ = 	snop  }
0x203: {  	[hbm4b:s22+s2] =	stream.linear.scatter [tilespmem:s2], [sflag:$0x2], $0x8000, $0x38;
	[tilespmem:$0x10000] =	vst v63  }
0x204: {  	_ = 	snop  }
0x205: {  	[hbm4b:s23+s2] =	stream.linear.scatter [tilespmem:s2], [sflag:$0x2], $0x8000, $0x38;
	[tilespmem:$0x10000] =	vst v63  }
0x206: {  	_ =	swait.ge [sflag:s3], $0x8000  }
0x207: {  	[sflag:s3] =	ssyncset.done $0x0  }
0x208: {  	[sflag:s3] =	ssyncadd.s32 $0xFFFF8000  }
0x209: {  	_ =	swait.ge [sflag:s3], $0x8000  }
0x20a: {  	[sflag:s3] =	ssyncset.done $0x0  }
0x20b: {  	[sflag:s3] =	ssyncadd.s32 $0xFFFF8000  }
0x20c: {  	_ =	swait.ge [sflag:s3], $0x8000  }
0x20d: {  	[sflag:s3] =	ssyncset.done $0x0  }
0x20e: {  	[sflag:s3] =	ssyncadd.s32 $0xFFFF8000  }
0x20f: {  	_ =	swait.ge [sflag:s3], $0x8000  }
0x210: {  	[sflag:s3] =	ssyncset.done $0x0  }
0x211: {  	[sflag:s3] =	ssyncadd.s32 $0xFFFF8000  }
0x212: {  	[tilespmem:s2], [sflag:$0x1] =	stream.linear.gather [hbm4b:s19+s2], $0x8000, $0x38;
	[tilespmem:$0x10000] =	vst v63  }
0x213: {  	_ =	swait.ge [sflag:s9], $0x8000  }
0x214: {  	[sflag:s9] =	ssyncset.done $0x0  }
0x215: {  	[sflag:s9] =	ssyncadd.s32 $0xFFFF8000  }
0x216: {  	[hbm4b:s15+s2] =	stream.linear.scatter [tilespmem:s8], [sflag:$0x2], $0x8000, $0x38;
	[tilespmem:$0x10000] =	vst v63  }
0x217: {  	_ = 	snop  }
0x218: {  	[hbm4b:s16+s2] =	stream.linear.scatter [tilespmem:s8], [sflag:$0x2], $0x8000, $0x38;
	[tilespmem:$0x10000] =	vst v63  }
0x219: {  	_ = 	snop  }
0x21a: {  	[hbm4b:s17+s2] =	stream.linear.scatter [tilespmem:s8], [sflag:$0x2], $0x8000, $0x38;
	[tilespmem:$0x10000] =	vst v63  }
0x21b: {  	_ = 	snop  }
0x21c: {  	[hbm4b:s18+s2] =	stream.linear.scatter [tilespmem:s8], [sflag:$0x2], $0x8000, $0x38;
	[tilespmem:$0x10000] =	vst v63  }
0x21d: {  	_ =	swait.ge [sflag:s3], $0x8000  }
0x21e: {  	[sflag:s3] =	ssyncset.done $0x0  }
0x21f: {  	[sflag:s3] =	ssyncadd.s32 $0xFFFF8000  }
0x220: {  	_ =	swait.ge [sflag:s3], $0x8000  }
0x221: {  	[sflag:s3] =	ssyncset.done $0x0  }
0x222: {  	[sflag:s3] =	ssyncadd.s32 $0xFFFF8000  }
0x223: {  	_ =	swait.ge [sflag:s3], $0x8000  }
0x224: {  	[sflag:s3] =	ssyncset.done $0x0  }
0x225: {  	[sflag:s3] =	ssyncadd.s32 $0xFFFF8000  }
0x226: {  	_ =	swait.ge [sflag:s3], $0x8000  }
0x227: {  	[sflag:s3] =	ssyncset.done $0x0  }
0x228: {  	[sflag:s3] =	ssyncadd.s32 $0xFFFF8000  }
0x229: {  	[tilespmem:s8], [sflag:$0x1] =	stream.linear.gather [hbm4b:s14+s2], $0x8000, $0x38;
	[tilespmem:$0x10000] =	vst v63  }
0x22a: {  	_ =	swait.ge [sflag:s9], $0x8000  }
0x22b: {  	[sflag:s9] =	ssyncset.done $0x0  }
0x22c: {  	[sflag:s9] =	ssyncadd.s32 $0xFFFF8000  }
0x22d: {  	[hbm4b:s10+s2] =	stream.linear.scatter [tilespmem:s2], [sflag:$0x2], $0x8000, $0x38;
	[tilespmem:$0x10000] =	vst v63  }
0x22e: {  	_ = 	snop  }
0x22f: {  	[hbm4b:s11+s2] =	stream.linear.scatter [tilespmem:s2], [sflag:$0x2], $0x8000, $0x38;
	[tilespmem:$0x10000] =	vst v63  }
0x230: {  	_ = 	snop  }
0x231: {  	[hbm4b:s12+s2] =	stream.linear.scatter [tilespmem:s2], [sflag:$0x2], $0x8000, $0x38;
	[tilespmem:$0x10000] =	vst v63  }
0x232: {  	_ = 	snop  }
0x233: {  	[hbm4b:s13+s2] =	stream.linear.scatter [tilespmem:s2], [sflag:$0x2], $0x8000, $0x38;
	[tilespmem:$0x10000] =	vst v63  }
0x234: {  	_ =	swait.ge [sflag:s3], $0x8000  }
0x235: {  	[sflag:s3] =	ssyncset.done $0x0  }
0x236: {  	[sflag:s3] =	ssyncadd.s32 $0xFFFF8000  }
0x237: {  	_ =	swait.ge [sflag:s3], $0x8000  }
0x238: {  	[sflag:s3] =	ssyncset.done $0x0  }
0x239: {  	[sflag:s3] =	ssyncadd.s32 $0xFFFF8000  }
0x23a: {  	_ =	swait.ge [sflag:s3], $0x8000  }
0x23b: {  	[sflag:s3] =	ssyncset.done $0x0  }
0x23c: {  	[sflag:s3] =	ssyncadd.s32 $0xFFFF8000  }
0x23d: {  	_ =	swait.ge [sflag:s3], $0x8000  }
0x23e: {  	[sflag:s3] =	ssyncset.done $0x0  }
0x23f: {  	[sflag:s3] =	ssyncadd.s32 $0xFFFF8000  }
0x240: {  	_ =	swait.ge [sflag:s9], $0x8000  }
0x241: {  	[sflag:s9] =	ssyncset.done $0x0  }
0x242: {  	[sflag:s9] =	ssyncadd.s32 $0xFFFF8000  }
0x243: {  	[hbm4b:s4+s2] =	stream.linear.scatter [tilespmem:s8], [sflag:$0x2], $0x8000, $0x38;
	[tilespmem:$0x10000] =	vst v63  }
0x244: {  	_ = 	snop  }
0x245: {  	[hbm4b:s5+s2] =	stream.linear.scatter [tilespmem:s8], [sflag:$0x2], $0x8000, $0x38;
	[tilespmem:$0x10000] =	vst v63  }
0x246: {  	_ = 	snop  }
0x247: {  	[hbm4b:s6+s2] =	stream.linear.scatter [tilespmem:s8], [sflag:$0x2], $0x8000, $0x38;
	[tilespmem:$0x10000] =	vst v63  }
0x248: {  	_ = 	snop  }
0x249: {  	[hbm4b:s7+s2] =	stream.linear.scatter [tilespmem:s8], [sflag:$0x2], $0x8000, $0x38;
	[tilespmem:$0x10000] =	vst v63  }
0x24a: {  	_ =	swait.ge [sflag:s3], $0x8000  }
0x24b: {  	[sflag:s3] =	ssyncset.done $0x0  }
0x24c: {  	[sflag:s3] =	ssyncadd.s32 $0xFFFF8000  }
0x24d: {  	_ =	swait.ge [sflag:s3], $0x8000  }
0x24e: {  	[sflag:s3] =	ssyncset.done $0x0  }
0x24f: {  	[sflag:s3] =	ssyncadd.s32 $0xFFFF8000  }
0x250: {  	_ =	swait.ge [sflag:s3], $0x8000  }
0x251: {  	[sflag:s3] =	ssyncset.done $0x0  }
0x252: {  	[sflag:s3] =	ssyncadd.s32 $0xFFFF8000  }
0x253: {  	_ =	swait.ge [sflag:s3], $0x8000  }
0x254: {  	[sflag:s3] =	ssyncset.done $0x0  }
0x255: {  	[sflag:s3] =	ssyncadd.s32 $0xFFFF8000  }
0x256: {  	_ =	sfence.sel $0x180000  }
0x257: {  	[bflag:$0x0] =	sbarrier.arrive $0xFFFF  }
0x258: {  	_ =	strace $0x90000047  }
0x259: {  	s31 =	stileid.u32;
	[bflag:$0x2] =	sbarrier.arrive $0xFFFF  }
0x25a: {  	p0 =	sne.s32 s31, $0x0;
	s0 =	rddreg [dreg:$0x2]  }
0x25b: {  	s0 =	sadd.s32 @!p0 $0x100000, s0  }
0x25c: {  	[sflag:s0] =	ssyncadd.tile.s32 @!p0 $0x1;
	_ =	shalt  }
.LBB2_2:
.Ltmp3:
0x25d: {  	(pc) =	sbr.rel .LBB2_5-.Ltmp3, $2  }
0x25e: {  	_ =	sdelay $0x2  }
0x25f: {  	s31 =	rddreg [dreg:$0x12]  }
.Lfunc_end2:
_tile_overlayer_lowered:
.L_overlay_start_2:
0x260: {  	(tag) =	ssettag $0x2  }
0x261: {  	s0 =	rddreg [dreg:$0x0];
	s2 =	stileid.u32  }
0x262: {  	s1 =	rddreg [dreg:$0x1];
	p0 =	sne.s32 s2, $0x0  }
0x263: {  	s3 =	rddreg [dreg:$0x2];
	[bflag:$0x3] =	sbarrier.arrive $0xFFFF;
	s2 =	simm.s32 @!p0 $0x1C03  }
0x264: {  	[timem:s3], [sflag:s2] =	dma.local @!p0 [hbm:s0], s1  }
0x265: {  	s0 =	simm.s32 @!p0 $0x3  }
0x266: {  	_ =	swait.ge @!p0 [sflag:s0], s1  }
0x267: {  	s1 =	ssub.s32 @!p0 $0x0, s1;
	[sflag:s0] =	ssyncset.done @!p0 $0x0  }
0x268: {  	[sflag:s0] =	ssyncadd.s32 @!p0 s1  }
0x269: {  	[bflag:$0x3] =	sbarrier.arrive $0xFFFF  }
0x26a: {  	_ =	shalt  }

</sc_bundles>
